<compile_context>
chip_gen: v7x
topology: tpu7x:2x2x1
jax: 0.10.2.dev20260603
libtpu: 0.0.44.dev20260713+nightly
codegen_flags: <defaults>
</compile_context>

<pallas_src>
import jax
import jax.numpy as jnp
from jax import lax
from jax.experimental import pallas as pl
from jax.experimental.pallas import tpu as pltpu
from jax.experimental.pallas import tpu_sc as plsc

_D = 32
_W = 128
_K = 10
_L = 16


def _build(batch, seq):
    n = batch * seq
    num_rows = n // _W
    mesh = plsc.VectorSubcoreMesh(core_axis_name="c", subcore_axis_name="s")

    @jax.jit
    def run(table, input_text):
        idx2d = input_text.T.reshape(num_rows, _W)

        @pl.kernel(
            out_type=jax.ShapeDtypeStruct((n, _D), jnp.float32),
            mesh=mesh,
            scratch_types=[pltpu.SemaphoreType.DMA],
            compiler_params=pltpu.CompilerParams(use_tc_tiling_on_sc=False),
        )
        def gather_k(table_hbm, i_hbm, y_hbm, sem):
            def body(i_vmem, y_vmem):
                copies = [
                    pltpu.async_copy(
                        table_hbm.at[i_vmem.at[j]],
                        y_vmem.at[pl.ds(j * _W, _W)],
                        sem,
                    )
                    for j in range(_K)
                ]
                for c in copies:
                    c.wait()

            pltpu.emit_pipeline(
                body,
                grid=(num_rows // _K,),
                in_specs=[pl.BlockSpec((_K, _W), lambda i: (i, 0))],
                out_specs=[pl.BlockSpec((_K * _W, _D), lambda i: (i, 0))],
                core_axis_name=("c", "s"),
                dimension_semantics=(pltpu.PARALLEL,),
            )(i_hbm, y_hbm)

        y = gather_k(table, idx2d).reshape(n * _D)

        @pl.kernel(
            out_type=jax.ShapeDtypeStruct((seq, _D, batch), jnp.float32),
            mesh=mesh,
            compiler_params=pltpu.CompilerParams(
                use_tc_tiling_on_sc=True, needs_layout_passes=False
            ),
        )
        def transpose_k(y_hbm, x_hbm):
            def body(y_vmem, x_vmem):
                iota = lax.iota(jnp.int32, _L)
                zeros = iota * 0
                jvecs = [iota + _L * j2 for j2 in range(_W // _L)]

                @plsc.parallel_loop(0, _L, unroll=4)
                def _(k):
                    perm = (iota + k) & (_L - 1)
                    pre_g = iota * _D + perm
                    for h in range(_D // _L):
                        d_idx = perm + _L * h
                        for j2 in range(_W // _L):
                            g = pre_g + (_L * _D * j2 + _L * h)
                            vals = plsc.load_gather(y_vmem, [g])
                            plsc.store_scatter(
                                x_vmem, [zeros, d_idx, jvecs[j2]], vals
                            )

            pltpu.emit_pipeline(
                body,
                grid=(num_rows,),
                in_specs=[pl.BlockSpec((_W * _D,), lambda i: (i,))],
                out_specs=[
                    pl.BlockSpec(
                        (1, _D, _W),
                        lambda i: (i // (batch // _W), 0, i % (batch // _W)),
                    )
                ],
                core_axis_name=("c", "s"),
                dimension_semantics=(pltpu.PARALLEL,),
            )(y_hbm, x_hbm)

        x = transpose_k(y)
        return jnp.transpose(x, (2, 0, 1))

    return run


def kernel(input_text, embedding_table):
    batch, seq = input_text.shape
    run = _build(batch, seq)
    return run(embedding_table, input_text)

# --- scband reference (transcript-rebuilt; emitter-appended) ---
"""Pipeline reference for scband-character-embedding-6889127542952 (READ-ONLY COPY).

The authoritative reference and input builder live on the scoring server;
editing this copy changes nothing except your own understanding.
"""

import jax, jax.numpy as jnp
import numpy as np

NUM_EMBEDDINGS = 100000
EMBEDDING_DIM = 32
BATCH = 16384
SEQ = 200


def setup_inputs(seed: int = 0) -> dict:
    key = jax.random.key(seed)
    k_idx, k_tab = jax.random.split(key)
    input_text = jax.random.randint(k_idx, (BATCH, SEQ), 0, NUM_EMBEDDINGS, dtype=jnp.int64 if jax.config.jax_enable_x64 else jnp.int32)
    embedding_table = jax.random.normal(k_tab, (NUM_EMBEDDINGS, EMBEDDING_DIM), dtype=jnp.float32)
    return {"input_text": input_text, "embedding_table": embedding_table}


def reference(input_text, embedding_table):
    # nn.Embedding lookup: gather rows of the table by index
    return jnp.take(embedding_table, input_text, axis=0)

if __name__ == "__main__":
    import jax
    _d = setup_inputs()
    print(jax.jit(kernel)(*tuple(_d.values())))

</pallas_src>

<mosaic_0001>
#map = affine_map<(d0, d1) -> (0)>
#map1 = affine_map<(d0, d1) -> (0, 0, 0)>
module attributes {stable_mosaic.version = 14 : i64} {
  func.func @transpose_k(%arg0: i32, %arg1: i32, %arg2: memref<104857600xf32, #tpu.memory_space<hbm>>, %arg3: memref<200x32x16384xf32, #tpu.memory_space<hbm>>) attributes {dimension_semantics = [#tpu.dimension_semantics<core_parallel>, #tpu.dimension_semantics<subcore_parallel>], iteration_bounds = array<i64: 2, 16>, scalar_prefetch = 0 : i64, scratch_operands = 0 : i64, tpu.core_type = #tpu.core_type<sc_vector_subcore>, window_params = [{transform_indices = #map}, {transform_indices = #map1}]} {
    %mul3A = arith.constant 1 : i32
    %mul3A_0 = arith.muli %arg1, %mul3A : i32
    %add3A = arith.constant 0 : i32
    %add3A_1 = arith.addi %add3A, %mul3A_0 : i32
    %mul3A_2 = arith.constant 16 : i32
    %mul3A_3 = arith.muli %arg0, %mul3A_2 : i32
    %add3A_4 = arith.addi %add3A_1, %mul3A_3 : i32
    %mul3A_5 = arith.constant 800 : i32
    %mul3A_6 = arith.muli %add3A_4, %mul3A_5 : i32
    "tpu.region"() ({
      %run_scoped3A = memref.alloca() : memref<8192xf32, #tpu.memory_space<vmem>>
      %run_scoped3A_7 = tpu.sem_alloc : memref<2x!tpu.dma_semaphore, #tpu.memory_space<semaphore_mem>>
      %run_scoped3A_8 = memref.alloca() : memref<2x1x32x128xf32, #tpu.memory_space<vmem>>
      %run_scoped3A_9 = tpu.sem_alloc : memref<2x!tpu.dma_semaphore, #tpu.memory_space<semaphore_mem>>
      %add3A_10 = arith.constant 0 : i32
      %add3A_11 = arith.addi %add3A_10, %mul3A_6 : i32
      %select_n3A = arith.constant true
      %select_n3A_12 = arith.constant 0 : i32
      %select_n3A_13 = arith.constant -1 : i32
      %select_n3A_14 = arith.select %select_n3A, %select_n3A_13, %select_n3A_12 : i32
      %eq3A = arith.constant -1 : i32
      %eq3A_15 = arith.cmpi eq, %select_n3A_14, %eq3A : i32
      %select_n3A_16 = arith.constant 799 : i32
      %select_n3A_17 = arith.select %eq3A_15, %select_n3A_16, %select_n3A_14 : i32
      %add3A_18 = arith.addi %select_n3A_17, %mul3A_6 : i32
      %select_n3A_19 = arith.constant true
      %select_n3A_20 = arith.constant 0 : i32
      %select_n3A_21 = arith.constant 1 : i32
      %select_n3A_22 = arith.select %select_n3A_19, %select_n3A_21, %select_n3A_20 : i32
      %eq3A_23 = arith.constant 800 : i32
      %eq3A_24 = arith.cmpi eq, %select_n3A_22, %eq3A_23 : i32
      %select_n3A_25 = arith.constant 0 : i32
      %select_n3A_26 = arith.select %eq3A_24, %select_n3A_25, %select_n3A_22 : i32
      %add3A_27 = arith.addi %select_n3A_26, %mul3A_6 : i32
      %add3A_28 = arith.constant 1 : i32
      %add3A_29 = arith.addi %select_n3A_26, %add3A_28 : i32
      %select_n3A_30 = arith.constant true
      %select_n3A_31 = arith.select %select_n3A_30, %add3A_29, %select_n3A_26 : i32
      %eq3A_32 = arith.constant 800 : i32
      %eq3A_33 = arith.cmpi eq, %select_n3A_31, %eq3A_32 : i32
      %select_n3A_34 = arith.constant 0 : i32
      %select_n3A_35 = arith.select %eq3A_33, %select_n3A_34, %select_n3A_31 : i32
      %add3A_36 = arith.addi %select_n3A_35, %mul3A_6 : i32
      "tpu.trace_start"() <{level = 10 : i32, message = "ep_initialize_0"}> : () -> ()
      %rem3A = arith.constant 0 : i32
      %rem3A_37 = arith.constant 2 : i32
      %rem3A_38 = arith.remui %rem3A, %rem3A_37 : i32
      %mul3A_39 = arith.constant 4096 : i32
      %mul3A_40 = arith.muli %mul3A_39, %add3A_11 : i32
      %mul3A_41 = arith.constant 4096 : i32
      %mul3A_42 = arith.muli %rem3A_38, %mul3A_41 : i32
      %add3A_43 = arith.constant 0 : i32
      %add3A_44 = arith.addi %mul3A_42, %add3A_43 : i32
      %dma_start3A = tpu.memref_slice %run_scoped3A[%add3A_44] : memref<8192xf32, #tpu.memory_space<vmem>> -> memref<4096xf32, #tpu.memory_space<vmem>>
      %dma_start3A_45 = tpu.memref_slice %arg2[%mul3A_40] : memref<104857600xf32, #tpu.memory_space<hbm>> -> memref<4096xf32, #tpu.memory_space<hbm>>
      %dma_start3A_46 = tpu.memref_slice %run_scoped3A_7[%rem3A_38] : memref<2x!tpu.dma_semaphore, #tpu.memory_space<semaphore_mem>> -> memref<1x!tpu.dma_semaphore, #tpu.memory_space<semaphore_mem>>
      %dma_start3A_47 = tpu.memref_squeeze %dma_start3A_46 : memref<1x!tpu.dma_semaphore, #tpu.memory_space<semaphore_mem>> -> memref<!tpu.dma_semaphore, #tpu.memory_space<semaphore_mem>>
      %dma_start3A_48 = tpu.memref_slice %run_scoped3A[%add3A_44] : memref<8192xf32, #tpu.memory_space<vmem>> -> memref<4096xf32, #tpu.memory_space<vmem>>
      %dma_start3A_49 = tpu.memref_slice %arg2[%mul3A_40] : memref<104857600xf32, #tpu.memory_space<hbm>> -> memref<4096xf32, #tpu.memory_space<hbm>>
      tpu.enqueue_dma source(%dma_start3A_49 : memref<4096xf32, #tpu.memory_space<hbm>>) target(%dma_start3A_48 : memref<4096xf32, #tpu.memory_space<vmem>>) target_semaphore(%dma_start3A_47 : memref<!tpu.dma_semaphore, #tpu.memory_space<semaphore_mem>>)
      %add3A_50 = arith.constant 0 : i32
      %add3A_51 = arith.constant 1 : i32
      %add3A_52 = arith.addi %add3A_50, %add3A_51 : i32
      %select_n3A_53 = arith.constant true
      %select_n3A_54 = arith.constant 0 : i32
      %select_n3A_55 = arith.select %select_n3A_53, %add3A_52, %select_n3A_54 : i32
      "tpu.trace_stop"() : () -> ()
      %scan3A = arith.constant 0 : i32
      %scan3A_56 = arith.constant 0 : i32
      %scan3A_57 = arith.constant 0 : i32
      %scan3A_58 = arith.constant 0 : i32
      %scan3A_59 = arith.constant 0 : i32
      %scan3A_60 = arith.constant 800 : i32
      %scan3A_61 = arith.addi %scan3A_59, %scan3A_60 : i32
      %scan3A_62 = arith.constant 1 : i32
      %scan3A_63:5 = scf.for %scan3A_155 = %scan3A_59 to %scan3A_61 step %scan3A_62 iter_args(%scan3A_156 = %select_n3A_55, %scan3A_157 = %scan3A, %scan3A_158 = %scan3A_56, %scan3A_159 = %scan3A_57, %scan3A_160 = %scan3A_58) -> (i32, i32, i32, i32, i32)  : i32 {
        %eq3A_161 = arith.constant 0 : i32
        %eq3A_162 = arith.cmpi eq, %scan3A_155, %eq3A_161 : i32
        %eq3A_163 = arith.constant 799 : i32
        %eq3A_164 = arith.cmpi eq, %scan3A_155, %eq3A_163 : i32
        %add3A_165 = arith.addi %scan3A_160, %mul3A_6 : i32
        %sub3A_166 = arith.constant 1 : i32
        %sub3A_167 = arith.subi %scan3A_160, %sub3A_166 : i32
        %select_n3A_168 = arith.constant true
        %select_n3A_169 = arith.select %select_n3A_168, %sub3A_167, %scan3A_160 : i32
        %eq3A_170 = arith.constant -1 : i32
        %eq3A_171 = arith.cmpi eq, %select_n3A_169, %eq3A_170 : i32
        %select_n3A_172 = arith.constant 799 : i32
        %select_n3A_173 = arith.select %eq3A_171, %select_n3A_172, %select_n3A_169 : i32
        %add3A_174 = arith.addi %select_n3A_173, %mul3A_6 : i32
        %add3A_175 = arith.constant 1 : i32
        %add3A_176 = arith.addi %scan3A_160, %add3A_175 : i32
        %select_n3A_177 = arith.constant true
        %select_n3A_178 = arith.select %select_n3A_177, %add3A_176, %scan3A_160 : i32
        %eq3A_179 = arith.constant 800 : i32
        %eq3A_180 = arith.cmpi eq, %select_n3A_178, %eq3A_179 : i32
        %select_n3A_181 = arith.constant 0 : i32
        %select_n3A_182 = arith.select %eq3A_180, %select_n3A_181, %select_n3A_178 : i32
        %add3A_183 = arith.addi %select_n3A_182, %mul3A_6 : i32
        %add3A_184 = arith.constant 1 : i32
        %add3A_185 = arith.addi %select_n3A_182, %add3A_184 : i32
        %select_n3A_186 = arith.constant true
        %select_n3A_187 = arith.select %select_n3A_186, %add3A_185, %select_n3A_182 : i32
        %eq3A_188 = arith.constant 800 : i32
        %eq3A_189 = arith.cmpi eq, %select_n3A_187, %eq3A_188 : i32
        %select_n3A_190 = arith.constant 0 : i32
        %select_n3A_191 = arith.select %eq3A_189, %select_n3A_190, %select_n3A_187 : i32
        %add3A_192 = arith.addi %select_n3A_191, %mul3A_6 : i32
        %ne3A_193 = arith.cmpi ne, %add3A_165, %add3A_183 : i32
        %or3A = arith.constant false
        %or3A_194 = arith.ori %or3A, %ne3A_193 : i1
        %ge3A = arith.constant 799 : i32
        %ge3A_195 = arith.cmpi sge, %scan3A_155, %ge3A : i32
        %not3A = arith.constant true
        %not3A_196 = arith.xori %ge3A_195, %not3A : i1
        %and3A_197 = arith.andi %or3A_194, %not3A_196 : i1
        %convert_element_type3A = arith.extui %and3A_197 : i1 to i32
        %cond3A = arith.constant 0 : i32
        %cond3A_198 = arith.cmpi ne, %convert_element_type3A, %cond3A : i32
        scf.if %cond3A_198 {
          "tpu.trace_start"() <{level = 10 : i32, message = "ep_copy_in"}> : () -> ()
          %rem3A_658 = arith.constant 2 : i32
          %rem3A_659 = arith.remui %scan3A_156, %rem3A_658 : i32
          %mul3A_660 = arith.constant 4096 : i32
          %mul3A_661 = arith.muli %mul3A_660, %add3A_183 : i32
          %mul3A_662 = arith.constant 4096 : i32
          %mul3A_663 = arith.muli %rem3A_659, %mul3A_662 : i32
          %add3A_664 = arith.constant 0 : i32
          %add3A_665 = arith.addi %mul3A_663, %add3A_664 : i32
          %dma_start3A_666 = tpu.memref_slice %run_scoped3A[%add3A_665] : memref<8192xf32, #tpu.memory_space<vmem>> -> memref<4096xf32, #tpu.memory_space<vmem>>
          %dma_start3A_667 = tpu.memref_slice %arg2[%mul3A_661] : memref<104857600xf32, #tpu.memory_space<hbm>> -> memref<4096xf32, #tpu.memory_space<hbm>>
          %dma_start3A_668 = tpu.memref_slice %run_scoped3A_7[%rem3A_659] : memref<2x!tpu.dma_semaphore, #tpu.memory_space<semaphore_mem>> -> memref<1x!tpu.dma_semaphore, #tpu.memory_space<semaphore_mem>>
          %dma_start3A_669 = tpu.memref_squeeze %dma_start3A_668 : memref<1x!tpu.dma_semaphore, #tpu.memory_space<semaphore_mem>> -> memref<!tpu.dma_semaphore, #tpu.memory_space<semaphore_mem>>
          %dma_start3A_670 = tpu.memref_slice %run_scoped3A[%add3A_665] : memref<8192xf32, #tpu.memory_space<vmem>> -> memref<4096xf32, #tpu.memory_space<vmem>>
          %dma_start3A_671 = tpu.memref_slice %arg2[%mul3A_661] : memref<104857600xf32, #tpu.memory_space<hbm>> -> memref<4096xf32, #tpu.memory_space<hbm>>
          tpu.enqueue_dma source(%dma_start3A_671 : memref<4096xf32, #tpu.memory_space<hbm>>) target(%dma_start3A_670 : memref<4096xf32, #tpu.memory_space<vmem>>) target_semaphore(%dma_start3A_669 : memref<!tpu.dma_semaphore, #tpu.memory_space<semaphore_mem>>)
          "tpu.trace_stop"() : () -> ()
        } else {
        }
        %and3A_199 = arith.constant true
        %and3A_200 = arith.andi %and3A_197, %and3A_199 : i1
        %add3A_201 = arith.constant 1 : i32
        %add3A_202 = arith.addi %scan3A_156, %add3A_201 : i32
        %select_n3A_203 = arith.select %and3A_200, %add3A_202, %scan3A_156 : i32
        %jit3A_204 = arith.constant 128 : i32
        %div3A_205 = arith.divsi %add3A_165, %jit3A_204 : i32
        %sign3A_206 = arith.constant 0 : i32
        %sign3A_207 = arith.cmpi sgt, %add3A_165, %sign3A_206 : i32
        %sign3A_208 = arith.extui %sign3A_207 : i1 to i32
        %sign3A_209 = arith.constant 0 : i32
        %sign3A_210 = arith.cmpi slt, %add3A_165, %sign3A_209 : i32
        %sign3A_211 = arith.extui %sign3A_210 : i1 to i32
        %sign3A_212 = arith.subi %sign3A_208, %sign3A_211 : i32
        %sign3A_213 = arith.constant 0 : i32
        %sign3A_214 = arith.cmpi sgt, %jit3A_204, %sign3A_213 : i32
        %sign3A_215 = arith.extui %sign3A_214 : i1 to i32
        %sign3A_216 = arith.constant 0 : i32
        %sign3A_217 = arith.cmpi slt, %jit3A_204, %sign3A_216 : i32
        %sign3A_218 = arith.extui %sign3A_217 : i1 to i32
        %sign3A_219 = arith.subi %sign3A_215, %sign3A_218 : i32
        %ne3A_220 = arith.cmpi ne, %sign3A_212, %sign3A_219 : i32
        %rem3A_221 = arith.remsi %add3A_165, %jit3A_204 : i32
        %ne3A_222 = arith.constant 0 : i32
        %ne3A_223 = arith.cmpi ne, %rem3A_221, %ne3A_222 : i32
        %and3A_224 = arith.andi %ne3A_220, %ne3A_223 : i1
        %sub3A_225 = arith.constant 1 : i32
        %sub3A_226 = arith.subi %div3A_205, %sub3A_225 : i32
        %select_n3A_227 = arith.select %and3A_224, %sub3A_226, %div3A_205 : i32
        %jit3A_228 = arith.constant 128 : i32
        %eq3A_229 = arith.constant 0 : i32
        %eq3A_230 = arith.cmpi eq, %jit3A_228, %eq3A_229 : i32
        %jit3A_231 = arith.constant 1 : i32
        %select_n3A_232 = arith.select %eq3A_230, %jit3A_231, %jit3A_228 : i32
        %rem3A_233 = arith.remsi %add3A_165, %select_n3A_232 : i32
        %ne3A_234 = arith.constant 0 : i32
        %ne3A_235 = arith.cmpi ne, %rem3A_233, %ne3A_234 : i32
        %lt3A_236 = arith.constant 0 : i32
        %lt3A_237 = arith.cmpi slt, %rem3A_233, %lt3A_236 : i32
        %lt3A_238 = arith.constant 0 : i32
        %lt3A_239 = arith.cmpi slt, %select_n3A_232, %lt3A_238 : i32
        %ne3A_240 = arith.xori %lt3A_237, %lt3A_239 : i1
        %and3A_241 = arith.andi %ne3A_240, %ne3A_235 : i1
        %add3A_242 = arith.addi %rem3A_233, %select_n3A_232 : i32
        %select_n3A_243 = arith.select %and3A_241, %add3A_242, %rem3A_233 : i32
        %jit3A_244 = arith.constant 128 : i32
        %div3A_245 = arith.divsi %add3A_183, %jit3A_244 : i32
        %sign3A_246 = arith.constant 0 : i32
        %sign3A_247 = arith.cmpi sgt, %add3A_183, %sign3A_246 : i32
        %sign3A_248 = arith.extui %sign3A_247 : i1 to i32
        %sign3A_249 = arith.constant 0 : i32
        %sign3A_250 = arith.cmpi slt, %add3A_183, %sign3A_249 : i32
        %sign3A_251 = arith.extui %sign3A_250 : i1 to i32
        %sign3A_252 = arith.subi %sign3A_248, %sign3A_251 : i32
        %sign3A_253 = arith.constant 0 : i32
        %sign3A_254 = arith.cmpi sgt, %jit3A_244, %sign3A_253 : i32
        %sign3A_255 = arith.extui %sign3A_254 : i1 to i32
        %sign3A_256 = arith.constant 0 : i32
        %sign3A_257 = arith.cmpi slt, %jit3A_244, %sign3A_256 : i32
        %sign3A_258 = arith.extui %sign3A_257 : i1 to i32
        %sign3A_259 = arith.subi %sign3A_255, %sign3A_258 : i32
        %ne3A_260 = arith.cmpi ne, %sign3A_252, %sign3A_259 : i32
        %rem3A_261 = arith.remsi %add3A_183, %jit3A_244 : i32
        %ne3A_262 = arith.constant 0 : i32
        %ne3A_263 = arith.cmpi ne, %rem3A_261, %ne3A_262 : i32
        %and3A_264 = arith.andi %ne3A_260, %ne3A_263 : i1
        %sub3A_265 = arith.constant 1 : i32
        %sub3A_266 = arith.subi %div3A_245, %sub3A_265 : i32
        %select_n3A_267 = arith.select %and3A_264, %sub3A_266, %div3A_245 : i32
        %jit3A_268 = arith.constant 128 : i32
        %eq3A_269 = arith.constant 0 : i32
        %eq3A_270 = arith.cmpi eq, %jit3A_268, %eq3A_269 : i32
        %jit3A_271 = arith.constant 1 : i32
        %select_n3A_272 = arith.select %eq3A_270, %jit3A_271, %jit3A_268 : i32
        %rem3A_273 = arith.remsi %add3A_183, %select_n3A_272 : i32
        %ne3A_274 = arith.constant 0 : i32
        %ne3A_275 = arith.cmpi ne, %rem3A_273, %ne3A_274 : i32
        %lt3A_276 = arith.constant 0 : i32
        %lt3A_277 = arith.cmpi slt, %rem3A_273, %lt3A_276 : i32
        %lt3A_278 = arith.constant 0 : i32
        %lt3A_279 = arith.cmpi slt, %select_n3A_272, %lt3A_278 : i32
        %ne3A_280 = arith.xori %lt3A_277, %lt3A_279 : i1
        %and3A_281 = arith.andi %ne3A_280, %ne3A_275 : i1
        %add3A_282 = arith.addi %rem3A_273, %select_n3A_272 : i32
        %select_n3A_283 = arith.select %and3A_281, %add3A_282, %rem3A_273 : i32
        %ne3A_284 = arith.cmpi ne, %select_n3A_227, %select_n3A_267 : i32
        %ne3A_285 = arith.cmpi ne, %select_n3A_243, %select_n3A_283 : i32
        %or3A_286 = arith.constant false
        %or3A_287 = arith.ori %or3A_286, %ne3A_284 : i1
        %or3A_288 = arith.constant false
        %or3A_289 = arith.ori %or3A_287, %or3A_288 : i1
        %or3A_290 = arith.ori %or3A_289, %ne3A_285 : i1
        %ge3A_291 = arith.constant 799 : i32
        %ge3A_292 = arith.cmpi sge, %scan3A_155, %ge3A_291 : i32
        %not3A_293 = arith.constant true
        %not3A_294 = arith.xori %ge3A_292, %not3A_293 : i1
        %and3A_295 = arith.andi %or3A_290, %not3A_294 : i1
        %ne3A_296 = arith.cmpi ne, %add3A_165, %add3A_174 : i32
        %or3A_297 = arith.constant false
        %or3A_298 = arith.ori %or3A_297, %ne3A_296 : i1
        %or3A_299 = arith.ori %or3A_298, %eq3A_162 : i1
        %convert_element_type3A_300 = arith.extui %or3A_299 : i1 to i32
        %cond3A_301 = arith.constant 0 : i32
        %cond3A_302 = arith.cmpi ne, %convert_element_type3A_300, %cond3A_301 : i32
        scf.if %cond3A_302 {
          "tpu.trace_start"() <{level = 10 : i32, message = "ep_wait_in"}> : () -> ()
          %mul3A_658 = arith.constant 4096 : i32
          %mul3A_659 = arith.muli %mul3A_658, %add3A_165 : i32
          %rem3A_660 = arith.constant 2 : i32
          %rem3A_661 = arith.remui %scan3A_157, %rem3A_660 : i32
          %mul3A_662 = arith.constant 4096 : i32
          %mul3A_663 = arith.muli %rem3A_661, %mul3A_662 : i32
          %add3A_664 = arith.constant 0 : i32
          %add3A_665 = arith.addi %mul3A_663, %add3A_664 : i32
          %dma_wait3A_666 = tpu.memref_slice %run_scoped3A[%add3A_665] : memref<8192xf32, #tpu.memory_space<vmem>> -> memref<4096xf32, #tpu.memory_space<vmem>>
          %dma_wait3A_667 = tpu.memref_slice %arg2[%mul3A_659] : memref<104857600xf32, #tpu.memory_space<hbm>> -> memref<4096xf32, #tpu.memory_space<hbm>>
          %dma_wait3A_668 = tpu.memref_slice %run_scoped3A_7[%rem3A_661] : memref<2x!tpu.dma_semaphore, #tpu.memory_space<semaphore_mem>> -> memref<1x!tpu.dma_semaphore, #tpu.memory_space<semaphore_mem>>
          %dma_wait3A_669 = tpu.memref_squeeze %dma_wait3A_668 : memref<1x!tpu.dma_semaphore, #tpu.memory_space<semaphore_mem>> -> memref<!tpu.dma_semaphore, #tpu.memory_space<semaphore_mem>>
          %dma_wait3A_670 = tpu.memref_slice %run_scoped3A[%add3A_665] : memref<8192xf32, #tpu.memory_space<vmem>> -> memref<4096xf32, #tpu.memory_space<vmem>>
          %dma_wait3A_671 = tpu.memref_slice %arg2[%mul3A_659] : memref<104857600xf32, #tpu.memory_space<hbm>> -> memref<4096xf32, #tpu.memory_space<hbm>>
          tpu.wait_dma2 semaphore(%dma_wait3A_669 : memref<!tpu.dma_semaphore, #tpu.memory_space<semaphore_mem>>) src(%dma_wait3A_671 : memref<4096xf32, #tpu.memory_space<hbm>>) dst(%dma_wait3A_670 : memref<4096xf32, #tpu.memory_space<vmem>>)
          "tpu.trace_stop"() : () -> ()
        } else {
        }
        %jit3A_303 = arith.constant 128 : i32
        %div3A_304 = arith.divsi %add3A_165, %jit3A_303 : i32
        %sign3A_305 = arith.constant 0 : i32
        %sign3A_306 = arith.cmpi sgt, %add3A_165, %sign3A_305 : i32
        %sign3A_307 = arith.extui %sign3A_306 : i1 to i32
        %sign3A_308 = arith.constant 0 : i32
        %sign3A_309 = arith.cmpi slt, %add3A_165, %sign3A_308 : i32
        %sign3A_310 = arith.extui %sign3A_309 : i1 to i32
        %sign3A_311 = arith.subi %sign3A_307, %sign3A_310 : i32
        %sign3A_312 = arith.constant 0 : i32
        %sign3A_313 = arith.cmpi sgt, %jit3A_303, %sign3A_312 : i32
        %sign3A_314 = arith.extui %sign3A_313 : i1 to i32
        %sign3A_315 = arith.constant 0 : i32
        %sign3A_316 = arith.cmpi slt, %jit3A_303, %sign3A_315 : i32
        %sign3A_317 = arith.extui %sign3A_316 : i1 to i32
        %sign3A_318 = arith.subi %sign3A_314, %sign3A_317 : i32
        %ne3A_319 = arith.cmpi ne, %sign3A_311, %sign3A_318 : i32
        %rem3A_320 = arith.remsi %add3A_165, %jit3A_303 : i32
        %ne3A_321 = arith.constant 0 : i32
        %ne3A_322 = arith.cmpi ne, %rem3A_320, %ne3A_321 : i32
        %and3A_323 = arith.andi %ne3A_319, %ne3A_322 : i1
        %sub3A_324 = arith.constant 1 : i32
        %sub3A_325 = arith.subi %div3A_304, %sub3A_324 : i32
        %select_n3A_326 = arith.select %and3A_323, %sub3A_325, %div3A_304 : i32
        %jit3A_327 = arith.constant 128 : i32
        %eq3A_328 = arith.constant 0 : i32
        %eq3A_329 = arith.cmpi eq, %jit3A_327, %eq3A_328 : i32
        %jit3A_330 = arith.constant 1 : i32
        %select_n3A_331 = arith.select %eq3A_329, %jit3A_330, %jit3A_327 : i32
        %rem3A_332 = arith.remsi %add3A_165, %select_n3A_331 : i32
        %ne3A_333 = arith.constant 0 : i32
        %ne3A_334 = arith.cmpi ne, %rem3A_332, %ne3A_333 : i32
        %lt3A_335 = arith.constant 0 : i32
        %lt3A_336 = arith.cmpi slt, %rem3A_332, %lt3A_335 : i32
        %lt3A_337 = arith.constant 0 : i32
        %lt3A_338 = arith.cmpi slt, %select_n3A_331, %lt3A_337 : i32
        %ne3A_339 = arith.xori %lt3A_336, %lt3A_338 : i1
        %and3A_340 = arith.andi %ne3A_339, %ne3A_334 : i1
        %add3A_341 = arith.addi %rem3A_332, %select_n3A_331 : i32
        %select_n3A_342 = arith.select %and3A_340, %add3A_341, %rem3A_332 : i32
        %jit3A_343 = arith.constant 128 : i32
        %div3A_344 = arith.divsi %add3A_174, %jit3A_343 : i32
        %sign3A_345 = arith.constant 0 : i32
        %sign3A_346 = arith.cmpi sgt, %add3A_174, %sign3A_345 : i32
        %sign3A_347 = arith.extui %sign3A_346 : i1 to i32
        %sign3A_348 = arith.constant 0 : i32
        %sign3A_349 = arith.cmpi slt, %add3A_174, %sign3A_348 : i32
        %sign3A_350 = arith.extui %sign3A_349 : i1 to i32
        %sign3A_351 = arith.subi %sign3A_347, %sign3A_350 : i32
        %sign3A_352 = arith.constant 0 : i32
        %sign3A_353 = arith.cmpi sgt, %jit3A_343, %sign3A_352 : i32
        %sign3A_354 = arith.extui %sign3A_353 : i1 to i32
        %sign3A_355 = arith.constant 0 : i32
        %sign3A_356 = arith.cmpi slt, %jit3A_343, %sign3A_355 : i32
        %sign3A_357 = arith.extui %sign3A_356 : i1 to i32
        %sign3A_358 = arith.subi %sign3A_354, %sign3A_357 : i32
        %ne3A_359 = arith.cmpi ne, %sign3A_351, %sign3A_358 : i32
        %rem3A_360 = arith.remsi %add3A_174, %jit3A_343 : i32
        %ne3A_361 = arith.constant 0 : i32
        %ne3A_362 = arith.cmpi ne, %rem3A_360, %ne3A_361 : i32
        %and3A_363 = arith.andi %ne3A_359, %ne3A_362 : i1
        %sub3A_364 = arith.constant 1 : i32
        %sub3A_365 = arith.subi %div3A_344, %sub3A_364 : i32
        %select_n3A_366 = arith.select %and3A_363, %sub3A_365, %div3A_344 : i32
        %jit3A_367 = arith.constant 128 : i32
        %eq3A_368 = arith.constant 0 : i32
        %eq3A_369 = arith.cmpi eq, %jit3A_367, %eq3A_368 : i32
        %jit3A_370 = arith.constant 1 : i32
        %select_n3A_371 = arith.select %eq3A_369, %jit3A_370, %jit3A_367 : i32
        %rem3A_372 = arith.remsi %add3A_174, %select_n3A_371 : i32
        %ne3A_373 = arith.constant 0 : i32
        %ne3A_374 = arith.cmpi ne, %rem3A_372, %ne3A_373 : i32
        %lt3A_375 = arith.constant 0 : i32
        %lt3A_376 = arith.cmpi slt, %rem3A_372, %lt3A_375 : i32
        %lt3A_377 = arith.constant 0 : i32
        %lt3A_378 = arith.cmpi slt, %select_n3A_371, %lt3A_377 : i32
        %ne3A_379 = arith.xori %lt3A_376, %lt3A_378 : i1
        %and3A_380 = arith.andi %ne3A_379, %ne3A_374 : i1
        %add3A_381 = arith.addi %rem3A_372, %select_n3A_371 : i32
        %select_n3A_382 = arith.select %and3A_380, %add3A_381, %rem3A_372 : i32
        %ne3A_383 = arith.cmpi ne, %select_n3A_326, %select_n3A_366 : i32
        %ne3A_384 = arith.cmpi ne, %select_n3A_342, %select_n3A_382 : i32
        %or3A_385 = arith.constant false
        %or3A_386 = arith.ori %or3A_385, %ne3A_383 : i1
        %or3A_387 = arith.constant false
        %or3A_388 = arith.ori %or3A_386, %or3A_387 : i1
        %or3A_389 = arith.ori %or3A_388, %ne3A_384 : i1
        %or3A_390 = arith.ori %or3A_389, %eq3A_162 : i1
        %convert_element_type3A_391 = arith.extui %or3A_390 : i1 to i32
        %cond3A_392 = arith.constant 0 : i32
        %cond3A_393 = arith.cmpi ne, %convert_element_type3A_391, %cond3A_392 : i32
        scf.if %cond3A_393 {
        } else {
        }
        %rem3A_394 = arith.constant 2 : i32
        %rem3A_395 = arith.remui %scan3A_157, %rem3A_394 : i32
        %mul3A_396 = arith.constant 4096 : i32
        %mul3A_397 = arith.muli %rem3A_395, %mul3A_396 : i32
        %rem3A_398 = arith.constant 2 : i32
        %rem3A_399 = arith.remui %scan3A_158, %rem3A_398 : i32
        "tpu.trace_start"() <{level = 10 : i32, message = "ep_run_kernel"}> : () -> ()
        %iota3A = tpu.iota {dimensions = array<i32: 0>} : vector<16xi32>
        %mul3A_400 = arith.constant 0 : i32
        %mul3A_401 = vector.broadcast %mul3A_400 : i32 to vector<16xi32>
        %mul3A_402 = arith.muli %iota3A, %mul3A_401 : vector<16xi32>
        %add3A_403 = arith.constant 0 : i32
        %add3A_404 = vector.broadcast %add3A_403 : i32 to vector<16xi32>
        %add3A_405 = arith.addi %iota3A, %add3A_404 : vector<16xi32>
        %add3A_406 = arith.constant 16 : i32
        %add3A_407 = vector.broadcast %add3A_406 : i32 to vector<16xi32>
        %add3A_408 = arith.addi %iota3A, %add3A_407 : vector<16xi32>
        %add3A_409 = arith.constant 32 : i32
        %add3A_410 = vector.broadcast %add3A_409 : i32 to vector<16xi32>
        %add3A_411 = arith.addi %iota3A, %add3A_410 : vector<16xi32>
        %add3A_412 = arith.constant 48 : i32
        %add3A_413 = vector.broadcast %add3A_412 : i32 to vector<16xi32>
        %add3A_414 = arith.addi %iota3A, %add3A_413 : vector<16xi32>
        %add3A_415 = arith.constant 64 : i32
        %add3A_416 = vector.broadcast %add3A_415 : i32 to vector<16xi32>
        %add3A_417 = arith.addi %iota3A, %add3A_416 : vector<16xi32>
        %add3A_418 = arith.constant 80 : i32
        %add3A_419 = vector.broadcast %add3A_418 : i32 to vector<16xi32>
        %add3A_420 = arith.addi %iota3A, %add3A_419 : vector<16xi32>
        %add3A_421 = arith.constant 96 : i32
        %add3A_422 = vector.broadcast %add3A_421 : i32 to vector<16xi32>
        %add3A_423 = arith.addi %iota3A, %add3A_422 : vector<16xi32>
        %add3A_424 = arith.constant 112 : i32
        %add3A_425 = vector.broadcast %add3A_424 : i32 to vector<16xi32>
        %add3A_426 = arith.addi %iota3A, %add3A_425 : vector<16xi32>
        %parallel_loop3A = arith.constant 0 : i32
        %parallel_loop3A_427 = arith.constant 16 : i32
        %parallel_loop3A_428 = arith.constant 1 : i32
        scf.for %parallel_loop3A_658 = %parallel_loop3A to %parallel_loop3A_427 step %parallel_loop3A_428  : i32 {
          %parallel_loop3A_659 = vector.broadcast %parallel_loop3A_658 : i32 to vector<16xi32>
          %parallel_loop3A_660 = arith.addi %iota3A, %parallel_loop3A_659 : vector<16xi32>
          %parallel_loop3A_661 = arith.constant 15 : i32
          %parallel_loop3A_662 = vector.broadcast %parallel_loop3A_661 : i32 to vector<16xi32>
          %parallel_loop3A_663 = arith.andi %parallel_loop3A_660, %parallel_loop3A_662 : vector<16xi32>
          %parallel_loop3A_664 = arith.constant 32 : i32
          %parallel_loop3A_665 = vector.broadcast %parallel_loop3A_664 : i32 to vector<16xi32>
          %parallel_loop3A_666 = arith.muli %iota3A, %parallel_loop3A_665 : vector<16xi32>
          %parallel_loop3A_667 = arith.addi %parallel_loop3A_666, %parallel_loop3A_663 : vector<16xi32>
          %parallel_loop3A_668 = arith.constant 0 : i32
          %parallel_loop3A_669 = vector.broadcast %parallel_loop3A_668 : i32 to vector<16xi32>
          %parallel_loop3A_670 = arith.addi %parallel_loop3A_663, %parallel_loop3A_669 : vector<16xi32>
          %parallel_loop3A_671 = arith.constant 0 : i32
          %parallel_loop3A_672 = vector.broadcast %parallel_loop3A_671 : i32 to vector<16xi32>
          %parallel_loop3A_673 = arith.addi %parallel_loop3A_667, %parallel_loop3A_672 : vector<16xi32>
          %parallel_loop3A_674 = tpu.memref_slice %run_scoped3A[%mul3A_397] : memref<8192xf32, #tpu.memory_space<vmem>> -> memref<4096xf32, #tpu.memory_space<vmem>>
          %parallel_loop3A_675 = tpu.vector_load_idx %parallel_loop3A_674[%parallel_loop3A_673] : memref<4096xf32, #tpu.memory_space<vmem>>[vector<16xi32>], vector<16xf32>,
          %parallel_loop3A_676 = arith.constant 0 : i32
          %parallel_loop3A_677 = arith.constant 0 : i32
          %parallel_loop3A_678 = arith.constant 0 : i32
          %parallel_loop3A_679 = tpu.memref_slice %run_scoped3A_8[%rem3A_399, %parallel_loop3A_676, %parallel_loop3A_677, %parallel_loop3A_678] : memref<2x1x32x128xf32, #tpu.memory_space<vmem>> -> memref<1x1x32x128xf32, #tpu.memory_space<vmem>>
          %parallel_loop3A_680 = tpu.memref_squeeze %parallel_loop3A_679 : memref<1x1x32x128xf32, #tpu.memory_space<vmem>> -> memref<1x32x128xf32, #tpu.memory_space<vmem>>
          tpu.vector_store_idx %parallel_loop3A_680[%mul3A_402, %parallel_loop3A_670, %add3A_405], %parallel_loop3A_675 : memref<1x32x128xf32, #tpu.memory_space<vmem>>[vector<16xi32>, vector<16xi32>, vector<16xi32>], vector<16xf32>,
          %parallel_loop3A_681 = arith.constant 512 : i32
          %parallel_loop3A_682 = vector.broadcast %parallel_loop3A_681 : i32 to vector<16xi32>
          %parallel_loop3A_683 = arith.addi %parallel_loop3A_667, %parallel_loop3A_682 : vector<16xi32>
          %parallel_loop3A_684 = tpu.memref_slice %run_scoped3A[%mul3A_397] : memref<8192xf32, #tpu.memory_space<vmem>> -> memref<4096xf32, #tpu.memory_space<vmem>>
          %parallel_loop3A_685 = tpu.vector_load_idx %parallel_loop3A_684[%parallel_loop3A_683] : memref<4096xf32, #tpu.memory_space<vmem>>[vector<16xi32>], vector<16xf32>,
          %parallel_loop3A_686 = arith.constant 0 : i32
          %parallel_loop3A_687 = arith.constant 0 : i32
          %parallel_loop3A_688 = arith.constant 0 : i32
          %parallel_loop3A_689 = tpu.memref_slice %run_scoped3A_8[%rem3A_399, %parallel_loop3A_686, %parallel_loop3A_687, %parallel_loop3A_688] : memref<2x1x32x128xf32, #tpu.memory_space<vmem>> -> memref<1x1x32x128xf32, #tpu.memory_space<vmem>>
          %parallel_loop3A_690 = tpu.memref_squeeze %parallel_loop3A_689 : memref<1x1x32x128xf32, #tpu.memory_space<vmem>> -> memref<1x32x128xf32, #tpu.memory_space<vmem>>
          tpu.vector_store_idx %parallel_loop3A_690[%mul3A_402, %parallel_loop3A_670, %add3A_408], %parallel_loop3A_685 : memref<1x32x128xf32, #tpu.memory_space<vmem>>[vector<16xi32>, vector<16xi32>, vector<16xi32>], vector<16xf32>,
          %parallel_loop3A_691 = arith.constant 1024 : i32
          %parallel_loop3A_692 = vector.broadcast %parallel_loop3A_691 : i32 to vector<16xi32>
          %parallel_loop3A_693 = arith.addi %parallel_loop3A_667, %parallel_loop3A_692 : vector<16xi32>
          %parallel_loop3A_694 = tpu.memref_slice %run_scoped3A[%mul3A_397] : memref<8192xf32, #tpu.memory_space<vmem>> -> memref<4096xf32, #tpu.memory_space<vmem>>
          %parallel_loop3A_695 = tpu.vector_load_idx %parallel_loop3A_694[%parallel_loop3A_693] : memref<4096xf32, #tpu.memory_space<vmem>>[vector<16xi32>], vector<16xf32>,
          %parallel_loop3A_696 = arith.constant 0 : i32
          %parallel_loop3A_697 = arith.constant 0 : i32
          %parallel_loop3A_698 = arith.constant 0 : i32
          %parallel_loop3A_699 = tpu.memref_slice %run_scoped3A_8[%rem3A_399, %parallel_loop3A_696, %parallel_loop3A_697, %parallel_loop3A_698] : memref<2x1x32x128xf32, #tpu.memory_space<vmem>> -> memref<1x1x32x128xf32, #tpu.memory_space<vmem>>
          %parallel_loop3A_700 = tpu.memref_squeeze %parallel_loop3A_699 : memref<1x1x32x128xf32, #tpu.memory_space<vmem>> -> memref<1x32x128xf32, #tpu.memory_space<vmem>>
          tpu.vector_store_idx %parallel_loop3A_700[%mul3A_402, %parallel_loop3A_670, %add3A_411], %parallel_loop3A_695 : memref<1x32x128xf32, #tpu.memory_space<vmem>>[vector<16xi32>, vector<16xi32>, vector<16xi32>], vector<16xf32>,
          %parallel_loop3A_701 = arith.constant 1536 : i32
          %parallel_loop3A_702 = vector.broadcast %parallel_loop3A_701 : i32 to vector<16xi32>
          %parallel_loop3A_703 = arith.addi %parallel_loop3A_667, %parallel_loop3A_702 : vector<16xi32>
          %parallel_loop3A_704 = tpu.memref_slice %run_scoped3A[%mul3A_397] : memref<8192xf32, #tpu.memory_space<vmem>> -> memref<4096xf32, #tpu.memory_space<vmem>>
          %parallel_loop3A_705 = tpu.vector_load_idx %parallel_loop3A_704[%parallel_loop3A_703] : memref<4096xf32, #tpu.memory_space<vmem>>[vector<16xi32>], vector<16xf32>,
          %parallel_loop3A_706 = arith.constant 0 : i32
          %parallel_loop3A_707 = arith.constant 0 : i32
          %parallel_loop3A_708 = arith.constant 0 : i32
          %parallel_loop3A_709 = tpu.memref_slice %run_scoped3A_8[%rem3A_399, %parallel_loop3A_706, %parallel_loop3A_707, %parallel_loop3A_708] : memref<2x1x32x128xf32, #tpu.memory_space<vmem>> -> memref<1x1x32x128xf32, #tpu.memory_space<vmem>>
          %parallel_loop3A_710 = tpu.memref_squeeze %parallel_loop3A_709 : memref<1x1x32x128xf32, #tpu.memory_space<vmem>> -> memref<1x32x128xf32, #tpu.memory_space<vmem>>
          tpu.vector_store_idx %parallel_loop3A_710[%mul3A_402, %parallel_loop3A_670, %add3A_414], %parallel_loop3A_705 : memref<1x32x128xf32, #tpu.memory_space<vmem>>[vector<16xi32>, vector<16xi32>, vector<16xi32>], vector<16xf32>,
          %parallel_loop3A_711 = arith.constant 2048 : i32
          %parallel_loop3A_712 = vector.broadcast %parallel_loop3A_711 : i32 to vector<16xi32>
          %parallel_loop3A_713 = arith.addi %parallel_loop3A_667, %parallel_loop3A_712 : vector<16xi32>
          %parallel_loop3A_714 = tpu.memref_slice %run_scoped3A[%mul3A_397] : memref<8192xf32, #tpu.memory_space<vmem>> -> memref<4096xf32, #tpu.memory_space<vmem>>
          %parallel_loop3A_715 = tpu.vector_load_idx %parallel_loop3A_714[%parallel_loop3A_713] : memref<4096xf32, #tpu.memory_space<vmem>>[vector<16xi32>], vector<16xf32>,
          %parallel_loop3A_716 = arith.constant 0 : i32
          %parallel_loop3A_717 = arith.constant 0 : i32
          %parallel_loop3A_718 = arith.constant 0 : i32
          %parallel_loop3A_719 = tpu.memref_slice %run_scoped3A_8[%rem3A_399, %parallel_loop3A_716, %parallel_loop3A_717, %parallel_loop3A_718] : memref<2x1x32x128xf32, #tpu.memory_space<vmem>> -> memref<1x1x32x128xf32, #tpu.memory_space<vmem>>
          %parallel_loop3A_720 = tpu.memref_squeeze %parallel_loop3A_719 : memref<1x1x32x128xf32, #tpu.memory_space<vmem>> -> memref<1x32x128xf32, #tpu.memory_space<vmem>>
          tpu.vector_store_idx %parallel_loop3A_720[%mul3A_402, %parallel_loop3A_670, %add3A_417], %parallel_loop3A_715 : memref<1x32x128xf32, #tpu.memory_space<vmem>>[vector<16xi32>, vector<16xi32>, vector<16xi32>], vector<16xf32>,
          %parallel_loop3A_721 = arith.constant 2560 : i32
          %parallel_loop3A_722 = vector.broadcast %parallel_loop3A_721 : i32 to vector<16xi32>
          %parallel_loop3A_723 = arith.addi %parallel_loop3A_667, %parallel_loop3A_722 : vector<16xi32>
          %parallel_loop3A_724 = tpu.memref_slice %run_scoped3A[%mul3A_397] : memref<8192xf32, #tpu.memory_space<vmem>> -> memref<4096xf32, #tpu.memory_space<vmem>>
          %parallel_loop3A_725 = tpu.vector_load_idx %parallel_loop3A_724[%parallel_loop3A_723] : memref<4096xf32, #tpu.memory_space<vmem>>[vector<16xi32>], vector<16xf32>,
          %parallel_loop3A_726 = arith.constant 0 : i32
          %parallel_loop3A_727 = arith.constant 0 : i32
          %parallel_loop3A_728 = arith.constant 0 : i32
          %parallel_loop3A_729 = tpu.memref_slice %run_scoped3A_8[%rem3A_399, %parallel_loop3A_726, %parallel_loop3A_727, %parallel_loop3A_728] : memref<2x1x32x128xf32, #tpu.memory_space<vmem>> -> memref<1x1x32x128xf32, #tpu.memory_space<vmem>>
          %parallel_loop3A_730 = tpu.memref_squeeze %parallel_loop3A_729 : memref<1x1x32x128xf32, #tpu.memory_space<vmem>> -> memref<1x32x128xf32, #tpu.memory_space<vmem>>
          tpu.vector_store_idx %parallel_loop3A_730[%mul3A_402, %parallel_loop3A_670, %add3A_420], %parallel_loop3A_725 : memref<1x32x128xf32, #tpu.memory_space<vmem>>[vector<16xi32>, vector<16xi32>, vector<16xi32>], vector<16xf32>,
          %parallel_loop3A_731 = arith.constant 3072 : i32
          %parallel_loop3A_732 = vector.broadcast %parallel_loop3A_731 : i32 to vector<16xi32>
          %parallel_loop3A_733 = arith.addi %parallel_loop3A_667, %parallel_loop3A_732 : vector<16xi32>
          %parallel_loop3A_734 = tpu.memref_slice %run_scoped3A[%mul3A_397] : memref<8192xf32, #tpu.memory_space<vmem>> -> memref<4096xf32, #tpu.memory_space<vmem>>
          %parallel_loop3A_735 = tpu.vector_load_idx %parallel_loop3A_734[%parallel_loop3A_733] : memref<4096xf32, #tpu.memory_space<vmem>>[vector<16xi32>], vector<16xf32>,
          %parallel_loop3A_736 = arith.constant 0 : i32
          %parallel_loop3A_737 = arith.constant 0 : i32
          %parallel_loop3A_738 = arith.constant 0 : i32
          %parallel_loop3A_739 = tpu.memref_slice %run_scoped3A_8[%rem3A_399, %parallel_loop3A_736, %parallel_loop3A_737, %parallel_loop3A_738] : memref<2x1x32x128xf32, #tpu.memory_space<vmem>> -> memref<1x1x32x128xf32, #tpu.memory_space<vmem>>
          %parallel_loop3A_740 = tpu.memref_squeeze %parallel_loop3A_739 : memref<1x1x32x128xf32, #tpu.memory_space<vmem>> -> memref<1x32x128xf32, #tpu.memory_space<vmem>>
          tpu.vector_store_idx %parallel_loop3A_740[%mul3A_402, %parallel_loop3A_670, %add3A_423], %parallel_loop3A_735 : memref<1x32x128xf32, #tpu.memory_space<vmem>>[vector<16xi32>, vector<16xi32>, vector<16xi32>], vector<16xf32>,
          %parallel_loop3A_741 = arith.constant 3584 : i32
          %parallel_loop3A_742 = vector.broadcast %parallel_loop3A_741 : i32 to vector<16xi32>
          %parallel_loop3A_743 = arith.addi %parallel_loop3A_667, %parallel_loop3A_742 : vector<16xi32>
          %parallel_loop3A_744 = tpu.memref_slice %run_scoped3A[%mul3A_397] : memref<8192xf32, #tpu.memory_space<vmem>> -> memref<4096xf32, #tpu.memory_space<vmem>>
          %parallel_loop3A_745 = tpu.vector_load_idx %parallel_loop3A_744[%parallel_loop3A_743] : memref<4096xf32, #tpu.memory_space<vmem>>[vector<16xi32>], vector<16xf32>,
          %parallel_loop3A_746 = arith.constant 0 : i32
          %parallel_loop3A_747 = arith.constant 0 : i32
          %parallel_loop3A_748 = arith.constant 0 : i32
          %parallel_loop3A_749 = tpu.memref_slice %run_scoped3A_8[%rem3A_399, %parallel_loop3A_746, %parallel_loop3A_747, %parallel_loop3A_748] : memref<2x1x32x128xf32, #tpu.memory_space<vmem>> -> memref<1x1x32x128xf32, #tpu.memory_space<vmem>>
          %parallel_loop3A_750 = tpu.memref_squeeze %parallel_loop3A_749 : memref<1x1x32x128xf32, #tpu.memory_space<vmem>> -> memref<1x32x128xf32, #tpu.memory_space<vmem>>
          tpu.vector_store_idx %parallel_loop3A_750[%mul3A_402, %parallel_loop3A_670, %add3A_426], %parallel_loop3A_745 : memref<1x32x128xf32, #tpu.memory_space<vmem>>[vector<16xi32>, vector<16xi32>, vector<16xi32>], vector<16xf32>,
          %parallel_loop3A_751 = arith.constant 16 : i32
          %parallel_loop3A_752 = vector.broadcast %parallel_loop3A_751 : i32 to vector<16xi32>
          %parallel_loop3A_753 = arith.addi %parallel_loop3A_663, %parallel_loop3A_752 : vector<16xi32>
          %parallel_loop3A_754 = arith.constant 16 : i32
          %parallel_loop3A_755 = vector.broadcast %parallel_loop3A_754 : i32 to vector<16xi32>
          %parallel_loop3A_756 = arith.addi %parallel_loop3A_667, %parallel_loop3A_755 : vector<16xi32>
          %parallel_loop3A_757 = tpu.memref_slice %run_scoped3A[%mul3A_397] : memref<8192xf32, #tpu.memory_space<vmem>> -> memref<4096xf32, #tpu.memory_space<vmem>>
          %parallel_loop3A_758 = tpu.vector_load_idx %parallel_loop3A_757[%parallel_loop3A_756] : memref<4096xf32, #tpu.memory_space<vmem>>[vector<16xi32>], vector<16xf32>,
          %parallel_loop3A_759 = arith.constant 0 : i32
          %parallel_loop3A_760 = arith.constant 0 : i32
          %parallel_loop3A_761 = arith.constant 0 : i32
          %parallel_loop3A_762 = tpu.memref_slice %run_scoped3A_8[%rem3A_399, %parallel_loop3A_759, %parallel_loop3A_760, %parallel_loop3A_761] : memref<2x1x32x128xf32, #tpu.memory_space<vmem>> -> memref<1x1x32x128xf32, #tpu.memory_space<vmem>>
          %parallel_loop3A_763 = tpu.memref_squeeze %parallel_loop3A_762 : memref<1x1x32x128xf32, #tpu.memory_space<vmem>> -> memref<1x32x128xf32, #tpu.memory_space<vmem>>
          tpu.vector_store_idx %parallel_loop3A_763[%mul3A_402, %parallel_loop3A_753, %add3A_405], %parallel_loop3A_758 : memref<1x32x128xf32, #tpu.memory_space<vmem>>[vector<16xi32>, vector<16xi32>, vector<16xi32>], vector<16xf32>,
          %parallel_loop3A_764 = arith.constant 528 : i32
          %parallel_loop3A_765 = vector.broadcast %parallel_loop3A_764 : i32 to vector<16xi32>
          %parallel_loop3A_766 = arith.addi %parallel_loop3A_667, %parallel_loop3A_765 : vector<16xi32>
          %parallel_loop3A_767 = tpu.memref_slice %run_scoped3A[%mul3A_397] : memref<8192xf32, #tpu.memory_space<vmem>> -> memref<4096xf32, #tpu.memory_space<vmem>>
          %parallel_loop3A_768 = tpu.vector_load_idx %parallel_loop3A_767[%parallel_loop3A_766] : memref<4096xf32, #tpu.memory_space<vmem>>[vector<16xi32>], vector<16xf32>,
          %parallel_loop3A_769 = arith.constant 0 : i32
          %parallel_loop3A_770 = arith.constant 0 : i32
          %parallel_loop3A_771 = arith.constant 0 : i32
          %parallel_loop3A_772 = tpu.memref_slice %run_scoped3A_8[%rem3A_399, %parallel_loop3A_769, %parallel_loop3A_770, %parallel_loop3A_771] : memref<2x1x32x128xf32, #tpu.memory_space<vmem>> -> memref<1x1x32x128xf32, #tpu.memory_space<vmem>>
          %parallel_loop3A_773 = tpu.memref_squeeze %parallel_loop3A_772 : memref<1x1x32x128xf32, #tpu.memory_space<vmem>> -> memref<1x32x128xf32, #tpu.memory_space<vmem>>
          tpu.vector_store_idx %parallel_loop3A_773[%mul3A_402, %parallel_loop3A_753, %add3A_408], %parallel_loop3A_768 : memref<1x32x128xf32, #tpu.memory_space<vmem>>[vector<16xi32>, vector<16xi32>, vector<16xi32>], vector<16xf32>,
          %parallel_loop3A_774 = arith.constant 1040 : i32
          %parallel_loop3A_775 = vector.broadcast %parallel_loop3A_774 : i32 to vector<16xi32>
          %parallel_loop3A_776 = arith.addi %parallel_loop3A_667, %parallel_loop3A_775 : vector<16xi32>
          %parallel_loop3A_777 = tpu.memref_slice %run_scoped3A[%mul3A_397] : memref<8192xf32, #tpu.memory_space<vmem>> -> memref<4096xf32, #tpu.memory_space<vmem>>
          %parallel_loop3A_778 = tpu.vector_load_idx %parallel_loop3A_777[%parallel_loop3A_776] : memref<4096xf32, #tpu.memory_space<vmem>>[vector<16xi32>], vector<16xf32>,
          %parallel_loop3A_779 = arith.constant 0 : i32
          %parallel_loop3A_780 = arith.constant 0 : i32
          %parallel_loop3A_781 = arith.constant 0 : i32
          %parallel_loop3A_782 = tpu.memref_slice %run_scoped3A_8[%rem3A_399, %parallel_loop3A_779, %parallel_loop3A_780, %parallel_loop3A_781] : memref<2x1x32x128xf32, #tpu.memory_space<vmem>> -> memref<1x1x32x128xf32, #tpu.memory_space<vmem>>
          %parallel_loop3A_783 = tpu.memref_squeeze %parallel_loop3A_782 : memref<1x1x32x128xf32, #tpu.memory_space<vmem>> -> memref<1x32x128xf32, #tpu.memory_space<vmem>>
          tpu.vector_store_idx %parallel_loop3A_783[%mul3A_402, %parallel_loop3A_753, %add3A_411], %parallel_loop3A_778 : memref<1x32x128xf32, #tpu.memory_space<vmem>>[vector<16xi32>, vector<16xi32>, vector<16xi32>], vector<16xf32>,
          %parallel_loop3A_784 = arith.constant 1552 : i32
          %parallel_loop3A_785 = vector.broadcast %parallel_loop3A_784 : i32 to vector<16xi32>
          %parallel_loop3A_786 = arith.addi %parallel_loop3A_667, %parallel_loop3A_785 : vector<16xi32>
          %parallel_loop3A_787 = tpu.memref_slice %run_scoped3A[%mul3A_397] : memref<8192xf32, #tpu.memory_space<vmem>> -> memref<4096xf32, #tpu.memory_space<vmem>>
          %parallel_loop3A_788 = tpu.vector_load_idx %parallel_loop3A_787[%parallel_loop3A_786] : memref<4096xf32, #tpu.memory_space<vmem>>[vector<16xi32>], vector<16xf32>,
          %parallel_loop3A_789 = arith.constant 0 : i32
          %parallel_loop3A_790 = arith.constant 0 : i32
          %parallel_loop3A_791 = arith.constant 0 : i32
          %parallel_loop3A_792 = tpu.memref_slice %run_scoped3A_8[%rem3A_399, %parallel_loop3A_789, %parallel_loop3A_790, %parallel_loop3A_791] : memref<2x1x32x128xf32, #tpu.memory_space<vmem>> -> memref<1x1x32x128xf32, #tpu.memory_space<vmem>>
          %parallel_loop3A_793 = tpu.memref_squeeze %parallel_loop3A_792 : memref<1x1x32x128xf32, #tpu.memory_space<vmem>> -> memref<1x32x128xf32, #tpu.memory_space<vmem>>
          tpu.vector_store_idx %parallel_loop3A_793[%mul3A_402, %parallel_loop3A_753, %add3A_414], %parallel_loop3A_788 : memref<1x32x128xf32, #tpu.memory_space<vmem>>[vector<16xi32>, vector<16xi32>, vector<16xi32>], vector<16xf32>,
          %parallel_loop3A_794 = arith.constant 2064 : i32
          %parallel_loop3A_795 = vector.broadcast %parallel_loop3A_794 : i32 to vector<16xi32>
          %parallel_loop3A_796 = arith.addi %parallel_loop3A_667, %parallel_loop3A_795 : vector<16xi32>
          %parallel_loop3A_797 = tpu.memref_slice %run_scoped3A[%mul3A_397] : memref<8192xf32, #tpu.memory_space<vmem>> -> memref<4096xf32, #tpu.memory_space<vmem>>
          %parallel_loop3A_798 = tpu.vector_load_idx %parallel_loop3A_797[%parallel_loop3A_796] : memref<4096xf32, #tpu.memory_space<vmem>>[vector<16xi32>], vector<16xf32>,
          %parallel_loop3A_799 = arith.constant 0 : i32
          %parallel_loop3A_800 = arith.constant 0 : i32
          %parallel_loop3A_801 = arith.constant 0 : i32
          %parallel_loop3A_802 = tpu.memref_slice %run_scoped3A_8[%rem3A_399, %parallel_loop3A_799, %parallel_loop3A_800, %parallel_loop3A_801] : memref<2x1x32x128xf32, #tpu.memory_space<vmem>> -> memref<1x1x32x128xf32, #tpu.memory_space<vmem>>
          %parallel_loop3A_803 = tpu.memref_squeeze %parallel_loop3A_802 : memref<1x1x32x128xf32, #tpu.memory_space<vmem>> -> memref<1x32x128xf32, #tpu.memory_space<vmem>>
          tpu.vector_store_idx %parallel_loop3A_803[%mul3A_402, %parallel_loop3A_753, %add3A_417], %parallel_loop3A_798 : memref<1x32x128xf32, #tpu.memory_space<vmem>>[vector<16xi32>, vector<16xi32>, vector<16xi32>], vector<16xf32>,
          %parallel_loop3A_804 = arith.constant 2576 : i32
          %parallel_loop3A_805 = vector.broadcast %parallel_loop3A_804 : i32 to vector<16xi32>
          %parallel_loop3A_806 = arith.addi %parallel_loop3A_667, %parallel_loop3A_805 : vector<16xi32>
          %parallel_loop3A_807 = tpu.memref_slice %run_scoped3A[%mul3A_397] : memref<8192xf32, #tpu.memory_space<vmem>> -> memref<4096xf32, #tpu.memory_space<vmem>>
          %parallel_loop3A_808 = tpu.vector_load_idx %parallel_loop3A_807[%parallel_loop3A_806] : memref<4096xf32, #tpu.memory_space<vmem>>[vector<16xi32>], vector<16xf32>,
          %parallel_loop3A_809 = arith.constant 0 : i32
          %parallel_loop3A_810 = arith.constant 0 : i32
          %parallel_loop3A_811 = arith.constant 0 : i32
          %parallel_loop3A_812 = tpu.memref_slice %run_scoped3A_8[%rem3A_399, %parallel_loop3A_809, %parallel_loop3A_810, %parallel_loop3A_811] : memref<2x1x32x128xf32, #tpu.memory_space<vmem>> -> memref<1x1x32x128xf32, #tpu.memory_space<vmem>>
          %parallel_loop3A_813 = tpu.memref_squeeze %parallel_loop3A_812 : memref<1x1x32x128xf32, #tpu.memory_space<vmem>> -> memref<1x32x128xf32, #tpu.memory_space<vmem>>
          tpu.vector_store_idx %parallel_loop3A_813[%mul3A_402, %parallel_loop3A_753, %add3A_420], %parallel_loop3A_808 : memref<1x32x128xf32, #tpu.memory_space<vmem>>[vector<16xi32>, vector<16xi32>, vector<16xi32>], vector<16xf32>,
          %parallel_loop3A_814 = arith.constant 3088 : i32
          %parallel_loop3A_815 = vector.broadcast %parallel_loop3A_814 : i32 to vector<16xi32>
          %parallel_loop3A_816 = arith.addi %parallel_loop3A_667, %parallel_loop3A_815 : vector<16xi32>
          %parallel_loop3A_817 = tpu.memref_slice %run_scoped3A[%mul3A_397] : memref<8192xf32, #tpu.memory_space<vmem>> -> memref<4096xf32, #tpu.memory_space<vmem>>
          %parallel_loop3A_818 = tpu.vector_load_idx %parallel_loop3A_817[%parallel_loop3A_816] : memref<4096xf32, #tpu.memory_space<vmem>>[vector<16xi32>], vector<16xf32>,
          %parallel_loop3A_819 = arith.constant 0 : i32
          %parallel_loop3A_820 = arith.constant 0 : i32
          %parallel_loop3A_821 = arith.constant 0 : i32
          %parallel_loop3A_822 = tpu.memref_slice %run_scoped3A_8[%rem3A_399, %parallel_loop3A_819, %parallel_loop3A_820, %parallel_loop3A_821] : memref<2x1x32x128xf32, #tpu.memory_space<vmem>> -> memref<1x1x32x128xf32, #tpu.memory_space<vmem>>
          %parallel_loop3A_823 = tpu.memref_squeeze %parallel_loop3A_822 : memref<1x1x32x128xf32, #tpu.memory_space<vmem>> -> memref<1x32x128xf32, #tpu.memory_space<vmem>>
          tpu.vector_store_idx %parallel_loop3A_823[%mul3A_402, %parallel_loop3A_753, %add3A_423], %parallel_loop3A_818 : memref<1x32x128xf32, #tpu.memory_space<vmem>>[vector<16xi32>, vector<16xi32>, vector<16xi32>], vector<16xf32>,
          %parallel_loop3A_824 = arith.constant 3600 : i32
          %parallel_loop3A_825 = vector.broadcast %parallel_loop3A_824 : i32 to vector<16xi32>
          %parallel_loop3A_826 = arith.addi %parallel_loop3A_667, %parallel_loop3A_825 : vector<16xi32>
          %parallel_loop3A_827 = tpu.memref_slice %run_scoped3A[%mul3A_397] : memref<8192xf32, #tpu.memory_space<vmem>> -> memref<4096xf32, #tpu.memory_space<vmem>>
          %parallel_loop3A_828 = tpu.vector_load_idx %parallel_loop3A_827[%parallel_loop3A_826] : memref<4096xf32, #tpu.memory_space<vmem>>[vector<16xi32>], vector<16xf32>,
          %parallel_loop3A_829 = arith.constant 0 : i32
          %parallel_loop3A_830 = arith.constant 0 : i32
          %parallel_loop3A_831 = arith.constant 0 : i32
          %parallel_loop3A_832 = tpu.memref_slice %run_scoped3A_8[%rem3A_399, %parallel_loop3A_829, %parallel_loop3A_830, %parallel_loop3A_831] : memref<2x1x32x128xf32, #tpu.memory_space<vmem>> -> memref<1x1x32x128xf32, #tpu.memory_space<vmem>>
          %parallel_loop3A_833 = tpu.memref_squeeze %parallel_loop3A_832 : memref<1x1x32x128xf32, #tpu.memory_space<vmem>> -> memref<1x32x128xf32, #tpu.memory_space<vmem>>
          tpu.vector_store_idx %parallel_loop3A_833[%mul3A_402, %parallel_loop3A_753, %add3A_426], %parallel_loop3A_828 : memref<1x32x128xf32, #tpu.memory_space<vmem>>[vector<16xi32>, vector<16xi32>, vector<16xi32>], vector<16xf32>,
        } {sc.loop_unroll_factor = 4 : i64, sc.parallel_access}
        "tpu.trace_stop"() : () -> ()
        %ne3A_429 = arith.cmpi ne, %add3A_165, %add3A_183 : i32
        %or3A_430 = arith.constant false
        %or3A_431 = arith.ori %or3A_430, %ne3A_429 : i1
        %or3A_432 = arith.ori %or3A_431, %eq3A_164 : i1
        %convert_element_type3A_433 = arith.extui %or3A_432 : i1 to i32
        %cond3A_434 = arith.constant 0 : i32
        %cond3A_435 = arith.cmpi ne, %convert_element_type3A_433, %cond3A_434 : i32
        scf.if %cond3A_435 {
        } else {
        }
        %and3A_436 = arith.constant false
        %and3A_437 = arith.andi %or3A_432, %and3A_436 : i1
        %jit3A_438 = arith.constant 128 : i32
        %div3A_439 = arith.divsi %add3A_165, %jit3A_438 : i32
        %sign3A_440 = arith.constant 0 : i32
        %sign3A_441 = arith.cmpi sgt, %add3A_165, %sign3A_440 : i32
        %sign3A_442 = arith.extui %sign3A_441 : i1 to i32
        %sign3A_443 = arith.constant 0 : i32
        %sign3A_444 = arith.cmpi slt, %add3A_165, %sign3A_443 : i32
        %sign3A_445 = arith.extui %sign3A_444 : i1 to i32
        %sign3A_446 = arith.subi %sign3A_442, %sign3A_445 : i32
        %sign3A_447 = arith.constant 0 : i32
        %sign3A_448 = arith.cmpi sgt, %jit3A_438, %sign3A_447 : i32
        %sign3A_449 = arith.extui %sign3A_448 : i1 to i32
        %sign3A_450 = arith.constant 0 : i32
        %sign3A_451 = arith.cmpi slt, %jit3A_438, %sign3A_450 : i32
        %sign3A_452 = arith.extui %sign3A_451 : i1 to i32
        %sign3A_453 = arith.subi %sign3A_449, %sign3A_452 : i32
        %ne3A_454 = arith.cmpi ne, %sign3A_446, %sign3A_453 : i32
        %rem3A_455 = arith.remsi %add3A_165, %jit3A_438 : i32
        %ne3A_456 = arith.constant 0 : i32
        %ne3A_457 = arith.cmpi ne, %rem3A_455, %ne3A_456 : i32
        %and3A_458 = arith.andi %ne3A_454, %ne3A_457 : i1
        %sub3A_459 = arith.constant 1 : i32
        %sub3A_460 = arith.subi %div3A_439, %sub3A_459 : i32
        %select_n3A_461 = arith.select %and3A_458, %sub3A_460, %div3A_439 : i32
        %jit3A_462 = arith.constant 128 : i32
        %eq3A_463 = arith.constant 0 : i32
        %eq3A_464 = arith.cmpi eq, %jit3A_462, %eq3A_463 : i32
        %jit3A_465 = arith.constant 1 : i32
        %select_n3A_466 = arith.select %eq3A_464, %jit3A_465, %jit3A_462 : i32
        %rem3A_467 = arith.remsi %add3A_165, %select_n3A_466 : i32
        %ne3A_468 = arith.constant 0 : i32
        %ne3A_469 = arith.cmpi ne, %rem3A_467, %ne3A_468 : i32
        %lt3A_470 = arith.constant 0 : i32
        %lt3A_471 = arith.cmpi slt, %rem3A_467, %lt3A_470 : i32
        %lt3A_472 = arith.constant 0 : i32
        %lt3A_473 = arith.cmpi slt, %select_n3A_466, %lt3A_472 : i32
        %ne3A_474 = arith.xori %lt3A_471, %lt3A_473 : i1
        %and3A_475 = arith.andi %ne3A_474, %ne3A_469 : i1
        %add3A_476 = arith.addi %rem3A_467, %select_n3A_466 : i32
        %select_n3A_477 = arith.select %and3A_475, %add3A_476, %rem3A_467 : i32
        %jit3A_478 = arith.constant 128 : i32
        %div3A_479 = arith.divsi %add3A_183, %jit3A_478 : i32
        %sign3A_480 = arith.constant 0 : i32
        %sign3A_481 = arith.cmpi sgt, %add3A_183, %sign3A_480 : i32
        %sign3A_482 = arith.extui %sign3A_481 : i1 to i32
        %sign3A_483 = arith.constant 0 : i32
        %sign3A_484 = arith.cmpi slt, %add3A_183, %sign3A_483 : i32
        %sign3A_485 = arith.extui %sign3A_484 : i1 to i32
        %sign3A_486 = arith.subi %sign3A_482, %sign3A_485 : i32
        %sign3A_487 = arith.constant 0 : i32
        %sign3A_488 = arith.cmpi sgt, %jit3A_478, %sign3A_487 : i32
        %sign3A_489 = arith.extui %sign3A_488 : i1 to i32
        %sign3A_490 = arith.constant 0 : i32
        %sign3A_491 = arith.cmpi slt, %jit3A_478, %sign3A_490 : i32
        %sign3A_492 = arith.extui %sign3A_491 : i1 to i32
        %sign3A_493 = arith.subi %sign3A_489, %sign3A_492 : i32
        %ne3A_494 = arith.cmpi ne, %sign3A_486, %sign3A_493 : i32
        %rem3A_495 = arith.remsi %add3A_183, %jit3A_478 : i32
        %ne3A_496 = arith.constant 0 : i32
        %ne3A_497 = arith.cmpi ne, %rem3A_495, %ne3A_496 : i32
        %and3A_498 = arith.andi %ne3A_494, %ne3A_497 : i1
        %sub3A_499 = arith.constant 1 : i32
        %sub3A_500 = arith.subi %div3A_479, %sub3A_499 : i32
        %select_n3A_501 = arith.select %and3A_498, %sub3A_500, %div3A_479 : i32
        %jit3A_502 = arith.constant 128 : i32
        %eq3A_503 = arith.constant 0 : i32
        %eq3A_504 = arith.cmpi eq, %jit3A_502, %eq3A_503 : i32
        %jit3A_505 = arith.constant 1 : i32
        %select_n3A_506 = arith.select %eq3A_504, %jit3A_505, %jit3A_502 : i32
        %rem3A_507 = arith.remsi %add3A_183, %select_n3A_506 : i32
        %ne3A_508 = arith.constant 0 : i32
        %ne3A_509 = arith.cmpi ne, %rem3A_507, %ne3A_508 : i32
        %lt3A_510 = arith.constant 0 : i32
        %lt3A_511 = arith.cmpi slt, %rem3A_507, %lt3A_510 : i32
        %lt3A_512 = arith.constant 0 : i32
        %lt3A_513 = arith.cmpi slt, %select_n3A_506, %lt3A_512 : i32
        %ne3A_514 = arith.xori %lt3A_511, %lt3A_513 : i1
        %and3A_515 = arith.andi %ne3A_514, %ne3A_509 : i1
        %add3A_516 = arith.addi %rem3A_507, %select_n3A_506 : i32
        %select_n3A_517 = arith.select %and3A_515, %add3A_516, %rem3A_507 : i32
        %ne3A_518 = arith.cmpi ne, %select_n3A_461, %select_n3A_501 : i32
        %ne3A_519 = arith.cmpi ne, %select_n3A_477, %select_n3A_517 : i32
        %or3A_520 = arith.constant false
        %or3A_521 = arith.ori %or3A_520, %ne3A_518 : i1
        %or3A_522 = arith.constant false
        %or3A_523 = arith.ori %or3A_521, %or3A_522 : i1
        %or3A_524 = arith.ori %or3A_523, %ne3A_519 : i1
        %or3A_525 = arith.ori %or3A_524, %eq3A_164 : i1
        %convert_element_type3A_526 = arith.extui %or3A_525 : i1 to i32
        %cond3A_527 = arith.constant 0 : i32
        %cond3A_528 = arith.cmpi ne, %convert_element_type3A_526, %cond3A_527 : i32
        scf.if %cond3A_528 {
          "tpu.trace_start"() <{level = 10 : i32, message = "ep_copy_out"}> : () -> ()
          %rem3A_658 = arith.constant 2 : i32
          %rem3A_659 = arith.remui %scan3A_158, %rem3A_658 : i32
          %jit3A_660 = arith.constant 128 : i32
          %div3A_661 = arith.divsi %add3A_165, %jit3A_660 : i32
          %sign3A_662 = arith.constant 0 : i32
          %sign3A_663 = arith.cmpi sgt, %add3A_165, %sign3A_662 : i32
          %sign3A_664 = arith.extui %sign3A_663 : i1 to i32
          %sign3A_665 = arith.constant 0 : i32
          %sign3A_666 = arith.cmpi slt, %add3A_165, %sign3A_665 : i32
          %sign3A_667 = arith.extui %sign3A_666 : i1 to i32
          %sign3A_668 = arith.subi %sign3A_664, %sign3A_667 : i32
          %sign3A_669 = arith.constant 0 : i32
          %sign3A_670 = arith.cmpi sgt, %jit3A_660, %sign3A_669 : i32
          %sign3A_671 = arith.extui %sign3A_670 : i1 to i32
          %sign3A_672 = arith.constant 0 : i32
          %sign3A_673 = arith.cmpi slt, %jit3A_660, %sign3A_672 : i32
          %sign3A_674 = arith.extui %sign3A_673 : i1 to i32
          %sign3A_675 = arith.subi %sign3A_671, %sign3A_674 : i32
          %ne3A_676 = arith.cmpi ne, %sign3A_668, %sign3A_675 : i32
          %rem3A_677 = arith.remsi %add3A_165, %jit3A_660 : i32
          %ne3A_678 = arith.constant 0 : i32
          %ne3A_679 = arith.cmpi ne, %rem3A_677, %ne3A_678 : i32
          %and3A_680 = arith.andi %ne3A_676, %ne3A_679 : i1
          %sub3A_681 = arith.constant 1 : i32
          %sub3A_682 = arith.subi %div3A_661, %sub3A_681 : i32
          %select_n3A_683 = arith.select %and3A_680, %sub3A_682, %div3A_661 : i32
          %jit3A_684 = arith.constant 128 : i32
          %eq3A_685 = arith.constant 0 : i32
          %eq3A_686 = arith.cmpi eq, %jit3A_684, %eq3A_685 : i32
          %jit3A_687 = arith.constant 1 : i32
          %select_n3A_688 = arith.select %eq3A_686, %jit3A_687, %jit3A_684 : i32
          %rem3A_689 = arith.remsi %add3A_165, %select_n3A_688 : i32
          %ne3A_690 = arith.constant 0 : i32
          %ne3A_691 = arith.cmpi ne, %rem3A_689, %ne3A_690 : i32
          %lt3A_692 = arith.constant 0 : i32
          %lt3A_693 = arith.cmpi slt, %rem3A_689, %lt3A_692 : i32
          %lt3A_694 = arith.constant 0 : i32
          %lt3A_695 = arith.cmpi slt, %select_n3A_688, %lt3A_694 : i32
          %ne3A_696 = arith.xori %lt3A_693, %lt3A_695 : i1
          %and3A_697 = arith.andi %ne3A_696, %ne3A_691 : i1
          %add3A_698 = arith.addi %rem3A_689, %select_n3A_688 : i32
          %select_n3A_699 = arith.select %and3A_697, %add3A_698, %rem3A_689 : i32
          %mul3A_700 = arith.constant 1 : i32
          %mul3A_701 = arith.muli %mul3A_700, %select_n3A_683 : i32
          %mul3A_702 = arith.constant 128 : i32
          %mul3A_703 = arith.muli %mul3A_702, %select_n3A_699 : i32
          %dma_start3A_704 = arith.constant 0 : i32
          %dma_start3A_705 = arith.constant 0 : i32
          %dma_start3A_706 = arith.constant 0 : i32
          %dma_start3A_707 = tpu.memref_slice %run_scoped3A_8[%rem3A_659, %dma_start3A_704, %dma_start3A_705, %dma_start3A_706] : memref<2x1x32x128xf32, #tpu.memory_space<vmem>> -> memref<1x1x32x128xf32, #tpu.memory_space<vmem>>
          %dma_start3A_708 = tpu.memref_squeeze %dma_start3A_707 : memref<1x1x32x128xf32, #tpu.memory_space<vmem>> -> memref<1x32x128xf32, #tpu.memory_space<vmem>>
          %dma_start3A_709 = arith.constant 0 : i32
          %dma_start3A_710 = tpu.memref_slice %arg3[%mul3A_701, %dma_start3A_709, %mul3A_703] : memref<200x32x16384xf32, #tpu.memory_space<hbm>> -> memref<1x32x128xf32, #tpu.memory_space<hbm>>
          %dma_start3A_711 = tpu.memref_slice %run_scoped3A_9[%rem3A_659] : memref<2x!tpu.dma_semaphore, #tpu.memory_space<semaphore_mem>> -> memref<1x!tpu.dma_semaphore, #tpu.memory_space<semaphore_mem>>
          %dma_start3A_712 = tpu.memref_squeeze %dma_start3A_711 : memref<1x!tpu.dma_semaphore, #tpu.memory_space<semaphore_mem>> -> memref<!tpu.dma_semaphore, #tpu.memory_space<semaphore_mem>>
          %dma_start3A_713 = arith.constant 0 : i32
          %dma_start3A_714 = tpu.memref_slice %arg3[%mul3A_701, %dma_start3A_713, %mul3A_703] : memref<200x32x16384xf32, #tpu.memory_space<hbm>> -> memref<1x32x128xf32, #tpu.memory_space<hbm>>
          %dma_start3A_715 = arith.constant 0 : i32
          %dma_start3A_716 = arith.constant 0 : i32
          %dma_start3A_717 = arith.constant 0 : i32
          %dma_start3A_718 = tpu.memref_slice %run_scoped3A_8[%rem3A_659, %dma_start3A_715, %dma_start3A_716, %dma_start3A_717] : memref<2x1x32x128xf32, #tpu.memory_space<vmem>> -> memref<1x1x32x128xf32, #tpu.memory_space<vmem>>
          %dma_start3A_719 = tpu.memref_squeeze %dma_start3A_718 : memref<1x1x32x128xf32, #tpu.memory_space<vmem>> -> memref<1x32x128xf32, #tpu.memory_space<vmem>>
          tpu.enqueue_dma source(%dma_start3A_719 : memref<1x32x128xf32, #tpu.memory_space<vmem>>) target(%dma_start3A_714 : memref<1x32x128xf32, #tpu.memory_space<hbm>>) target_semaphore(%dma_start3A_712 : memref<!tpu.dma_semaphore, #tpu.memory_space<semaphore_mem>>)
          "tpu.trace_stop"() : () -> ()
        } else {
        }
        %and3A_529 = arith.constant true
        %and3A_530 = arith.andi %or3A_525, %and3A_529 : i1
        %add3A_531 = arith.constant 1 : i32
        %add3A_532 = arith.addi %scan3A_158, %add3A_531 : i32
        %select_n3A_533 = arith.select %and3A_530, %add3A_532, %scan3A_158 : i32
        %ne3A_534 = arith.cmpi ne, %add3A_165, %add3A_174 : i32
        %or3A_535 = arith.constant false
        %or3A_536 = arith.ori %or3A_535, %ne3A_534 : i1
        %not3A_537 = arith.constant true
        %not3A_538 = arith.xori %eq3A_162, %not3A_537 : i1
        %and3A_539 = arith.andi %or3A_536, %not3A_538 : i1
        %convert_element_type3A_540 = arith.extui %and3A_539 : i1 to i32
        %cond3A_541 = arith.constant 0 : i32
        %cond3A_542 = arith.cmpi ne, %convert_element_type3A_540, %cond3A_541 : i32
        scf.if %cond3A_542 {
        } else {
        }
        %and3A_543 = arith.constant false
        %and3A_544 = arith.andi %and3A_539, %and3A_543 : i1
        %jit3A_545 = arith.constant 128 : i32
        %div3A_546 = arith.divsi %add3A_165, %jit3A_545 : i32
        %sign3A_547 = arith.constant 0 : i32
        %sign3A_548 = arith.cmpi sgt, %add3A_165, %sign3A_547 : i32
        %sign3A_549 = arith.extui %sign3A_548 : i1 to i32
        %sign3A_550 = arith.constant 0 : i32
        %sign3A_551 = arith.cmpi slt, %add3A_165, %sign3A_550 : i32
        %sign3A_552 = arith.extui %sign3A_551 : i1 to i32
        %sign3A_553 = arith.subi %sign3A_549, %sign3A_552 : i32
        %sign3A_554 = arith.constant 0 : i32
        %sign3A_555 = arith.cmpi sgt, %jit3A_545, %sign3A_554 : i32
        %sign3A_556 = arith.extui %sign3A_555 : i1 to i32
        %sign3A_557 = arith.constant 0 : i32
        %sign3A_558 = arith.cmpi slt, %jit3A_545, %sign3A_557 : i32
        %sign3A_559 = arith.extui %sign3A_558 : i1 to i32
        %sign3A_560 = arith.subi %sign3A_556, %sign3A_559 : i32
        %ne3A_561 = arith.cmpi ne, %sign3A_553, %sign3A_560 : i32
        %rem3A_562 = arith.remsi %add3A_165, %jit3A_545 : i32
        %ne3A_563 = arith.constant 0 : i32
        %ne3A_564 = arith.cmpi ne, %rem3A_562, %ne3A_563 : i32
        %and3A_565 = arith.andi %ne3A_561, %ne3A_564 : i1
        %sub3A_566 = arith.constant 1 : i32
        %sub3A_567 = arith.subi %div3A_546, %sub3A_566 : i32
        %select_n3A_568 = arith.select %and3A_565, %sub3A_567, %div3A_546 : i32
        %jit3A_569 = arith.constant 128 : i32
        %eq3A_570 = arith.constant 0 : i32
        %eq3A_571 = arith.cmpi eq, %jit3A_569, %eq3A_570 : i32
        %jit3A_572 = arith.constant 1 : i32
        %select_n3A_573 = arith.select %eq3A_571, %jit3A_572, %jit3A_569 : i32
        %rem3A_574 = arith.remsi %add3A_165, %select_n3A_573 : i32
        %ne3A_575 = arith.constant 0 : i32
        %ne3A_576 = arith.cmpi ne, %rem3A_574, %ne3A_575 : i32
        %lt3A_577 = arith.constant 0 : i32
        %lt3A_578 = arith.cmpi slt, %rem3A_574, %lt3A_577 : i32
        %lt3A_579 = arith.constant 0 : i32
        %lt3A_580 = arith.cmpi slt, %select_n3A_573, %lt3A_579 : i32
        %ne3A_581 = arith.xori %lt3A_578, %lt3A_580 : i1
        %and3A_582 = arith.andi %ne3A_581, %ne3A_576 : i1
        %add3A_583 = arith.addi %rem3A_574, %select_n3A_573 : i32
        %select_n3A_584 = arith.select %and3A_582, %add3A_583, %rem3A_574 : i32
        %jit3A_585 = arith.constant 128 : i32
        %div3A_586 = arith.divsi %add3A_174, %jit3A_585 : i32
        %sign3A_587 = arith.constant 0 : i32
        %sign3A_588 = arith.cmpi sgt, %add3A_174, %sign3A_587 : i32
        %sign3A_589 = arith.extui %sign3A_588 : i1 to i32
        %sign3A_590 = arith.constant 0 : i32
        %sign3A_591 = arith.cmpi slt, %add3A_174, %sign3A_590 : i32
        %sign3A_592 = arith.extui %sign3A_591 : i1 to i32
        %sign3A_593 = arith.subi %sign3A_589, %sign3A_592 : i32
        %sign3A_594 = arith.constant 0 : i32
        %sign3A_595 = arith.cmpi sgt, %jit3A_585, %sign3A_594 : i32
        %sign3A_596 = arith.extui %sign3A_595 : i1 to i32
        %sign3A_597 = arith.constant 0 : i32
        %sign3A_598 = arith.cmpi slt, %jit3A_585, %sign3A_597 : i32
        %sign3A_599 = arith.extui %sign3A_598 : i1 to i32
        %sign3A_600 = arith.subi %sign3A_596, %sign3A_599 : i32
        %ne3A_601 = arith.cmpi ne, %sign3A_593, %sign3A_600 : i32
        %rem3A_602 = arith.remsi %add3A_174, %jit3A_585 : i32
        %ne3A_603 = arith.constant 0 : i32
        %ne3A_604 = arith.cmpi ne, %rem3A_602, %ne3A_603 : i32
        %and3A_605 = arith.andi %ne3A_601, %ne3A_604 : i1
        %sub3A_606 = arith.constant 1 : i32
        %sub3A_607 = arith.subi %div3A_586, %sub3A_606 : i32
        %select_n3A_608 = arith.select %and3A_605, %sub3A_607, %div3A_586 : i32
        %jit3A_609 = arith.constant 128 : i32
        %eq3A_610 = arith.constant 0 : i32
        %eq3A_611 = arith.cmpi eq, %jit3A_609, %eq3A_610 : i32
        %jit3A_612 = arith.constant 1 : i32
        %select_n3A_613 = arith.select %eq3A_611, %jit3A_612, %jit3A_609 : i32
        %rem3A_614 = arith.remsi %add3A_174, %select_n3A_613 : i32
        %ne3A_615 = arith.constant 0 : i32
        %ne3A_616 = arith.cmpi ne, %rem3A_614, %ne3A_615 : i32
        %lt3A_617 = arith.constant 0 : i32
        %lt3A_618 = arith.cmpi slt, %rem3A_614, %lt3A_617 : i32
        %lt3A_619 = arith.constant 0 : i32
        %lt3A_620 = arith.cmpi slt, %select_n3A_613, %lt3A_619 : i32
        %ne3A_621 = arith.xori %lt3A_618, %lt3A_620 : i1
        %and3A_622 = arith.andi %ne3A_621, %ne3A_616 : i1
        %add3A_623 = arith.addi %rem3A_614, %select_n3A_613 : i32
        %select_n3A_624 = arith.select %and3A_622, %add3A_623, %rem3A_614 : i32
        %ne3A_625 = arith.cmpi ne, %select_n3A_568, %select_n3A_608 : i32
        %ne3A_626 = arith.cmpi ne, %select_n3A_584, %select_n3A_624 : i32
        %or3A_627 = arith.constant false
        %or3A_628 = arith.ori %or3A_627, %ne3A_625 : i1
        %or3A_629 = arith.constant false
        %or3A_630 = arith.ori %or3A_628, %or3A_629 : i1
        %or3A_631 = arith.ori %or3A_630, %ne3A_626 : i1
        %not3A_632 = arith.constant true
        %not3A_633 = arith.xori %eq3A_162, %not3A_632 : i1
        %and3A_634 = arith.andi %or3A_631, %not3A_633 : i1
        %convert_element_type3A_635 = arith.extui %and3A_634 : i1 to i32
        %cond3A_636 = arith.constant 0 : i32
        %cond3A_637 = arith.cmpi ne, %convert_element_type3A_635, %cond3A_636 : i32
        scf.if %cond3A_637 {
          "tpu.trace_start"() <{level = 10 : i32, message = "ep_wait_out"}> : () -> ()
          %rem3A_658 = arith.constant 2 : i32
          %rem3A_659 = arith.remui %scan3A_159, %rem3A_658 : i32
          %jit3A_660 = arith.constant 128 : i32
          %div3A_661 = arith.divsi %add3A_174, %jit3A_660 : i32
          %sign3A_662 = arith.constant 0 : i32
          %sign3A_663 = arith.cmpi sgt, %add3A_174, %sign3A_662 : i32
          %sign3A_664 = arith.extui %sign3A_663 : i1 to i32
          %sign3A_665 = arith.constant 0 : i32
          %sign3A_666 = arith.cmpi slt, %add3A_174, %sign3A_665 : i32
          %sign3A_667 = arith.extui %sign3A_666 : i1 to i32
          %sign3A_668 = arith.subi %sign3A_664, %sign3A_667 : i32
          %sign3A_669 = arith.constant 0 : i32
          %sign3A_670 = arith.cmpi sgt, %jit3A_660, %sign3A_669 : i32
          %sign3A_671 = arith.extui %sign3A_670 : i1 to i32
          %sign3A_672 = arith.constant 0 : i32
          %sign3A_673 = arith.cmpi slt, %jit3A_660, %sign3A_672 : i32
          %sign3A_674 = arith.extui %sign3A_673 : i1 to i32
          %sign3A_675 = arith.subi %sign3A_671, %sign3A_674 : i32
          %ne3A_676 = arith.cmpi ne, %sign3A_668, %sign3A_675 : i32
          %rem3A_677 = arith.remsi %add3A_174, %jit3A_660 : i32
          %ne3A_678 = arith.constant 0 : i32
          %ne3A_679 = arith.cmpi ne, %rem3A_677, %ne3A_678 : i32
          %and3A_680 = arith.andi %ne3A_676, %ne3A_679 : i1
          %sub3A_681 = arith.constant 1 : i32
          %sub3A_682 = arith.subi %div3A_661, %sub3A_681 : i32
          %select_n3A_683 = arith.select %and3A_680, %sub3A_682, %div3A_661 : i32
          %jit3A_684 = arith.constant 128 : i32
          %eq3A_685 = arith.constant 0 : i32
          %eq3A_686 = arith.cmpi eq, %jit3A_684, %eq3A_685 : i32
          %jit3A_687 = arith.constant 1 : i32
          %select_n3A_688 = arith.select %eq3A_686, %jit3A_687, %jit3A_684 : i32
          %rem3A_689 = arith.remsi %add3A_174, %select_n3A_688 : i32
          %ne3A_690 = arith.constant 0 : i32
          %ne3A_691 = arith.cmpi ne, %rem3A_689, %ne3A_690 : i32
          %lt3A_692 = arith.constant 0 : i32
          %lt3A_693 = arith.cmpi slt, %rem3A_689, %lt3A_692 : i32
          %lt3A_694 = arith.constant 0 : i32
          %lt3A_695 = arith.cmpi slt, %select_n3A_688, %lt3A_694 : i32
          %ne3A_696 = arith.xori %lt3A_693, %lt3A_695 : i1
          %and3A_697 = arith.andi %ne3A_696, %ne3A_691 : i1
          %add3A_698 = arith.addi %rem3A_689, %select_n3A_688 : i32
          %select_n3A_699 = arith.select %and3A_697, %add3A_698, %rem3A_689 : i32
          %mul3A_700 = arith.constant 1 : i32
          %mul3A_701 = arith.muli %mul3A_700, %select_n3A_683 : i32
          %mul3A_702 = arith.constant 128 : i32
          %mul3A_703 = arith.muli %mul3A_702, %select_n3A_699 : i32
          %dma_wait3A_704 = arith.constant 0 : i32
          %dma_wait3A_705 = arith.constant 0 : i32
          %dma_wait3A_706 = arith.constant 0 : i32
          %dma_wait3A_707 = tpu.memref_slice %run_scoped3A_8[%rem3A_659, %dma_wait3A_704, %dma_wait3A_705, %dma_wait3A_706] : memref<2x1x32x128xf32, #tpu.memory_space<vmem>> -> memref<1x1x32x128xf32, #tpu.memory_space<vmem>>
          %dma_wait3A_708 = tpu.memref_squeeze %dma_wait3A_707 : memref<1x1x32x128xf32, #tpu.memory_space<vmem>> -> memref<1x32x128xf32, #tpu.memory_space<vmem>>
          %dma_wait3A_709 = arith.constant 0 : i32
          %dma_wait3A_710 = tpu.memref_slice %arg3[%mul3A_701, %dma_wait3A_709, %mul3A_703] : memref<200x32x16384xf32, #tpu.memory_space<hbm>> -> memref<1x32x128xf32, #tpu.memory_space<hbm>>
          %dma_wait3A_711 = tpu.memref_slice %run_scoped3A_9[%rem3A_659] : memref<2x!tpu.dma_semaphore, #tpu.memory_space<semaphore_mem>> -> memref<1x!tpu.dma_semaphore, #tpu.memory_space<semaphore_mem>>
          %dma_wait3A_712 = tpu.memref_squeeze %dma_wait3A_711 : memref<1x!tpu.dma_semaphore, #tpu.memory_space<semaphore_mem>> -> memref<!tpu.dma_semaphore, #tpu.memory_space<semaphore_mem>>
          %dma_wait3A_713 = arith.constant 0 : i32
          %dma_wait3A_714 = tpu.memref_slice %arg3[%mul3A_701, %dma_wait3A_713, %mul3A_703] : memref<200x32x16384xf32, #tpu.memory_space<hbm>> -> memref<1x32x128xf32, #tpu.memory_space<hbm>>
          %dma_wait3A_715 = arith.constant 0 : i32
          %dma_wait3A_716 = arith.constant 0 : i32
          %dma_wait3A_717 = arith.constant 0 : i32
          %dma_wait3A_718 = tpu.memref_slice %run_scoped3A_8[%rem3A_659, %dma_wait3A_715, %dma_wait3A_716, %dma_wait3A_717] : memref<2x1x32x128xf32, #tpu.memory_space<vmem>> -> memref<1x1x32x128xf32, #tpu.memory_space<vmem>>
          %dma_wait3A_719 = tpu.memref_squeeze %dma_wait3A_718 : memref<1x1x32x128xf32, #tpu.memory_space<vmem>> -> memref<1x32x128xf32, #tpu.memory_space<vmem>>
          tpu.wait_dma2 semaphore(%dma_wait3A_712 : memref<!tpu.dma_semaphore, #tpu.memory_space<semaphore_mem>>) src(%dma_wait3A_719 : memref<1x32x128xf32, #tpu.memory_space<vmem>>) dst(%dma_wait3A_714 : memref<1x32x128xf32, #tpu.memory_space<hbm>>)
          "tpu.trace_stop"() : () -> ()
        } else {
        }
        %and3A_638 = arith.constant true
        %and3A_639 = arith.andi %and3A_634, %and3A_638 : i1
        %add3A_640 = arith.constant 1 : i32
        %add3A_641 = arith.addi %scan3A_159, %add3A_640 : i32
        %select_n3A_642 = arith.select %and3A_639, %add3A_641, %scan3A_159 : i32
        %ne3A_643 = arith.cmpi ne, %add3A_165, %add3A_183 : i32
        %or3A_644 = arith.constant false
        %or3A_645 = arith.ori %or3A_644, %ne3A_643 : i1
        %or3A_646 = arith.ori %or3A_645, %eq3A_164 : i1
        %add3A_647 = arith.constant 1 : i32
        %add3A_648 = arith.addi %scan3A_157, %add3A_647 : i32
        %select_n3A_649 = arith.select %or3A_646, %add3A_648, %scan3A_157 : i32
        %add3A_650 = arith.constant 1 : i32
        %add3A_651 = arith.addi %scan3A_160, %add3A_650 : i32
        %select_n3A_652 = arith.constant true
        %select_n3A_653 = arith.select %select_n3A_652, %add3A_651, %scan3A_160 : i32
        %eq3A_654 = arith.constant 800 : i32
        %eq3A_655 = arith.cmpi eq, %select_n3A_653, %eq3A_654 : i32
        %select_n3A_656 = arith.constant 0 : i32
        %select_n3A_657 = arith.select %eq3A_655, %select_n3A_656, %select_n3A_653 : i32
        scf.yield %select_n3A_203, %select_n3A_649, %select_n3A_533, %select_n3A_642, %select_n3A_657 : i32, i32, i32, i32, i32
      }
      %scan3A_64 = arith.constant 800 : i32
      %sub3A = arith.constant 1 : i32
      %sub3A_65 = arith.subi %scan3A_63#4, %sub3A : i32
      %select_n3A_66 = arith.constant true
      %select_n3A_67 = arith.select %select_n3A_66, %sub3A_65, %scan3A_63#4 : i32
      %eq3A_68 = arith.constant -1 : i32
      %eq3A_69 = arith.cmpi eq, %select_n3A_67, %eq3A_68 : i32
      %select_n3A_70 = arith.constant 799 : i32
      %select_n3A_71 = arith.select %eq3A_69, %select_n3A_70, %select_n3A_67 : i32
      %add3A_72 = arith.addi %select_n3A_71, %mul3A_6 : i32
      %sub3A_73 = arith.constant 1 : i32
      %sub3A_74 = arith.subi %select_n3A_71, %sub3A_73 : i32
      %select_n3A_75 = arith.constant true
      %select_n3A_76 = arith.select %select_n3A_75, %sub3A_74, %select_n3A_71 : i32
      %eq3A_77 = arith.constant -1 : i32
      %eq3A_78 = arith.cmpi eq, %select_n3A_76, %eq3A_77 : i32
      %select_n3A_79 = arith.constant 799 : i32
      %select_n3A_80 = arith.select %eq3A_78, %select_n3A_79, %select_n3A_76 : i32
      %add3A_81 = arith.addi %select_n3A_80, %mul3A_6 : i32
      %add3A_82 = arith.constant 1 : i32
      %add3A_83 = arith.addi %select_n3A_71, %add3A_82 : i32
      %select_n3A_84 = arith.constant true
      %select_n3A_85 = arith.select %select_n3A_84, %add3A_83, %select_n3A_71 : i32
      %eq3A_86 = arith.constant 800 : i32
      %eq3A_87 = arith.cmpi eq, %select_n3A_85, %eq3A_86 : i32
      %select_n3A_88 = arith.constant 0 : i32
      %select_n3A_89 = arith.select %eq3A_87, %select_n3A_88, %select_n3A_85 : i32
      %add3A_90 = arith.addi %select_n3A_89, %mul3A_6 : i32
      %add3A_91 = arith.constant 1 : i32
      %add3A_92 = arith.addi %select_n3A_89, %add3A_91 : i32
      %select_n3A_93 = arith.constant true
      %select_n3A_94 = arith.select %select_n3A_93, %add3A_92, %select_n3A_89 : i32
      %eq3A_95 = arith.constant 800 : i32
      %eq3A_96 = arith.cmpi eq, %select_n3A_94, %eq3A_95 : i32
      %select_n3A_97 = arith.constant 0 : i32
      %select_n3A_98 = arith.select %eq3A_96, %select_n3A_97, %select_n3A_94 : i32
      %add3A_99 = arith.addi %select_n3A_98, %mul3A_6 : i32
      "tpu.trace_start"() <{level = 10 : i32, message = "ep_finalize"}> : () -> ()
      %rem3A_100 = arith.constant 2 : i32
      %rem3A_101 = arith.remui %scan3A_63#3, %rem3A_100 : i32
      %jit3A = arith.constant 128 : i32
      %div3A = arith.divsi %add3A_72, %jit3A : i32
      %sign3A = arith.constant 0 : i32
      %sign3A_102 = arith.cmpi sgt, %add3A_72, %sign3A : i32
      %sign3A_103 = arith.extui %sign3A_102 : i1 to i32
      %sign3A_104 = arith.constant 0 : i32
      %sign3A_105 = arith.cmpi slt, %add3A_72, %sign3A_104 : i32
      %sign3A_106 = arith.extui %sign3A_105 : i1 to i32
      %sign3A_107 = arith.subi %sign3A_103, %sign3A_106 : i32
      %sign3A_108 = arith.constant 0 : i32
      %sign3A_109 = arith.cmpi sgt, %jit3A, %sign3A_108 : i32
      %sign3A_110 = arith.extui %sign3A_109 : i1 to i32
      %sign3A_111 = arith.constant 0 : i32
      %sign3A_112 = arith.cmpi slt, %jit3A, %sign3A_111 : i32
      %sign3A_113 = arith.extui %sign3A_112 : i1 to i32
      %sign3A_114 = arith.subi %sign3A_110, %sign3A_113 : i32
      %ne3A = arith.cmpi ne, %sign3A_107, %sign3A_114 : i32
      %rem3A_115 = arith.remsi %add3A_72, %jit3A : i32
      %ne3A_116 = arith.constant 0 : i32
      %ne3A_117 = arith.cmpi ne, %rem3A_115, %ne3A_116 : i32
      %and3A = arith.andi %ne3A, %ne3A_117 : i1
      %sub3A_118 = arith.constant 1 : i32
      %sub3A_119 = arith.subi %div3A, %sub3A_118 : i32
      %select_n3A_120 = arith.select %and3A, %sub3A_119, %div3A : i32
      %jit3A_121 = arith.constant 128 : i32
      %eq3A_122 = arith.constant 0 : i32
      %eq3A_123 = arith.cmpi eq, %jit3A_121, %eq3A_122 : i32
      %jit3A_124 = arith.constant 1 : i32
      %select_n3A_125 = arith.select %eq3A_123, %jit3A_124, %jit3A_121 : i32
      %rem3A_126 = arith.remsi %add3A_72, %select_n3A_125 : i32
      %ne3A_127 = arith.constant 0 : i32
      %ne3A_128 = arith.cmpi ne, %rem3A_126, %ne3A_127 : i32
      %lt3A = arith.constant 0 : i32
      %lt3A_129 = arith.cmpi slt, %rem3A_126, %lt3A : i32
      %lt3A_130 = arith.constant 0 : i32
      %lt3A_131 = arith.cmpi slt, %select_n3A_125, %lt3A_130 : i32
      %ne3A_132 = arith.xori %lt3A_129, %lt3A_131 : i1
      %and3A_133 = arith.andi %ne3A_132, %ne3A_128 : i1
      %add3A_134 = arith.addi %rem3A_126, %select_n3A_125 : i32
      %select_n3A_135 = arith.select %and3A_133, %add3A_134, %rem3A_126 : i32
      %mul3A_136 = arith.constant 1 : i32
      %mul3A_137 = arith.muli %mul3A_136, %select_n3A_120 : i32
      %mul3A_138 = arith.constant 128 : i32
      %mul3A_139 = arith.muli %mul3A_138, %select_n3A_135 : i32
      %dma_wait3A = arith.constant 0 : i32
      %dma_wait3A_140 = arith.constant 0 : i32
      %dma_wait3A_141 = arith.constant 0 : i32
      %dma_wait3A_142 = tpu.memref_slice %run_scoped3A_8[%rem3A_101, %dma_wait3A, %dma_wait3A_140, %dma_wait3A_141] : memref<2x1x32x128xf32, #tpu.memory_space<vmem>> -> memref<1x1x32x128xf32, #tpu.memory_space<vmem>>
      %dma_wait3A_143 = tpu.memref_squeeze %dma_wait3A_142 : memref<1x1x32x128xf32, #tpu.memory_space<vmem>> -> memref<1x32x128xf32, #tpu.memory_space<vmem>>
      %dma_wait3A_144 = arith.constant 0 : i32
      %dma_wait3A_145 = tpu.memref_slice %arg3[%mul3A_137, %dma_wait3A_144, %mul3A_139] : memref<200x32x16384xf32, #tpu.memory_space<hbm>> -> memref<1x32x128xf32, #tpu.memory_space<hbm>>
      %dma_wait3A_146 = tpu.memref_slice %run_scoped3A_9[%rem3A_101] : memref<2x!tpu.dma_semaphore, #tpu.memory_space<semaphore_mem>> -> memref<1x!tpu.dma_semaphore, #tpu.memory_space<semaphore_mem>>
      %dma_wait3A_147 = tpu.memref_squeeze %dma_wait3A_146 : memref<1x!tpu.dma_semaphore, #tpu.memory_space<semaphore_mem>> -> memref<!tpu.dma_semaphore, #tpu.memory_space<semaphore_mem>>
      %dma_wait3A_148 = arith.constant 0 : i32
      %dma_wait3A_149 = tpu.memref_slice %arg3[%mul3A_137, %dma_wait3A_148, %mul3A_139] : memref<200x32x16384xf32, #tpu.memory_space<hbm>> -> memref<1x32x128xf32, #tpu.memory_space<hbm>>
      %dma_wait3A_150 = arith.constant 0 : i32
      %dma_wait3A_151 = arith.constant 0 : i32
      %dma_wait3A_152 = arith.constant 0 : i32
      %dma_wait3A_153 = tpu.memref_slice %run_scoped3A_8[%rem3A_101, %dma_wait3A_150, %dma_wait3A_151, %dma_wait3A_152] : memref<2x1x32x128xf32, #tpu.memory_space<vmem>> -> memref<1x1x32x128xf32, #tpu.memory_space<vmem>>
      %dma_wait3A_154 = tpu.memref_squeeze %dma_wait3A_153 : memref<1x1x32x128xf32, #tpu.memory_space<vmem>> -> memref<1x32x128xf32, #tpu.memory_space<vmem>>
      tpu.wait_dma2 semaphore(%dma_wait3A_147 : memref<!tpu.dma_semaphore, #tpu.memory_space<semaphore_mem>>) src(%dma_wait3A_154 : memref<1x32x128xf32, #tpu.memory_space<vmem>>) dst(%dma_wait3A_149 : memref<1x32x128xf32, #tpu.memory_space<hbm>>)
      "tpu.trace_stop"() : () -> ()
      tpu.yield
    }) : () -> ()
    return
  }
}

#map = affine_map<(d0, d1) -> (0, 0)>
module attributes {stable_mosaic.version = 14 : i64} {
  func.func @gather_k(%arg0: i32, %arg1: i32, %arg2: memref<100000x32xf32, #tpu.memory_space<hbm>>, %arg3: memref<25600x128xi32, #tpu.memory_space<hbm>>, %arg4: memref<3276800x32xf32, #tpu.memory_space<hbm>>, %arg5: memref<!tpu.dma_semaphore, #tpu.memory_space<semaphore_mem>>) attributes {dimension_semantics = [#tpu.dimension_semantics<core_parallel>, #tpu.dimension_semantics<subcore_parallel>], iteration_bounds = array<i64: 2, 16>, scalar_prefetch = 0 : i64, scratch_operands = 1 : i64, tpu.core_type = #tpu.core_type<sc_vector_subcore>, window_params = [{transform_indices = #map}, {transform_indices = #map}, {transform_indices = #map}]} {
    %mul3A = arith.constant 1 : i32
    %mul3A_0 = arith.muli %arg1, %mul3A : i32
    %add3A = arith.constant 0 : i32
    %add3A_1 = arith.addi %add3A, %mul3A_0 : i32
    %mul3A_2 = arith.constant 16 : i32
    %mul3A_3 = arith.muli %arg0, %mul3A_2 : i32
    %add3A_4 = arith.addi %add3A_1, %mul3A_3 : i32
    %mul3A_5 = arith.constant 80 : i32
    %mul3A_6 = arith.muli %add3A_4, %mul3A_5 : i32
    "tpu.region"() ({
      %run_scoped3A = memref.alloca() : memref<2x10x128xi32, #tpu.memory_space<vmem>>
      %run_scoped3A_7 = tpu.sem_alloc : memref<2x!tpu.dma_semaphore, #tpu.memory_space<semaphore_mem>>
      %run_scoped3A_8 = memref.alloca() : memref<2x1280x32xf32, #tpu.memory_space<vmem>>
      %run_scoped3A_9 = tpu.sem_alloc : memref<2x!tpu.dma_semaphore, #tpu.memory_space<semaphore_mem>>
      %add3A_10 = arith.constant 0 : i32
      %add3A_11 = arith.addi %add3A_10, %mul3A_6 : i32
      %select_n3A = arith.constant true
      %select_n3A_12 = arith.constant 0 : i32
      %select_n3A_13 = arith.constant -1 : i32
      %select_n3A_14 = arith.select %select_n3A, %select_n3A_13, %select_n3A_12 : i32
      %eq3A = arith.constant -1 : i32
      %eq3A_15 = arith.cmpi eq, %select_n3A_14, %eq3A : i32
      %select_n3A_16 = arith.constant 79 : i32
      %select_n3A_17 = arith.select %eq3A_15, %select_n3A_16, %select_n3A_14 : i32
      %add3A_18 = arith.addi %select_n3A_17, %mul3A_6 : i32
      %select_n3A_19 = arith.constant true
      %select_n3A_20 = arith.constant 0 : i32
      %select_n3A_21 = arith.constant 1 : i32
      %select_n3A_22 = arith.select %select_n3A_19, %select_n3A_21, %select_n3A_20 : i32
      %eq3A_23 = arith.constant 80 : i32
      %eq3A_24 = arith.cmpi eq, %select_n3A_22, %eq3A_23 : i32
      %select_n3A_25 = arith.constant 0 : i32
      %select_n3A_26 = arith.select %eq3A_24, %select_n3A_25, %select_n3A_22 : i32
      %add3A_27 = arith.addi %select_n3A_26, %mul3A_6 : i32
      %add3A_28 = arith.constant 1 : i32
      %add3A_29 = arith.addi %select_n3A_26, %add3A_28 : i32
      %select_n3A_30 = arith.constant true
      %select_n3A_31 = arith.select %select_n3A_30, %add3A_29, %select_n3A_26 : i32
      %eq3A_32 = arith.constant 80 : i32
      %eq3A_33 = arith.cmpi eq, %select_n3A_31, %eq3A_32 : i32
      %select_n3A_34 = arith.constant 0 : i32
      %select_n3A_35 = arith.select %eq3A_33, %select_n3A_34, %select_n3A_31 : i32
      %add3A_36 = arith.addi %select_n3A_35, %mul3A_6 : i32
      "tpu.trace_start"() <{level = 10 : i32, message = "ep_initialize_0"}> : () -> ()
      %rem3A = arith.constant 0 : i32
      %rem3A_37 = arith.constant 2 : i32
      %rem3A_38 = arith.remui %rem3A, %rem3A_37 : i32
      %mul3A_39 = arith.constant 10 : i32
      %mul3A_40 = arith.muli %mul3A_39, %add3A_11 : i32
      %dma_start3A = arith.constant 0 : i32
      %dma_start3A_41 = arith.constant 0 : i32
      %dma_start3A_42 = tpu.memref_slice %run_scoped3A[%rem3A_38, %dma_start3A, %dma_start3A_41] : memref<2x10x128xi32, #tpu.memory_space<vmem>> -> memref<1x10x128xi32, #tpu.memory_space<vmem>>
      %dma_start3A_43 = tpu.memref_squeeze %dma_start3A_42 : memref<1x10x128xi32, #tpu.memory_space<vmem>> -> memref<10x128xi32, #tpu.memory_space<vmem>>
      %dma_start3A_44 = arith.constant 0 : i32
      %dma_start3A_45 = tpu.memref_slice %arg3[%mul3A_40, %dma_start3A_44] : memref<25600x128xi32, #tpu.memory_space<hbm>> -> memref<10x128xi32, #tpu.memory_space<hbm>>
      %dma_start3A_46 = tpu.memref_slice %run_scoped3A_7[%rem3A_38] : memref<2x!tpu.dma_semaphore, #tpu.memory_space<semaphore_mem>> -> memref<1x!tpu.dma_semaphore, #tpu.memory_space<semaphore_mem>>
      %dma_start3A_47 = tpu.memref_squeeze %dma_start3A_46 : memref<1x!tpu.dma_semaphore, #tpu.memory_space<semaphore_mem>> -> memref<!tpu.dma_semaphore, #tpu.memory_space<semaphore_mem>>
      %dma_start3A_48 = arith.constant 0 : i32
      %dma_start3A_49 = arith.constant 0 : i32
      %dma_start3A_50 = tpu.memref_slice %run_scoped3A[%rem3A_38, %dma_start3A_48, %dma_start3A_49] : memref<2x10x128xi32, #tpu.memory_space<vmem>> -> memref<1x10x128xi32, #tpu.memory_space<vmem>>
      %dma_start3A_51 = tpu.memref_squeeze %dma_start3A_50 : memref<1x10x128xi32, #tpu.memory_space<vmem>> -> memref<10x128xi32, #tpu.memory_space<vmem>>
      %dma_start3A_52 = arith.constant 0 : i32
      %dma_start3A_53 = tpu.memref_slice %arg3[%mul3A_40, %dma_start3A_52] : memref<25600x128xi32, #tpu.memory_space<hbm>> -> memref<10x128xi32, #tpu.memory_space<hbm>>
      tpu.enqueue_dma source(%dma_start3A_53 : memref<10x128xi32, #tpu.memory_space<hbm>>) target(%dma_start3A_51 : memref<10x128xi32, #tpu.memory_space<vmem>>) target_semaphore(%dma_start3A_47 : memref<!tpu.dma_semaphore, #tpu.memory_space<semaphore_mem>>)
      %add3A_54 = arith.constant 0 : i32
      %add3A_55 = arith.constant 1 : i32
      %add3A_56 = arith.addi %add3A_54, %add3A_55 : i32
      %select_n3A_57 = arith.constant true
      %select_n3A_58 = arith.constant 0 : i32
      %select_n3A_59 = arith.select %select_n3A_57, %add3A_56, %select_n3A_58 : i32
      "tpu.trace_stop"() : () -> ()
      %scan3A = arith.constant 0 : i32
      %scan3A_60 = arith.constant 0 : i32
      %scan3A_61 = arith.constant 0 : i32
      %scan3A_62 = arith.constant 0 : i32
      %scan3A_63 = arith.constant 0 : i32
      %scan3A_64 = arith.constant 80 : i32
      %scan3A_65 = arith.addi %scan3A_63, %scan3A_64 : i32
      %scan3A_66 = arith.constant 1 : i32
      %scan3A_67:5 = scf.for %scan3A_121 = %scan3A_63 to %scan3A_65 step %scan3A_66 iter_args(%scan3A_122 = %select_n3A_59, %scan3A_123 = %scan3A, %scan3A_124 = %scan3A_60, %scan3A_125 = %scan3A_61, %scan3A_126 = %scan3A_62) -> (i32, i32, i32, i32, i32)  : i32 {
        %eq3A_127 = arith.constant 0 : i32
        %eq3A_128 = arith.cmpi eq, %scan3A_121, %eq3A_127 : i32
        %eq3A_129 = arith.constant 79 : i32
        %eq3A_130 = arith.cmpi eq, %scan3A_121, %eq3A_129 : i32
        %add3A_131 = arith.addi %scan3A_126, %mul3A_6 : i32
        %sub3A_132 = arith.constant 1 : i32
        %sub3A_133 = arith.subi %scan3A_126, %sub3A_132 : i32
        %select_n3A_134 = arith.constant true
        %select_n3A_135 = arith.select %select_n3A_134, %sub3A_133, %scan3A_126 : i32
        %eq3A_136 = arith.constant -1 : i32
        %eq3A_137 = arith.cmpi eq, %select_n3A_135, %eq3A_136 : i32
        %select_n3A_138 = arith.constant 79 : i32
        %select_n3A_139 = arith.select %eq3A_137, %select_n3A_138, %select_n3A_135 : i32
        %add3A_140 = arith.addi %select_n3A_139, %mul3A_6 : i32
        %add3A_141 = arith.constant 1 : i32
        %add3A_142 = arith.addi %scan3A_126, %add3A_141 : i32
        %select_n3A_143 = arith.constant true
        %select_n3A_144 = arith.select %select_n3A_143, %add3A_142, %scan3A_126 : i32
        %eq3A_145 = arith.constant 80 : i32
        %eq3A_146 = arith.cmpi eq, %select_n3A_144, %eq3A_145 : i32
        %select_n3A_147 = arith.constant 0 : i32
        %select_n3A_148 = arith.select %eq3A_146, %select_n3A_147, %select_n3A_144 : i32
        %add3A_149 = arith.addi %select_n3A_148, %mul3A_6 : i32
        %add3A_150 = arith.constant 1 : i32
        %add3A_151 = arith.addi %select_n3A_148, %add3A_150 : i32
        %select_n3A_152 = arith.constant true
        %select_n3A_153 = arith.select %select_n3A_152, %add3A_151, %select_n3A_148 : i32
        %eq3A_154 = arith.constant 80 : i32
        %eq3A_155 = arith.cmpi eq, %select_n3A_153, %eq3A_154 : i32
        %select_n3A_156 = arith.constant 0 : i32
        %select_n3A_157 = arith.select %eq3A_155, %select_n3A_156, %select_n3A_153 : i32
        %add3A_158 = arith.addi %select_n3A_157, %mul3A_6 : i32
        %ne3A = arith.cmpi ne, %add3A_131, %add3A_149 : i32
        %or3A = arith.constant false
        %or3A_159 = arith.ori %or3A, %ne3A : i1
        %or3A_160 = arith.constant false
        %or3A_161 = arith.ori %or3A_159, %or3A_160 : i1
        %ge3A = arith.constant 79 : i32
        %ge3A_162 = arith.cmpi sge, %scan3A_121, %ge3A : i32
        %not3A = arith.constant true
        %not3A_163 = arith.xori %ge3A_162, %not3A : i1
        %and3A = arith.andi %or3A_161, %not3A_163 : i1
        %convert_element_type3A = arith.extui %and3A : i1 to i32
        %cond3A = arith.constant 0 : i32
        %cond3A_164 = arith.cmpi ne, %convert_element_type3A, %cond3A : i32
        scf.if %cond3A_164 {
          "tpu.trace_start"() <{level = 10 : i32, message = "ep_copy_in"}> : () -> ()
          %rem3A_633 = arith.constant 2 : i32
          %rem3A_634 = arith.remui %scan3A_122, %rem3A_633 : i32
          %mul3A_635 = arith.constant 10 : i32
          %mul3A_636 = arith.muli %mul3A_635, %add3A_149 : i32
          %dma_start3A_637 = arith.constant 0 : i32
          %dma_start3A_638 = arith.constant 0 : i32
          %dma_start3A_639 = tpu.memref_slice %run_scoped3A[%rem3A_634, %dma_start3A_637, %dma_start3A_638] : memref<2x10x128xi32, #tpu.memory_space<vmem>> -> memref<1x10x128xi32, #tpu.memory_space<vmem>>
          %dma_start3A_640 = tpu.memref_squeeze %dma_start3A_639 : memref<1x10x128xi32, #tpu.memory_space<vmem>> -> memref<10x128xi32, #tpu.memory_space<vmem>>
          %dma_start3A_641 = arith.constant 0 : i32
          %dma_start3A_642 = tpu.memref_slice %arg3[%mul3A_636, %dma_start3A_641] : memref<25600x128xi32, #tpu.memory_space<hbm>> -> memref<10x128xi32, #tpu.memory_space<hbm>>
          %dma_start3A_643 = tpu.memref_slice %run_scoped3A_7[%rem3A_634] : memref<2x!tpu.dma_semaphore, #tpu.memory_space<semaphore_mem>> -> memref<1x!tpu.dma_semaphore, #tpu.memory_space<semaphore_mem>>
          %dma_start3A_644 = tpu.memref_squeeze %dma_start3A_643 : memref<1x!tpu.dma_semaphore, #tpu.memory_space<semaphore_mem>> -> memref<!tpu.dma_semaphore, #tpu.memory_space<semaphore_mem>>
          %dma_start3A_645 = arith.constant 0 : i32
          %dma_start3A_646 = arith.constant 0 : i32
          %dma_start3A_647 = tpu.memref_slice %run_scoped3A[%rem3A_634, %dma_start3A_645, %dma_start3A_646] : memref<2x10x128xi32, #tpu.memory_space<vmem>> -> memref<1x10x128xi32, #tpu.memory_space<vmem>>
          %dma_start3A_648 = tpu.memref_squeeze %dma_start3A_647 : memref<1x10x128xi32, #tpu.memory_space<vmem>> -> memref<10x128xi32, #tpu.memory_space<vmem>>
          %dma_start3A_649 = arith.constant 0 : i32
          %dma_start3A_650 = tpu.memref_slice %arg3[%mul3A_636, %dma_start3A_649] : memref<25600x128xi32, #tpu.memory_space<hbm>> -> memref<10x128xi32, #tpu.memory_space<hbm>>
          tpu.enqueue_dma source(%dma_start3A_650 : memref<10x128xi32, #tpu.memory_space<hbm>>) target(%dma_start3A_648 : memref<10x128xi32, #tpu.memory_space<vmem>>) target_semaphore(%dma_start3A_644 : memref<!tpu.dma_semaphore, #tpu.memory_space<semaphore_mem>>)
          "tpu.trace_stop"() : () -> ()
        } else {
        }
        %and3A_165 = arith.constant true
        %and3A_166 = arith.andi %and3A, %and3A_165 : i1
        %add3A_167 = arith.constant 1 : i32
        %add3A_168 = arith.addi %scan3A_122, %add3A_167 : i32
        %select_n3A_169 = arith.select %and3A_166, %add3A_168, %scan3A_122 : i32
        %ne3A_170 = arith.cmpi ne, %add3A_131, %add3A_149 : i32
        %or3A_171 = arith.constant false
        %or3A_172 = arith.ori %or3A_171, %ne3A_170 : i1
        %or3A_173 = arith.constant false
        %or3A_174 = arith.ori %or3A_172, %or3A_173 : i1
        %ge3A_175 = arith.constant 79 : i32
        %ge3A_176 = arith.cmpi sge, %scan3A_121, %ge3A_175 : i32
        %not3A_177 = arith.constant true
        %not3A_178 = arith.xori %ge3A_176, %not3A_177 : i1
        %and3A_179 = arith.andi %or3A_174, %not3A_178 : i1
        %ne3A_180 = arith.cmpi ne, %add3A_131, %add3A_140 : i32
        %or3A_181 = arith.constant false
        %or3A_182 = arith.ori %or3A_181, %ne3A_180 : i1
        %or3A_183 = arith.constant false
        %or3A_184 = arith.ori %or3A_182, %or3A_183 : i1
        %or3A_185 = arith.ori %or3A_184, %eq3A_128 : i1
        %convert_element_type3A_186 = arith.extui %or3A_185 : i1 to i32
        %cond3A_187 = arith.constant 0 : i32
        %cond3A_188 = arith.cmpi ne, %convert_element_type3A_186, %cond3A_187 : i32
        scf.if %cond3A_188 {
          "tpu.trace_start"() <{level = 10 : i32, message = "ep_wait_in"}> : () -> ()
          %mul3A_633 = arith.constant 10 : i32
          %mul3A_634 = arith.muli %mul3A_633, %add3A_131 : i32
          %rem3A_635 = arith.constant 2 : i32
          %rem3A_636 = arith.remui %scan3A_123, %rem3A_635 : i32
          %dma_wait3A_637 = arith.constant 0 : i32
          %dma_wait3A_638 = arith.constant 0 : i32
          %dma_wait3A_639 = tpu.memref_slice %run_scoped3A[%rem3A_636, %dma_wait3A_637, %dma_wait3A_638] : memref<2x10x128xi32, #tpu.memory_space<vmem>> -> memref<1x10x128xi32, #tpu.memory_space<vmem>>
          %dma_wait3A_640 = tpu.memref_squeeze %dma_wait3A_639 : memref<1x10x128xi32, #tpu.memory_space<vmem>> -> memref<10x128xi32, #tpu.memory_space<vmem>>
          %dma_wait3A_641 = arith.constant 0 : i32
          %dma_wait3A_642 = tpu.memref_slice %arg3[%mul3A_634, %dma_wait3A_641] : memref<25600x128xi32, #tpu.memory_space<hbm>> -> memref<10x128xi32, #tpu.memory_space<hbm>>
          %dma_wait3A_643 = tpu.memref_slice %run_scoped3A_7[%rem3A_636] : memref<2x!tpu.dma_semaphore, #tpu.memory_space<semaphore_mem>> -> memref<1x!tpu.dma_semaphore, #tpu.memory_space<semaphore_mem>>
          %dma_wait3A_644 = tpu.memref_squeeze %dma_wait3A_643 : memref<1x!tpu.dma_semaphore, #tpu.memory_space<semaphore_mem>> -> memref<!tpu.dma_semaphore, #tpu.memory_space<semaphore_mem>>
          %dma_wait3A_645 = arith.constant 0 : i32
          %dma_wait3A_646 = arith.constant 0 : i32
          %dma_wait3A_647 = tpu.memref_slice %run_scoped3A[%rem3A_636, %dma_wait3A_645, %dma_wait3A_646] : memref<2x10x128xi32, #tpu.memory_space<vmem>> -> memref<1x10x128xi32, #tpu.memory_space<vmem>>
          %dma_wait3A_648 = tpu.memref_squeeze %dma_wait3A_647 : memref<1x10x128xi32, #tpu.memory_space<vmem>> -> memref<10x128xi32, #tpu.memory_space<vmem>>
          %dma_wait3A_649 = arith.constant 0 : i32
          %dma_wait3A_650 = tpu.memref_slice %arg3[%mul3A_634, %dma_wait3A_649] : memref<25600x128xi32, #tpu.memory_space<hbm>> -> memref<10x128xi32, #tpu.memory_space<hbm>>
          tpu.wait_dma2 semaphore(%dma_wait3A_644 : memref<!tpu.dma_semaphore, #tpu.memory_space<semaphore_mem>>) src(%dma_wait3A_650 : memref<10x128xi32, #tpu.memory_space<hbm>>) dst(%dma_wait3A_648 : memref<10x128xi32, #tpu.memory_space<vmem>>)
          "tpu.trace_stop"() : () -> ()
        } else {
        }
        %ne3A_189 = arith.cmpi ne, %add3A_131, %add3A_140 : i32
        %or3A_190 = arith.constant false
        %or3A_191 = arith.ori %or3A_190, %ne3A_189 : i1
        %or3A_192 = arith.constant false
        %or3A_193 = arith.ori %or3A_191, %or3A_192 : i1
        %or3A_194 = arith.ori %or3A_193, %eq3A_128 : i1
        %convert_element_type3A_195 = arith.extui %or3A_194 : i1 to i32
        %cond3A_196 = arith.constant 0 : i32
        %cond3A_197 = arith.cmpi ne, %convert_element_type3A_195, %cond3A_196 : i32
        scf.if %cond3A_197 {
        } else {
        }
        %rem3A_198 = arith.constant 2 : i32
        %rem3A_199 = arith.remui %scan3A_123, %rem3A_198 : i32
        %rem3A_200 = arith.constant 2 : i32
        %rem3A_201 = arith.remui %scan3A_124, %rem3A_200 : i32
        %dma_start3A_202 = arith.constant 0 : i32
        "tpu.trace_start"() <{level = 10 : i32, message = "ep_run_kernel"}> : () -> ()
        %dma_start3A_203 = arith.constant 0 : i32
        %dma_start3A_204 = arith.constant 0 : i32
        %dma_start3A_205 = tpu.memref_slice %run_scoped3A_8[%rem3A_201, %dma_start3A_203, %dma_start3A_204] : memref<2x1280x32xf32, #tpu.memory_space<vmem>> -> memref<1x1280x32xf32, #tpu.memory_space<vmem>>
        %dma_start3A_206 = tpu.memref_squeeze %dma_start3A_205 : memref<1x1280x32xf32, #tpu.memory_space<vmem>> -> memref<1280x32xf32, #tpu.memory_space<vmem>>
        %dma_start3A_207 = arith.constant 0 : i32
        %dma_start3A_208 = arith.constant 0 : i32
        %dma_start3A_209 = tpu.memref_slice %dma_start3A_206[%dma_start3A_207, %dma_start3A_208] : memref<1280x32xf32, #tpu.memory_space<vmem>> -> memref<128x32xf32, #tpu.memory_space<vmem>>
        %dma_start3A_210 = arith.constant 0 : i32
        %dma_start3A_211 = arith.constant 0 : i32
        %dma_start3A_212 = tpu.memref_slice %run_scoped3A[%rem3A_199, %dma_start3A_210, %dma_start3A_211] : memref<2x10x128xi32, #tpu.memory_space<vmem>> -> memref<1x10x128xi32, #tpu.memory_space<vmem>>
        %dma_start3A_213 = tpu.memref_squeeze %dma_start3A_212 : memref<1x10x128xi32, #tpu.memory_space<vmem>> -> memref<10x128xi32, #tpu.memory_space<vmem>>
        %dma_start3A_214 = arith.constant 0 : i32
        %dma_start3A_215 = tpu.memref_slice %dma_start3A_213[%dma_start3A_202, %dma_start3A_214] : memref<10x128xi32, #tpu.memory_space<vmem>> -> memref<1x128xi32, #tpu.memory_space<vmem>>
        %dma_start3A_216 = tpu.memref_squeeze %dma_start3A_215 : memref<1x128xi32, #tpu.memory_space<vmem>> -> memref<128xi32, #tpu.memory_space<vmem>>
        %dma_start3A_217 = arith.constant 0 : i32
        %dma_start3A_218 = arith.constant 0 : i32
        %dma_start3A_219 = tpu.memref_slice %arg2[%dma_start3A_217, %dma_start3A_218] : memref<100000x32xf32, #tpu.memory_space<hbm>> -> memref<100000x32xf32, #tpu.memory_space<hbm>>
        tpu.enqueue_indirect_dma source(%dma_start3A_219 : memref<100000x32xf32, #tpu.memory_space<hbm>>) target(%dma_start3A_209 : memref<128x32xf32, #tpu.memory_space<vmem>>) offsets(%dma_start3A_216 : memref<128xi32, #tpu.memory_space<vmem>>) semaphore(%arg5 : memref<!tpu.dma_semaphore, #tpu.memory_space<semaphore_mem>>)
        %dma_start3A_220 = arith.constant 1 : i32
        %dma_start3A_221 = arith.constant 0 : i32
        %dma_start3A_222 = arith.constant 0 : i32
        %dma_start3A_223 = tpu.memref_slice %run_scoped3A_8[%rem3A_201, %dma_start3A_221, %dma_start3A_222] : memref<2x1280x32xf32, #tpu.memory_space<vmem>> -> memref<1x1280x32xf32, #tpu.memory_space<vmem>>
        %dma_start3A_224 = tpu.memref_squeeze %dma_start3A_223 : memref<1x1280x32xf32, #tpu.memory_space<vmem>> -> memref<1280x32xf32, #tpu.memory_space<vmem>>
        %dma_start3A_225 = arith.constant 128 : i32
        %dma_start3A_226 = arith.constant 0 : i32
        %dma_start3A_227 = tpu.memref_slice %dma_start3A_224[%dma_start3A_225, %dma_start3A_226] : memref<1280x32xf32, #tpu.memory_space<vmem>> -> memref<128x32xf32, #tpu.memory_space<vmem>>
        %dma_start3A_228 = arith.constant 0 : i32
        %dma_start3A_229 = arith.constant 0 : i32
        %dma_start3A_230 = tpu.memref_slice %run_scoped3A[%rem3A_199, %dma_start3A_228, %dma_start3A_229] : memref<2x10x128xi32, #tpu.memory_space<vmem>> -> memref<1x10x128xi32, #tpu.memory_space<vmem>>
        %dma_start3A_231 = tpu.memref_squeeze %dma_start3A_230 : memref<1x10x128xi32, #tpu.memory_space<vmem>> -> memref<10x128xi32, #tpu.memory_space<vmem>>
        %dma_start3A_232 = arith.constant 0 : i32
        %dma_start3A_233 = tpu.memref_slice %dma_start3A_231[%dma_start3A_220, %dma_start3A_232] : memref<10x128xi32, #tpu.memory_space<vmem>> -> memref<1x128xi32, #tpu.memory_space<vmem>>
        %dma_start3A_234 = tpu.memref_squeeze %dma_start3A_233 : memref<1x128xi32, #tpu.memory_space<vmem>> -> memref<128xi32, #tpu.memory_space<vmem>>
        %dma_start3A_235 = arith.constant 0 : i32
        %dma_start3A_236 = arith.constant 0 : i32
        %dma_start3A_237 = tpu.memref_slice %arg2[%dma_start3A_235, %dma_start3A_236] : memref<100000x32xf32, #tpu.memory_space<hbm>> -> memref<100000x32xf32, #tpu.memory_space<hbm>>
        tpu.enqueue_indirect_dma source(%dma_start3A_237 : memref<100000x32xf32, #tpu.memory_space<hbm>>) target(%dma_start3A_227 : memref<128x32xf32, #tpu.memory_space<vmem>>) offsets(%dma_start3A_234 : memref<128xi32, #tpu.memory_space<vmem>>) semaphore(%arg5 : memref<!tpu.dma_semaphore, #tpu.memory_space<semaphore_mem>>)
        %dma_start3A_238 = arith.constant 2 : i32
        %dma_start3A_239 = arith.constant 0 : i32
        %dma_start3A_240 = arith.constant 0 : i32
        %dma_start3A_241 = tpu.memref_slice %run_scoped3A_8[%rem3A_201, %dma_start3A_239, %dma_start3A_240] : memref<2x1280x32xf32, #tpu.memory_space<vmem>> -> memref<1x1280x32xf32, #tpu.memory_space<vmem>>
        %dma_start3A_242 = tpu.memref_squeeze %dma_start3A_241 : memref<1x1280x32xf32, #tpu.memory_space<vmem>> -> memref<1280x32xf32, #tpu.memory_space<vmem>>
        %dma_start3A_243 = arith.constant 256 : i32
        %dma_start3A_244 = arith.constant 0 : i32
        %dma_start3A_245 = tpu.memref_slice %dma_start3A_242[%dma_start3A_243, %dma_start3A_244] : memref<1280x32xf32, #tpu.memory_space<vmem>> -> memref<128x32xf32, #tpu.memory_space<vmem>>
        %dma_start3A_246 = arith.constant 0 : i32
        %dma_start3A_247 = arith.constant 0 : i32
        %dma_start3A_248 = tpu.memref_slice %run_scoped3A[%rem3A_199, %dma_start3A_246, %dma_start3A_247] : memref<2x10x128xi32, #tpu.memory_space<vmem>> -> memref<1x10x128xi32, #tpu.memory_space<vmem>>
        %dma_start3A_249 = tpu.memref_squeeze %dma_start3A_248 : memref<1x10x128xi32, #tpu.memory_space<vmem>> -> memref<10x128xi32, #tpu.memory_space<vmem>>
        %dma_start3A_250 = arith.constant 0 : i32
        %dma_start3A_251 = tpu.memref_slice %dma_start3A_249[%dma_start3A_238, %dma_start3A_250] : memref<10x128xi32, #tpu.memory_space<vmem>> -> memref<1x128xi32, #tpu.memory_space<vmem>>
        %dma_start3A_252 = tpu.memref_squeeze %dma_start3A_251 : memref<1x128xi32, #tpu.memory_space<vmem>> -> memref<128xi32, #tpu.memory_space<vmem>>
        %dma_start3A_253 = arith.constant 0 : i32
        %dma_start3A_254 = arith.constant 0 : i32
        %dma_start3A_255 = tpu.memref_slice %arg2[%dma_start3A_253, %dma_start3A_254] : memref<100000x32xf32, #tpu.memory_space<hbm>> -> memref<100000x32xf32, #tpu.memory_space<hbm>>
        tpu.enqueue_indirect_dma source(%dma_start3A_255 : memref<100000x32xf32, #tpu.memory_space<hbm>>) target(%dma_start3A_245 : memref<128x32xf32, #tpu.memory_space<vmem>>) offsets(%dma_start3A_252 : memref<128xi32, #tpu.memory_space<vmem>>) semaphore(%arg5 : memref<!tpu.dma_semaphore, #tpu.memory_space<semaphore_mem>>)
        %dma_start3A_256 = arith.constant 3 : i32
        %dma_start3A_257 = arith.constant 0 : i32
        %dma_start3A_258 = arith.constant 0 : i32
        %dma_start3A_259 = tpu.memref_slice %run_scoped3A_8[%rem3A_201, %dma_start3A_257, %dma_start3A_258] : memref<2x1280x32xf32, #tpu.memory_space<vmem>> -> memref<1x1280x32xf32, #tpu.memory_space<vmem>>
        %dma_start3A_260 = tpu.memref_squeeze %dma_start3A_259 : memref<1x1280x32xf32, #tpu.memory_space<vmem>> -> memref<1280x32xf32, #tpu.memory_space<vmem>>
        %dma_start3A_261 = arith.constant 384 : i32
        %dma_start3A_262 = arith.constant 0 : i32
        %dma_start3A_263 = tpu.memref_slice %dma_start3A_260[%dma_start3A_261, %dma_start3A_262] : memref<1280x32xf32, #tpu.memory_space<vmem>> -> memref<128x32xf32, #tpu.memory_space<vmem>>
        %dma_start3A_264 = arith.constant 0 : i32
        %dma_start3A_265 = arith.constant 0 : i32
        %dma_start3A_266 = tpu.memref_slice %run_scoped3A[%rem3A_199, %dma_start3A_264, %dma_start3A_265] : memref<2x10x128xi32, #tpu.memory_space<vmem>> -> memref<1x10x128xi32, #tpu.memory_space<vmem>>
        %dma_start3A_267 = tpu.memref_squeeze %dma_start3A_266 : memref<1x10x128xi32, #tpu.memory_space<vmem>> -> memref<10x128xi32, #tpu.memory_space<vmem>>
        %dma_start3A_268 = arith.constant 0 : i32
        %dma_start3A_269 = tpu.memref_slice %dma_start3A_267[%dma_start3A_256, %dma_start3A_268] : memref<10x128xi32, #tpu.memory_space<vmem>> -> memref<1x128xi32, #tpu.memory_space<vmem>>
        %dma_start3A_270 = tpu.memref_squeeze %dma_start3A_269 : memref<1x128xi32, #tpu.memory_space<vmem>> -> memref<128xi32, #tpu.memory_space<vmem>>
        %dma_start3A_271 = arith.constant 0 : i32
        %dma_start3A_272 = arith.constant 0 : i32
        %dma_start3A_273 = tpu.memref_slice %arg2[%dma_start3A_271, %dma_start3A_272] : memref<100000x32xf32, #tpu.memory_space<hbm>> -> memref<100000x32xf32, #tpu.memory_space<hbm>>
        tpu.enqueue_indirect_dma source(%dma_start3A_273 : memref<100000x32xf32, #tpu.memory_space<hbm>>) target(%dma_start3A_263 : memref<128x32xf32, #tpu.memory_space<vmem>>) offsets(%dma_start3A_270 : memref<128xi32, #tpu.memory_space<vmem>>) semaphore(%arg5 : memref<!tpu.dma_semaphore, #tpu.memory_space<semaphore_mem>>)
        %dma_start3A_274 = arith.constant 4 : i32
        %dma_start3A_275 = arith.constant 0 : i32
        %dma_start3A_276 = arith.constant 0 : i32
        %dma_start3A_277 = tpu.memref_slice %run_scoped3A_8[%rem3A_201, %dma_start3A_275, %dma_start3A_276] : memref<2x1280x32xf32, #tpu.memory_space<vmem>> -> memref<1x1280x32xf32, #tpu.memory_space<vmem>>
        %dma_start3A_278 = tpu.memref_squeeze %dma_start3A_277 : memref<1x1280x32xf32, #tpu.memory_space<vmem>> -> memref<1280x32xf32, #tpu.memory_space<vmem>>
        %dma_start3A_279 = arith.constant 512 : i32
        %dma_start3A_280 = arith.constant 0 : i32
        %dma_start3A_281 = tpu.memref_slice %dma_start3A_278[%dma_start3A_279, %dma_start3A_280] : memref<1280x32xf32, #tpu.memory_space<vmem>> -> memref<128x32xf32, #tpu.memory_space<vmem>>
        %dma_start3A_282 = arith.constant 0 : i32
        %dma_start3A_283 = arith.constant 0 : i32
        %dma_start3A_284 = tpu.memref_slice %run_scoped3A[%rem3A_199, %dma_start3A_282, %dma_start3A_283] : memref<2x10x128xi32, #tpu.memory_space<vmem>> -> memref<1x10x128xi32, #tpu.memory_space<vmem>>
        %dma_start3A_285 = tpu.memref_squeeze %dma_start3A_284 : memref<1x10x128xi32, #tpu.memory_space<vmem>> -> memref<10x128xi32, #tpu.memory_space<vmem>>
        %dma_start3A_286 = arith.constant 0 : i32
        %dma_start3A_287 = tpu.memref_slice %dma_start3A_285[%dma_start3A_274, %dma_start3A_286] : memref<10x128xi32, #tpu.memory_space<vmem>> -> memref<1x128xi32, #tpu.memory_space<vmem>>
        %dma_start3A_288 = tpu.memref_squeeze %dma_start3A_287 : memref<1x128xi32, #tpu.memory_space<vmem>> -> memref<128xi32, #tpu.memory_space<vmem>>
        %dma_start3A_289 = arith.constant 0 : i32
        %dma_start3A_290 = arith.constant 0 : i32
        %dma_start3A_291 = tpu.memref_slice %arg2[%dma_start3A_289, %dma_start3A_290] : memref<100000x32xf32, #tpu.memory_space<hbm>> -> memref<100000x32xf32, #tpu.memory_space<hbm>>
        tpu.enqueue_indirect_dma source(%dma_start3A_291 : memref<100000x32xf32, #tpu.memory_space<hbm>>) target(%dma_start3A_281 : memref<128x32xf32, #tpu.memory_space<vmem>>) offsets(%dma_start3A_288 : memref<128xi32, #tpu.memory_space<vmem>>) semaphore(%arg5 : memref<!tpu.dma_semaphore, #tpu.memory_space<semaphore_mem>>)
        %dma_start3A_292 = arith.constant 5 : i32
        %dma_start3A_293 = arith.constant 0 : i32
        %dma_start3A_294 = arith.constant 0 : i32
        %dma_start3A_295 = tpu.memref_slice %run_scoped3A_8[%rem3A_201, %dma_start3A_293, %dma_start3A_294] : memref<2x1280x32xf32, #tpu.memory_space<vmem>> -> memref<1x1280x32xf32, #tpu.memory_space<vmem>>
        %dma_start3A_296 = tpu.memref_squeeze %dma_start3A_295 : memref<1x1280x32xf32, #tpu.memory_space<vmem>> -> memref<1280x32xf32, #tpu.memory_space<vmem>>
        %dma_start3A_297 = arith.constant 640 : i32
        %dma_start3A_298 = arith.constant 0 : i32
        %dma_start3A_299 = tpu.memref_slice %dma_start3A_296[%dma_start3A_297, %dma_start3A_298] : memref<1280x32xf32, #tpu.memory_space<vmem>> -> memref<128x32xf32, #tpu.memory_space<vmem>>
        %dma_start3A_300 = arith.constant 0 : i32
        %dma_start3A_301 = arith.constant 0 : i32
        %dma_start3A_302 = tpu.memref_slice %run_scoped3A[%rem3A_199, %dma_start3A_300, %dma_start3A_301] : memref<2x10x128xi32, #tpu.memory_space<vmem>> -> memref<1x10x128xi32, #tpu.memory_space<vmem>>
        %dma_start3A_303 = tpu.memref_squeeze %dma_start3A_302 : memref<1x10x128xi32, #tpu.memory_space<vmem>> -> memref<10x128xi32, #tpu.memory_space<vmem>>
        %dma_start3A_304 = arith.constant 0 : i32
        %dma_start3A_305 = tpu.memref_slice %dma_start3A_303[%dma_start3A_292, %dma_start3A_304] : memref<10x128xi32, #tpu.memory_space<vmem>> -> memref<1x128xi32, #tpu.memory_space<vmem>>
        %dma_start3A_306 = tpu.memref_squeeze %dma_start3A_305 : memref<1x128xi32, #tpu.memory_space<vmem>> -> memref<128xi32, #tpu.memory_space<vmem>>
        %dma_start3A_307 = arith.constant 0 : i32
        %dma_start3A_308 = arith.constant 0 : i32
        %dma_start3A_309 = tpu.memref_slice %arg2[%dma_start3A_307, %dma_start3A_308] : memref<100000x32xf32, #tpu.memory_space<hbm>> -> memref<100000x32xf32, #tpu.memory_space<hbm>>
        tpu.enqueue_indirect_dma source(%dma_start3A_309 : memref<100000x32xf32, #tpu.memory_space<hbm>>) target(%dma_start3A_299 : memref<128x32xf32, #tpu.memory_space<vmem>>) offsets(%dma_start3A_306 : memref<128xi32, #tpu.memory_space<vmem>>) semaphore(%arg5 : memref<!tpu.dma_semaphore, #tpu.memory_space<semaphore_mem>>)
        %dma_start3A_310 = arith.constant 6 : i32
        %dma_start3A_311 = arith.constant 0 : i32
        %dma_start3A_312 = arith.constant 0 : i32
        %dma_start3A_313 = tpu.memref_slice %run_scoped3A_8[%rem3A_201, %dma_start3A_311, %dma_start3A_312] : memref<2x1280x32xf32, #tpu.memory_space<vmem>> -> memref<1x1280x32xf32, #tpu.memory_space<vmem>>
        %dma_start3A_314 = tpu.memref_squeeze %dma_start3A_313 : memref<1x1280x32xf32, #tpu.memory_space<vmem>> -> memref<1280x32xf32, #tpu.memory_space<vmem>>
        %dma_start3A_315 = arith.constant 768 : i32
        %dma_start3A_316 = arith.constant 0 : i32
        %dma_start3A_317 = tpu.memref_slice %dma_start3A_314[%dma_start3A_315, %dma_start3A_316] : memref<1280x32xf32, #tpu.memory_space<vmem>> -> memref<128x32xf32, #tpu.memory_space<vmem>>
        %dma_start3A_318 = arith.constant 0 : i32
        %dma_start3A_319 = arith.constant 0 : i32
        %dma_start3A_320 = tpu.memref_slice %run_scoped3A[%rem3A_199, %dma_start3A_318, %dma_start3A_319] : memref<2x10x128xi32, #tpu.memory_space<vmem>> -> memref<1x10x128xi32, #tpu.memory_space<vmem>>
        %dma_start3A_321 = tpu.memref_squeeze %dma_start3A_320 : memref<1x10x128xi32, #tpu.memory_space<vmem>> -> memref<10x128xi32, #tpu.memory_space<vmem>>
        %dma_start3A_322 = arith.constant 0 : i32
        %dma_start3A_323 = tpu.memref_slice %dma_start3A_321[%dma_start3A_310, %dma_start3A_322] : memref<10x128xi32, #tpu.memory_space<vmem>> -> memref<1x128xi32, #tpu.memory_space<vmem>>
        %dma_start3A_324 = tpu.memref_squeeze %dma_start3A_323 : memref<1x128xi32, #tpu.memory_space<vmem>> -> memref<128xi32, #tpu.memory_space<vmem>>
        %dma_start3A_325 = arith.constant 0 : i32
        %dma_start3A_326 = arith.constant 0 : i32
        %dma_start3A_327 = tpu.memref_slice %arg2[%dma_start3A_325, %dma_start3A_326] : memref<100000x32xf32, #tpu.memory_space<hbm>> -> memref<100000x32xf32, #tpu.memory_space<hbm>>
        tpu.enqueue_indirect_dma source(%dma_start3A_327 : memref<100000x32xf32, #tpu.memory_space<hbm>>) target(%dma_start3A_317 : memref<128x32xf32, #tpu.memory_space<vmem>>) offsets(%dma_start3A_324 : memref<128xi32, #tpu.memory_space<vmem>>) semaphore(%arg5 : memref<!tpu.dma_semaphore, #tpu.memory_space<semaphore_mem>>)
        %dma_start3A_328 = arith.constant 7 : i32
        %dma_start3A_329 = arith.constant 0 : i32
        %dma_start3A_330 = arith.constant 0 : i32
        %dma_start3A_331 = tpu.memref_slice %run_scoped3A_8[%rem3A_201, %dma_start3A_329, %dma_start3A_330] : memref<2x1280x32xf32, #tpu.memory_space<vmem>> -> memref<1x1280x32xf32, #tpu.memory_space<vmem>>
        %dma_start3A_332 = tpu.memref_squeeze %dma_start3A_331 : memref<1x1280x32xf32, #tpu.memory_space<vmem>> -> memref<1280x32xf32, #tpu.memory_space<vmem>>
        %dma_start3A_333 = arith.constant 896 : i32
        %dma_start3A_334 = arith.constant 0 : i32
        %dma_start3A_335 = tpu.memref_slice %dma_start3A_332[%dma_start3A_333, %dma_start3A_334] : memref<1280x32xf32, #tpu.memory_space<vmem>> -> memref<128x32xf32, #tpu.memory_space<vmem>>
        %dma_start3A_336 = arith.constant 0 : i32
        %dma_start3A_337 = arith.constant 0 : i32
        %dma_start3A_338 = tpu.memref_slice %run_scoped3A[%rem3A_199, %dma_start3A_336, %dma_start3A_337] : memref<2x10x128xi32, #tpu.memory_space<vmem>> -> memref<1x10x128xi32, #tpu.memory_space<vmem>>
        %dma_start3A_339 = tpu.memref_squeeze %dma_start3A_338 : memref<1x10x128xi32, #tpu.memory_space<vmem>> -> memref<10x128xi32, #tpu.memory_space<vmem>>
        %dma_start3A_340 = arith.constant 0 : i32
        %dma_start3A_341 = tpu.memref_slice %dma_start3A_339[%dma_start3A_328, %dma_start3A_340] : memref<10x128xi32, #tpu.memory_space<vmem>> -> memref<1x128xi32, #tpu.memory_space<vmem>>
        %dma_start3A_342 = tpu.memref_squeeze %dma_start3A_341 : memref<1x128xi32, #tpu.memory_space<vmem>> -> memref<128xi32, #tpu.memory_space<vmem>>
        %dma_start3A_343 = arith.constant 0 : i32
        %dma_start3A_344 = arith.constant 0 : i32
        %dma_start3A_345 = tpu.memref_slice %arg2[%dma_start3A_343, %dma_start3A_344] : memref<100000x32xf32, #tpu.memory_space<hbm>> -> memref<100000x32xf32, #tpu.memory_space<hbm>>
        tpu.enqueue_indirect_dma source(%dma_start3A_345 : memref<100000x32xf32, #tpu.memory_space<hbm>>) target(%dma_start3A_335 : memref<128x32xf32, #tpu.memory_space<vmem>>) offsets(%dma_start3A_342 : memref<128xi32, #tpu.memory_space<vmem>>) semaphore(%arg5 : memref<!tpu.dma_semaphore, #tpu.memory_space<semaphore_mem>>)
        %dma_start3A_346 = arith.constant 8 : i32
        %dma_start3A_347 = arith.constant 0 : i32
        %dma_start3A_348 = arith.constant 0 : i32
        %dma_start3A_349 = tpu.memref_slice %run_scoped3A_8[%rem3A_201, %dma_start3A_347, %dma_start3A_348] : memref<2x1280x32xf32, #tpu.memory_space<vmem>> -> memref<1x1280x32xf32, #tpu.memory_space<vmem>>
        %dma_start3A_350 = tpu.memref_squeeze %dma_start3A_349 : memref<1x1280x32xf32, #tpu.memory_space<vmem>> -> memref<1280x32xf32, #tpu.memory_space<vmem>>
        %dma_start3A_351 = arith.constant 1024 : i32
        %dma_start3A_352 = arith.constant 0 : i32
        %dma_start3A_353 = tpu.memref_slice %dma_start3A_350[%dma_start3A_351, %dma_start3A_352] : memref<1280x32xf32, #tpu.memory_space<vmem>> -> memref<128x32xf32, #tpu.memory_space<vmem>>
        %dma_start3A_354 = arith.constant 0 : i32
        %dma_start3A_355 = arith.constant 0 : i32
        %dma_start3A_356 = tpu.memref_slice %run_scoped3A[%rem3A_199, %dma_start3A_354, %dma_start3A_355] : memref<2x10x128xi32, #tpu.memory_space<vmem>> -> memref<1x10x128xi32, #tpu.memory_space<vmem>>
        %dma_start3A_357 = tpu.memref_squeeze %dma_start3A_356 : memref<1x10x128xi32, #tpu.memory_space<vmem>> -> memref<10x128xi32, #tpu.memory_space<vmem>>
        %dma_start3A_358 = arith.constant 0 : i32
        %dma_start3A_359 = tpu.memref_slice %dma_start3A_357[%dma_start3A_346, %dma_start3A_358] : memref<10x128xi32, #tpu.memory_space<vmem>> -> memref<1x128xi32, #tpu.memory_space<vmem>>
        %dma_start3A_360 = tpu.memref_squeeze %dma_start3A_359 : memref<1x128xi32, #tpu.memory_space<vmem>> -> memref<128xi32, #tpu.memory_space<vmem>>
        %dma_start3A_361 = arith.constant 0 : i32
        %dma_start3A_362 = arith.constant 0 : i32
        %dma_start3A_363 = tpu.memref_slice %arg2[%dma_start3A_361, %dma_start3A_362] : memref<100000x32xf32, #tpu.memory_space<hbm>> -> memref<100000x32xf32, #tpu.memory_space<hbm>>
        tpu.enqueue_indirect_dma source(%dma_start3A_363 : memref<100000x32xf32, #tpu.memory_space<hbm>>) target(%dma_start3A_353 : memref<128x32xf32, #tpu.memory_space<vmem>>) offsets(%dma_start3A_360 : memref<128xi32, #tpu.memory_space<vmem>>) semaphore(%arg5 : memref<!tpu.dma_semaphore, #tpu.memory_space<semaphore_mem>>)
        %dma_start3A_364 = arith.constant 9 : i32
        %dma_start3A_365 = arith.constant 0 : i32
        %dma_start3A_366 = arith.constant 0 : i32
        %dma_start3A_367 = tpu.memref_slice %run_scoped3A_8[%rem3A_201, %dma_start3A_365, %dma_start3A_366] : memref<2x1280x32xf32, #tpu.memory_space<vmem>> -> memref<1x1280x32xf32, #tpu.memory_space<vmem>>
        %dma_start3A_368 = tpu.memref_squeeze %dma_start3A_367 : memref<1x1280x32xf32, #tpu.memory_space<vmem>> -> memref<1280x32xf32, #tpu.memory_space<vmem>>
        %dma_start3A_369 = arith.constant 1152 : i32
        %dma_start3A_370 = arith.constant 0 : i32
        %dma_start3A_371 = tpu.memref_slice %dma_start3A_368[%dma_start3A_369, %dma_start3A_370] : memref<1280x32xf32, #tpu.memory_space<vmem>> -> memref<128x32xf32, #tpu.memory_space<vmem>>
        %dma_start3A_372 = arith.constant 0 : i32
        %dma_start3A_373 = arith.constant 0 : i32
        %dma_start3A_374 = tpu.memref_slice %run_scoped3A[%rem3A_199, %dma_start3A_372, %dma_start3A_373] : memref<2x10x128xi32, #tpu.memory_space<vmem>> -> memref<1x10x128xi32, #tpu.memory_space<vmem>>
        %dma_start3A_375 = tpu.memref_squeeze %dma_start3A_374 : memref<1x10x128xi32, #tpu.memory_space<vmem>> -> memref<10x128xi32, #tpu.memory_space<vmem>>
        %dma_start3A_376 = arith.constant 0 : i32
        %dma_start3A_377 = tpu.memref_slice %dma_start3A_375[%dma_start3A_364, %dma_start3A_376] : memref<10x128xi32, #tpu.memory_space<vmem>> -> memref<1x128xi32, #tpu.memory_space<vmem>>
        %dma_start3A_378 = tpu.memref_squeeze %dma_start3A_377 : memref<1x128xi32, #tpu.memory_space<vmem>> -> memref<128xi32, #tpu.memory_space<vmem>>
        %dma_start3A_379 = arith.constant 0 : i32
        %dma_start3A_380 = arith.constant 0 : i32
        %dma_start3A_381 = tpu.memref_slice %arg2[%dma_start3A_379, %dma_start3A_380] : memref<100000x32xf32, #tpu.memory_space<hbm>> -> memref<100000x32xf32, #tpu.memory_space<hbm>>
        tpu.enqueue_indirect_dma source(%dma_start3A_381 : memref<100000x32xf32, #tpu.memory_space<hbm>>) target(%dma_start3A_371 : memref<128x32xf32, #tpu.memory_space<vmem>>) offsets(%dma_start3A_378 : memref<128xi32, #tpu.memory_space<vmem>>) semaphore(%arg5 : memref<!tpu.dma_semaphore, #tpu.memory_space<semaphore_mem>>)
        %dma_wait3A_382 = arith.constant 0 : i32
        %dma_wait3A_383 = arith.constant 0 : i32
        %dma_wait3A_384 = arith.constant 0 : i32
        %dma_wait3A_385 = tpu.memref_slice %run_scoped3A_8[%rem3A_201, %dma_wait3A_383, %dma_wait3A_384] : memref<2x1280x32xf32, #tpu.memory_space<vmem>> -> memref<1x1280x32xf32, #tpu.memory_space<vmem>>
        %dma_wait3A_386 = tpu.memref_squeeze %dma_wait3A_385 : memref<1x1280x32xf32, #tpu.memory_space<vmem>> -> memref<1280x32xf32, #tpu.memory_space<vmem>>
        %dma_wait3A_387 = arith.constant 0 : i32
        %dma_wait3A_388 = arith.constant 0 : i32
        %dma_wait3A_389 = tpu.memref_slice %dma_wait3A_386[%dma_wait3A_387, %dma_wait3A_388] : memref<1280x32xf32, #tpu.memory_space<vmem>> -> memref<128x32xf32, #tpu.memory_space<vmem>>
        %dma_wait3A_390 = arith.constant 0 : i32
        %dma_wait3A_391 = arith.constant 0 : i32
        %dma_wait3A_392 = tpu.memref_slice %run_scoped3A[%rem3A_199, %dma_wait3A_390, %dma_wait3A_391] : memref<2x10x128xi32, #tpu.memory_space<vmem>> -> memref<1x10x128xi32, #tpu.memory_space<vmem>>
        %dma_wait3A_393 = tpu.memref_squeeze %dma_wait3A_392 : memref<1x10x128xi32, #tpu.memory_space<vmem>> -> memref<10x128xi32, #tpu.memory_space<vmem>>
        %dma_wait3A_394 = arith.constant 0 : i32
        %dma_wait3A_395 = tpu.memref_slice %dma_wait3A_393[%dma_wait3A_382, %dma_wait3A_394] : memref<10x128xi32, #tpu.memory_space<vmem>> -> memref<1x128xi32, #tpu.memory_space<vmem>>
        %dma_wait3A_396 = tpu.memref_squeeze %dma_wait3A_395 : memref<1x128xi32, #tpu.memory_space<vmem>> -> memref<128xi32, #tpu.memory_space<vmem>>
        %dma_wait3A_397 = arith.constant 0 : i32
        %dma_wait3A_398 = arith.constant 0 : i32
        %dma_wait3A_399 = tpu.memref_slice %arg2[%dma_wait3A_397, %dma_wait3A_398] : memref<100000x32xf32, #tpu.memory_space<hbm>> -> memref<100000x32xf32, #tpu.memory_space<hbm>>
        tpu.wait_indirect_dma semaphore(%arg5 : memref<!tpu.dma_semaphore, #tpu.memory_space<semaphore_mem>>) src(%dma_wait3A_399 : memref<100000x32xf32, #tpu.memory_space<hbm>>) dst(%dma_wait3A_389 : memref<128x32xf32, #tpu.memory_space<vmem>>)
        %dma_wait3A_400 = arith.constant 1 : i32
        %dma_wait3A_401 = arith.constant 0 : i32
        %dma_wait3A_402 = arith.constant 0 : i32
        %dma_wait3A_403 = tpu.memref_slice %run_scoped3A_8[%rem3A_201, %dma_wait3A_401, %dma_wait3A_402] : memref<2x1280x32xf32, #tpu.memory_space<vmem>> -> memref<1x1280x32xf32, #tpu.memory_space<vmem>>
        %dma_wait3A_404 = tpu.memref_squeeze %dma_wait3A_403 : memref<1x1280x32xf32, #tpu.memory_space<vmem>> -> memref<1280x32xf32, #tpu.memory_space<vmem>>
        %dma_wait3A_405 = arith.constant 128 : i32
        %dma_wait3A_406 = arith.constant 0 : i32
        %dma_wait3A_407 = tpu.memref_slice %dma_wait3A_404[%dma_wait3A_405, %dma_wait3A_406] : memref<1280x32xf32, #tpu.memory_space<vmem>> -> memref<128x32xf32, #tpu.memory_space<vmem>>
        %dma_wait3A_408 = arith.constant 0 : i32
        %dma_wait3A_409 = arith.constant 0 : i32
        %dma_wait3A_410 = tpu.memref_slice %run_scoped3A[%rem3A_199, %dma_wait3A_408, %dma_wait3A_409] : memref<2x10x128xi32, #tpu.memory_space<vmem>> -> memref<1x10x128xi32, #tpu.memory_space<vmem>>
        %dma_wait3A_411 = tpu.memref_squeeze %dma_wait3A_410 : memref<1x10x128xi32, #tpu.memory_space<vmem>> -> memref<10x128xi32, #tpu.memory_space<vmem>>
        %dma_wait3A_412 = arith.constant 0 : i32
        %dma_wait3A_413 = tpu.memref_slice %dma_wait3A_411[%dma_wait3A_400, %dma_wait3A_412] : memref<10x128xi32, #tpu.memory_space<vmem>> -> memref<1x128xi32, #tpu.memory_space<vmem>>
        %dma_wait3A_414 = tpu.memref_squeeze %dma_wait3A_413 : memref<1x128xi32, #tpu.memory_space<vmem>> -> memref<128xi32, #tpu.memory_space<vmem>>
        %dma_wait3A_415 = arith.constant 0 : i32
        %dma_wait3A_416 = arith.constant 0 : i32
        %dma_wait3A_417 = tpu.memref_slice %arg2[%dma_wait3A_415, %dma_wait3A_416] : memref<100000x32xf32, #tpu.memory_space<hbm>> -> memref<100000x32xf32, #tpu.memory_space<hbm>>
        tpu.wait_indirect_dma semaphore(%arg5 : memref<!tpu.dma_semaphore, #tpu.memory_space<semaphore_mem>>) src(%dma_wait3A_417 : memref<100000x32xf32, #tpu.memory_space<hbm>>) dst(%dma_wait3A_407 : memref<128x32xf32, #tpu.memory_space<vmem>>)
        %dma_wait3A_418 = arith.constant 2 : i32
        %dma_wait3A_419 = arith.constant 0 : i32
        %dma_wait3A_420 = arith.constant 0 : i32
        %dma_wait3A_421 = tpu.memref_slice %run_scoped3A_8[%rem3A_201, %dma_wait3A_419, %dma_wait3A_420] : memref<2x1280x32xf32, #tpu.memory_space<vmem>> -> memref<1x1280x32xf32, #tpu.memory_space<vmem>>
        %dma_wait3A_422 = tpu.memref_squeeze %dma_wait3A_421 : memref<1x1280x32xf32, #tpu.memory_space<vmem>> -> memref<1280x32xf32, #tpu.memory_space<vmem>>
        %dma_wait3A_423 = arith.constant 256 : i32
        %dma_wait3A_424 = arith.constant 0 : i32
        %dma_wait3A_425 = tpu.memref_slice %dma_wait3A_422[%dma_wait3A_423, %dma_wait3A_424] : memref<1280x32xf32, #tpu.memory_space<vmem>> -> memref<128x32xf32, #tpu.memory_space<vmem>>
        %dma_wait3A_426 = arith.constant 0 : i32
        %dma_wait3A_427 = arith.constant 0 : i32
        %dma_wait3A_428 = tpu.memref_slice %run_scoped3A[%rem3A_199, %dma_wait3A_426, %dma_wait3A_427] : memref<2x10x128xi32, #tpu.memory_space<vmem>> -> memref<1x10x128xi32, #tpu.memory_space<vmem>>
        %dma_wait3A_429 = tpu.memref_squeeze %dma_wait3A_428 : memref<1x10x128xi32, #tpu.memory_space<vmem>> -> memref<10x128xi32, #tpu.memory_space<vmem>>
        %dma_wait3A_430 = arith.constant 0 : i32
        %dma_wait3A_431 = tpu.memref_slice %dma_wait3A_429[%dma_wait3A_418, %dma_wait3A_430] : memref<10x128xi32, #tpu.memory_space<vmem>> -> memref<1x128xi32, #tpu.memory_space<vmem>>
        %dma_wait3A_432 = tpu.memref_squeeze %dma_wait3A_431 : memref<1x128xi32, #tpu.memory_space<vmem>> -> memref<128xi32, #tpu.memory_space<vmem>>
        %dma_wait3A_433 = arith.constant 0 : i32
        %dma_wait3A_434 = arith.constant 0 : i32
        %dma_wait3A_435 = tpu.memref_slice %arg2[%dma_wait3A_433, %dma_wait3A_434] : memref<100000x32xf32, #tpu.memory_space<hbm>> -> memref<100000x32xf32, #tpu.memory_space<hbm>>
        tpu.wait_indirect_dma semaphore(%arg5 : memref<!tpu.dma_semaphore, #tpu.memory_space<semaphore_mem>>) src(%dma_wait3A_435 : memref<100000x32xf32, #tpu.memory_space<hbm>>) dst(%dma_wait3A_425 : memref<128x32xf32, #tpu.memory_space<vmem>>)
        %dma_wait3A_436 = arith.constant 3 : i32
        %dma_wait3A_437 = arith.constant 0 : i32
        %dma_wait3A_438 = arith.constant 0 : i32
        %dma_wait3A_439 = tpu.memref_slice %run_scoped3A_8[%rem3A_201, %dma_wait3A_437, %dma_wait3A_438] : memref<2x1280x32xf32, #tpu.memory_space<vmem>> -> memref<1x1280x32xf32, #tpu.memory_space<vmem>>
        %dma_wait3A_440 = tpu.memref_squeeze %dma_wait3A_439 : memref<1x1280x32xf32, #tpu.memory_space<vmem>> -> memref<1280x32xf32, #tpu.memory_space<vmem>>
        %dma_wait3A_441 = arith.constant 384 : i32
        %dma_wait3A_442 = arith.constant 0 : i32
        %dma_wait3A_443 = tpu.memref_slice %dma_wait3A_440[%dma_wait3A_441, %dma_wait3A_442] : memref<1280x32xf32, #tpu.memory_space<vmem>> -> memref<128x32xf32, #tpu.memory_space<vmem>>
        %dma_wait3A_444 = arith.constant 0 : i32
        %dma_wait3A_445 = arith.constant 0 : i32
        %dma_wait3A_446 = tpu.memref_slice %run_scoped3A[%rem3A_199, %dma_wait3A_444, %dma_wait3A_445] : memref<2x10x128xi32, #tpu.memory_space<vmem>> -> memref<1x10x128xi32, #tpu.memory_space<vmem>>
        %dma_wait3A_447 = tpu.memref_squeeze %dma_wait3A_446 : memref<1x10x128xi32, #tpu.memory_space<vmem>> -> memref<10x128xi32, #tpu.memory_space<vmem>>
        %dma_wait3A_448 = arith.constant 0 : i32
        %dma_wait3A_449 = tpu.memref_slice %dma_wait3A_447[%dma_wait3A_436, %dma_wait3A_448] : memref<10x128xi32, #tpu.memory_space<vmem>> -> memref<1x128xi32, #tpu.memory_space<vmem>>
        %dma_wait3A_450 = tpu.memref_squeeze %dma_wait3A_449 : memref<1x128xi32, #tpu.memory_space<vmem>> -> memref<128xi32, #tpu.memory_space<vmem>>
        %dma_wait3A_451 = arith.constant 0 : i32
        %dma_wait3A_452 = arith.constant 0 : i32
        %dma_wait3A_453 = tpu.memref_slice %arg2[%dma_wait3A_451, %dma_wait3A_452] : memref<100000x32xf32, #tpu.memory_space<hbm>> -> memref<100000x32xf32, #tpu.memory_space<hbm>>
        tpu.wait_indirect_dma semaphore(%arg5 : memref<!tpu.dma_semaphore, #tpu.memory_space<semaphore_mem>>) src(%dma_wait3A_453 : memref<100000x32xf32, #tpu.memory_space<hbm>>) dst(%dma_wait3A_443 : memref<128x32xf32, #tpu.memory_space<vmem>>)
        %dma_wait3A_454 = arith.constant 4 : i32
        %dma_wait3A_455 = arith.constant 0 : i32
        %dma_wait3A_456 = arith.constant 0 : i32
        %dma_wait3A_457 = tpu.memref_slice %run_scoped3A_8[%rem3A_201, %dma_wait3A_455, %dma_wait3A_456] : memref<2x1280x32xf32, #tpu.memory_space<vmem>> -> memref<1x1280x32xf32, #tpu.memory_space<vmem>>
        %dma_wait3A_458 = tpu.memref_squeeze %dma_wait3A_457 : memref<1x1280x32xf32, #tpu.memory_space<vmem>> -> memref<1280x32xf32, #tpu.memory_space<vmem>>
        %dma_wait3A_459 = arith.constant 512 : i32
        %dma_wait3A_460 = arith.constant 0 : i32
        %dma_wait3A_461 = tpu.memref_slice %dma_wait3A_458[%dma_wait3A_459, %dma_wait3A_460] : memref<1280x32xf32, #tpu.memory_space<vmem>> -> memref<128x32xf32, #tpu.memory_space<vmem>>
        %dma_wait3A_462 = arith.constant 0 : i32
        %dma_wait3A_463 = arith.constant 0 : i32
        %dma_wait3A_464 = tpu.memref_slice %run_scoped3A[%rem3A_199, %dma_wait3A_462, %dma_wait3A_463] : memref<2x10x128xi32, #tpu.memory_space<vmem>> -> memref<1x10x128xi32, #tpu.memory_space<vmem>>
        %dma_wait3A_465 = tpu.memref_squeeze %dma_wait3A_464 : memref<1x10x128xi32, #tpu.memory_space<vmem>> -> memref<10x128xi32, #tpu.memory_space<vmem>>
        %dma_wait3A_466 = arith.constant 0 : i32
        %dma_wait3A_467 = tpu.memref_slice %dma_wait3A_465[%dma_wait3A_454, %dma_wait3A_466] : memref<10x128xi32, #tpu.memory_space<vmem>> -> memref<1x128xi32, #tpu.memory_space<vmem>>
        %dma_wait3A_468 = tpu.memref_squeeze %dma_wait3A_467 : memref<1x128xi32, #tpu.memory_space<vmem>> -> memref<128xi32, #tpu.memory_space<vmem>>
        %dma_wait3A_469 = arith.constant 0 : i32
        %dma_wait3A_470 = arith.constant 0 : i32
        %dma_wait3A_471 = tpu.memref_slice %arg2[%dma_wait3A_469, %dma_wait3A_470] : memref<100000x32xf32, #tpu.memory_space<hbm>> -> memref<100000x32xf32, #tpu.memory_space<hbm>>
        tpu.wait_indirect_dma semaphore(%arg5 : memref<!tpu.dma_semaphore, #tpu.memory_space<semaphore_mem>>) src(%dma_wait3A_471 : memref<100000x32xf32, #tpu.memory_space<hbm>>) dst(%dma_wait3A_461 : memref<128x32xf32, #tpu.memory_space<vmem>>)
        %dma_wait3A_472 = arith.constant 5 : i32
        %dma_wait3A_473 = arith.constant 0 : i32
        %dma_wait3A_474 = arith.constant 0 : i32
        %dma_wait3A_475 = tpu.memref_slice %run_scoped3A_8[%rem3A_201, %dma_wait3A_473, %dma_wait3A_474] : memref<2x1280x32xf32, #tpu.memory_space<vmem>> -> memref<1x1280x32xf32, #tpu.memory_space<vmem>>
        %dma_wait3A_476 = tpu.memref_squeeze %dma_wait3A_475 : memref<1x1280x32xf32, #tpu.memory_space<vmem>> -> memref<1280x32xf32, #tpu.memory_space<vmem>>
        %dma_wait3A_477 = arith.constant 640 : i32
        %dma_wait3A_478 = arith.constant 0 : i32
        %dma_wait3A_479 = tpu.memref_slice %dma_wait3A_476[%dma_wait3A_477, %dma_wait3A_478] : memref<1280x32xf32, #tpu.memory_space<vmem>> -> memref<128x32xf32, #tpu.memory_space<vmem>>
        %dma_wait3A_480 = arith.constant 0 : i32
        %dma_wait3A_481 = arith.constant 0 : i32
        %dma_wait3A_482 = tpu.memref_slice %run_scoped3A[%rem3A_199, %dma_wait3A_480, %dma_wait3A_481] : memref<2x10x128xi32, #tpu.memory_space<vmem>> -> memref<1x10x128xi32, #tpu.memory_space<vmem>>
        %dma_wait3A_483 = tpu.memref_squeeze %dma_wait3A_482 : memref<1x10x128xi32, #tpu.memory_space<vmem>> -> memref<10x128xi32, #tpu.memory_space<vmem>>
        %dma_wait3A_484 = arith.constant 0 : i32
        %dma_wait3A_485 = tpu.memref_slice %dma_wait3A_483[%dma_wait3A_472, %dma_wait3A_484] : memref<10x128xi32, #tpu.memory_space<vmem>> -> memref<1x128xi32, #tpu.memory_space<vmem>>
        %dma_wait3A_486 = tpu.memref_squeeze %dma_wait3A_485 : memref<1x128xi32, #tpu.memory_space<vmem>> -> memref<128xi32, #tpu.memory_space<vmem>>
        %dma_wait3A_487 = arith.constant 0 : i32
        %dma_wait3A_488 = arith.constant 0 : i32
        %dma_wait3A_489 = tpu.memref_slice %arg2[%dma_wait3A_487, %dma_wait3A_488] : memref<100000x32xf32, #tpu.memory_space<hbm>> -> memref<100000x32xf32, #tpu.memory_space<hbm>>
        tpu.wait_indirect_dma semaphore(%arg5 : memref<!tpu.dma_semaphore, #tpu.memory_space<semaphore_mem>>) src(%dma_wait3A_489 : memref<100000x32xf32, #tpu.memory_space<hbm>>) dst(%dma_wait3A_479 : memref<128x32xf32, #tpu.memory_space<vmem>>)
        %dma_wait3A_490 = arith.constant 6 : i32
        %dma_wait3A_491 = arith.constant 0 : i32
        %dma_wait3A_492 = arith.constant 0 : i32
        %dma_wait3A_493 = tpu.memref_slice %run_scoped3A_8[%rem3A_201, %dma_wait3A_491, %dma_wait3A_492] : memref<2x1280x32xf32, #tpu.memory_space<vmem>> -> memref<1x1280x32xf32, #tpu.memory_space<vmem>>
        %dma_wait3A_494 = tpu.memref_squeeze %dma_wait3A_493 : memref<1x1280x32xf32, #tpu.memory_space<vmem>> -> memref<1280x32xf32, #tpu.memory_space<vmem>>
        %dma_wait3A_495 = arith.constant 768 : i32
        %dma_wait3A_496 = arith.constant 0 : i32
        %dma_wait3A_497 = tpu.memref_slice %dma_wait3A_494[%dma_wait3A_495, %dma_wait3A_496] : memref<1280x32xf32, #tpu.memory_space<vmem>> -> memref<128x32xf32, #tpu.memory_space<vmem>>
        %dma_wait3A_498 = arith.constant 0 : i32
        %dma_wait3A_499 = arith.constant 0 : i32
        %dma_wait3A_500 = tpu.memref_slice %run_scoped3A[%rem3A_199, %dma_wait3A_498, %dma_wait3A_499] : memref<2x10x128xi32, #tpu.memory_space<vmem>> -> memref<1x10x128xi32, #tpu.memory_space<vmem>>
        %dma_wait3A_501 = tpu.memref_squeeze %dma_wait3A_500 : memref<1x10x128xi32, #tpu.memory_space<vmem>> -> memref<10x128xi32, #tpu.memory_space<vmem>>
        %dma_wait3A_502 = arith.constant 0 : i32
        %dma_wait3A_503 = tpu.memref_slice %dma_wait3A_501[%dma_wait3A_490, %dma_wait3A_502] : memref<10x128xi32, #tpu.memory_space<vmem>> -> memref<1x128xi32, #tpu.memory_space<vmem>>
        %dma_wait3A_504 = tpu.memref_squeeze %dma_wait3A_503 : memref<1x128xi32, #tpu.memory_space<vmem>> -> memref<128xi32, #tpu.memory_space<vmem>>
        %dma_wait3A_505 = arith.constant 0 : i32
        %dma_wait3A_506 = arith.constant 0 : i32
        %dma_wait3A_507 = tpu.memref_slice %arg2[%dma_wait3A_505, %dma_wait3A_506] : memref<100000x32xf32, #tpu.memory_space<hbm>> -> memref<100000x32xf32, #tpu.memory_space<hbm>>
        tpu.wait_indirect_dma semaphore(%arg5 : memref<!tpu.dma_semaphore, #tpu.memory_space<semaphore_mem>>) src(%dma_wait3A_507 : memref<100000x32xf32, #tpu.memory_space<hbm>>) dst(%dma_wait3A_497 : memref<128x32xf32, #tpu.memory_space<vmem>>)
        %dma_wait3A_508 = arith.constant 7 : i32
        %dma_wait3A_509 = arith.constant 0 : i32
        %dma_wait3A_510 = arith.constant 0 : i32
        %dma_wait3A_511 = tpu.memref_slice %run_scoped3A_8[%rem3A_201, %dma_wait3A_509, %dma_wait3A_510] : memref<2x1280x32xf32, #tpu.memory_space<vmem>> -> memref<1x1280x32xf32, #tpu.memory_space<vmem>>
        %dma_wait3A_512 = tpu.memref_squeeze %dma_wait3A_511 : memref<1x1280x32xf32, #tpu.memory_space<vmem>> -> memref<1280x32xf32, #tpu.memory_space<vmem>>
        %dma_wait3A_513 = arith.constant 896 : i32
        %dma_wait3A_514 = arith.constant 0 : i32
        %dma_wait3A_515 = tpu.memref_slice %dma_wait3A_512[%dma_wait3A_513, %dma_wait3A_514] : memref<1280x32xf32, #tpu.memory_space<vmem>> -> memref<128x32xf32, #tpu.memory_space<vmem>>
        %dma_wait3A_516 = arith.constant 0 : i32
        %dma_wait3A_517 = arith.constant 0 : i32
        %dma_wait3A_518 = tpu.memref_slice %run_scoped3A[%rem3A_199, %dma_wait3A_516, %dma_wait3A_517] : memref<2x10x128xi32, #tpu.memory_space<vmem>> -> memref<1x10x128xi32, #tpu.memory_space<vmem>>
        %dma_wait3A_519 = tpu.memref_squeeze %dma_wait3A_518 : memref<1x10x128xi32, #tpu.memory_space<vmem>> -> memref<10x128xi32, #tpu.memory_space<vmem>>
        %dma_wait3A_520 = arith.constant 0 : i32
        %dma_wait3A_521 = tpu.memref_slice %dma_wait3A_519[%dma_wait3A_508, %dma_wait3A_520] : memref<10x128xi32, #tpu.memory_space<vmem>> -> memref<1x128xi32, #tpu.memory_space<vmem>>
        %dma_wait3A_522 = tpu.memref_squeeze %dma_wait3A_521 : memref<1x128xi32, #tpu.memory_space<vmem>> -> memref<128xi32, #tpu.memory_space<vmem>>
        %dma_wait3A_523 = arith.constant 0 : i32
        %dma_wait3A_524 = arith.constant 0 : i32
        %dma_wait3A_525 = tpu.memref_slice %arg2[%dma_wait3A_523, %dma_wait3A_524] : memref<100000x32xf32, #tpu.memory_space<hbm>> -> memref<100000x32xf32, #tpu.memory_space<hbm>>
        tpu.wait_indirect_dma semaphore(%arg5 : memref<!tpu.dma_semaphore, #tpu.memory_space<semaphore_mem>>) src(%dma_wait3A_525 : memref<100000x32xf32, #tpu.memory_space<hbm>>) dst(%dma_wait3A_515 : memref<128x32xf32, #tpu.memory_space<vmem>>)
        %dma_wait3A_526 = arith.constant 8 : i32
        %dma_wait3A_527 = arith.constant 0 : i32
        %dma_wait3A_528 = arith.constant 0 : i32
        %dma_wait3A_529 = tpu.memref_slice %run_scoped3A_8[%rem3A_201, %dma_wait3A_527, %dma_wait3A_528] : memref<2x1280x32xf32, #tpu.memory_space<vmem>> -> memref<1x1280x32xf32, #tpu.memory_space<vmem>>
        %dma_wait3A_530 = tpu.memref_squeeze %dma_wait3A_529 : memref<1x1280x32xf32, #tpu.memory_space<vmem>> -> memref<1280x32xf32, #tpu.memory_space<vmem>>
        %dma_wait3A_531 = arith.constant 1024 : i32
        %dma_wait3A_532 = arith.constant 0 : i32
        %dma_wait3A_533 = tpu.memref_slice %dma_wait3A_530[%dma_wait3A_531, %dma_wait3A_532] : memref<1280x32xf32, #tpu.memory_space<vmem>> -> memref<128x32xf32, #tpu.memory_space<vmem>>
        %dma_wait3A_534 = arith.constant 0 : i32
        %dma_wait3A_535 = arith.constant 0 : i32
        %dma_wait3A_536 = tpu.memref_slice %run_scoped3A[%rem3A_199, %dma_wait3A_534, %dma_wait3A_535] : memref<2x10x128xi32, #tpu.memory_space<vmem>> -> memref<1x10x128xi32, #tpu.memory_space<vmem>>
        %dma_wait3A_537 = tpu.memref_squeeze %dma_wait3A_536 : memref<1x10x128xi32, #tpu.memory_space<vmem>> -> memref<10x128xi32, #tpu.memory_space<vmem>>
        %dma_wait3A_538 = arith.constant 0 : i32
        %dma_wait3A_539 = tpu.memref_slice %dma_wait3A_537[%dma_wait3A_526, %dma_wait3A_538] : memref<10x128xi32, #tpu.memory_space<vmem>> -> memref<1x128xi32, #tpu.memory_space<vmem>>
        %dma_wait3A_540 = tpu.memref_squeeze %dma_wait3A_539 : memref<1x128xi32, #tpu.memory_space<vmem>> -> memref<128xi32, #tpu.memory_space<vmem>>
        %dma_wait3A_541 = arith.constant 0 : i32
        %dma_wait3A_542 = arith.constant 0 : i32
        %dma_wait3A_543 = tpu.memref_slice %arg2[%dma_wait3A_541, %dma_wait3A_542] : memref<100000x32xf32, #tpu.memory_space<hbm>> -> memref<100000x32xf32, #tpu.memory_space<hbm>>
        tpu.wait_indirect_dma semaphore(%arg5 : memref<!tpu.dma_semaphore, #tpu.memory_space<semaphore_mem>>) src(%dma_wait3A_543 : memref<100000x32xf32, #tpu.memory_space<hbm>>) dst(%dma_wait3A_533 : memref<128x32xf32, #tpu.memory_space<vmem>>)
        %dma_wait3A_544 = arith.constant 9 : i32
        %dma_wait3A_545 = arith.constant 0 : i32
        %dma_wait3A_546 = arith.constant 0 : i32
        %dma_wait3A_547 = tpu.memref_slice %run_scoped3A_8[%rem3A_201, %dma_wait3A_545, %dma_wait3A_546] : memref<2x1280x32xf32, #tpu.memory_space<vmem>> -> memref<1x1280x32xf32, #tpu.memory_space<vmem>>
        %dma_wait3A_548 = tpu.memref_squeeze %dma_wait3A_547 : memref<1x1280x32xf32, #tpu.memory_space<vmem>> -> memref<1280x32xf32, #tpu.memory_space<vmem>>
        %dma_wait3A_549 = arith.constant 1152 : i32
        %dma_wait3A_550 = arith.constant 0 : i32
        %dma_wait3A_551 = tpu.memref_slice %dma_wait3A_548[%dma_wait3A_549, %dma_wait3A_550] : memref<1280x32xf32, #tpu.memory_space<vmem>> -> memref<128x32xf32, #tpu.memory_space<vmem>>
        %dma_wait3A_552 = arith.constant 0 : i32
        %dma_wait3A_553 = arith.constant 0 : i32
        %dma_wait3A_554 = tpu.memref_slice %run_scoped3A[%rem3A_199, %dma_wait3A_552, %dma_wait3A_553] : memref<2x10x128xi32, #tpu.memory_space<vmem>> -> memref<1x10x128xi32, #tpu.memory_space<vmem>>
        %dma_wait3A_555 = tpu.memref_squeeze %dma_wait3A_554 : memref<1x10x128xi32, #tpu.memory_space<vmem>> -> memref<10x128xi32, #tpu.memory_space<vmem>>
        %dma_wait3A_556 = arith.constant 0 : i32
        %dma_wait3A_557 = tpu.memref_slice %dma_wait3A_555[%dma_wait3A_544, %dma_wait3A_556] : memref<10x128xi32, #tpu.memory_space<vmem>> -> memref<1x128xi32, #tpu.memory_space<vmem>>
        %dma_wait3A_558 = tpu.memref_squeeze %dma_wait3A_557 : memref<1x128xi32, #tpu.memory_space<vmem>> -> memref<128xi32, #tpu.memory_space<vmem>>
        %dma_wait3A_559 = arith.constant 0 : i32
        %dma_wait3A_560 = arith.constant 0 : i32
        %dma_wait3A_561 = tpu.memref_slice %arg2[%dma_wait3A_559, %dma_wait3A_560] : memref<100000x32xf32, #tpu.memory_space<hbm>> -> memref<100000x32xf32, #tpu.memory_space<hbm>>
        tpu.wait_indirect_dma semaphore(%arg5 : memref<!tpu.dma_semaphore, #tpu.memory_space<semaphore_mem>>) src(%dma_wait3A_561 : memref<100000x32xf32, #tpu.memory_space<hbm>>) dst(%dma_wait3A_551 : memref<128x32xf32, #tpu.memory_space<vmem>>)
        "tpu.trace_stop"() : () -> ()
        %ne3A_562 = arith.cmpi ne, %add3A_131, %add3A_149 : i32
        %or3A_563 = arith.constant false
        %or3A_564 = arith.ori %or3A_563, %ne3A_562 : i1
        %or3A_565 = arith.constant false
        %or3A_566 = arith.ori %or3A_564, %or3A_565 : i1
        %or3A_567 = arith.ori %or3A_566, %eq3A_130 : i1
        %convert_element_type3A_568 = arith.extui %or3A_567 : i1 to i32
        %cond3A_569 = arith.constant 0 : i32
        %cond3A_570 = arith.cmpi ne, %convert_element_type3A_568, %cond3A_569 : i32
        scf.if %cond3A_570 {
        } else {
        }
        %and3A_571 = arith.constant false
        %and3A_572 = arith.andi %or3A_567, %and3A_571 : i1
        %ne3A_573 = arith.cmpi ne, %add3A_131, %add3A_149 : i32
        %or3A_574 = arith.constant false
        %or3A_575 = arith.ori %or3A_574, %ne3A_573 : i1
        %or3A_576 = arith.constant false
        %or3A_577 = arith.ori %or3A_575, %or3A_576 : i1
        %or3A_578 = arith.ori %or3A_577, %eq3A_130 : i1
        %convert_element_type3A_579 = arith.extui %or3A_578 : i1 to i32
        %cond3A_580 = arith.constant 0 : i32
        %cond3A_581 = arith.cmpi ne, %convert_element_type3A_579, %cond3A_580 : i32
        scf.if %cond3A_581 {
          "tpu.trace_start"() <{level = 10 : i32, message = "ep_copy_out"}> : () -> ()
          %rem3A_633 = arith.constant 2 : i32
          %rem3A_634 = arith.remui %scan3A_124, %rem3A_633 : i32
          %mul3A_635 = arith.constant 1280 : i32
          %mul3A_636 = arith.muli %mul3A_635, %add3A_131 : i32
          %dma_start3A_637 = arith.constant 0 : i32
          %dma_start3A_638 = arith.constant 0 : i32
          %dma_start3A_639 = tpu.memref_slice %run_scoped3A_8[%rem3A_634, %dma_start3A_637, %dma_start3A_638] : memref<2x1280x32xf32, #tpu.memory_space<vmem>> -> memref<1x1280x32xf32, #tpu.memory_space<vmem>>
          %dma_start3A_640 = tpu.memref_squeeze %dma_start3A_639 : memref<1x1280x32xf32, #tpu.memory_space<vmem>> -> memref<1280x32xf32, #tpu.memory_space<vmem>>
          %dma_start3A_641 = arith.constant 0 : i32
          %dma_start3A_642 = tpu.memref_slice %arg4[%mul3A_636, %dma_start3A_641] : memref<3276800x32xf32, #tpu.memory_space<hbm>> -> memref<1280x32xf32, #tpu.memory_space<hbm>>
          %dma_start3A_643 = tpu.memref_slice %run_scoped3A_9[%rem3A_634] : memref<2x!tpu.dma_semaphore, #tpu.memory_space<semaphore_mem>> -> memref<1x!tpu.dma_semaphore, #tpu.memory_space<semaphore_mem>>
          %dma_start3A_644 = tpu.memref_squeeze %dma_start3A_643 : memref<1x!tpu.dma_semaphore, #tpu.memory_space<semaphore_mem>> -> memref<!tpu.dma_semaphore, #tpu.memory_space<semaphore_mem>>
          %dma_start3A_645 = arith.constant 0 : i32
          %dma_start3A_646 = tpu.memref_slice %arg4[%mul3A_636, %dma_start3A_645] : memref<3276800x32xf32, #tpu.memory_space<hbm>> -> memref<1280x32xf32, #tpu.memory_space<hbm>>
          %dma_start3A_647 = arith.constant 0 : i32
          %dma_start3A_648 = arith.constant 0 : i32
          %dma_start3A_649 = tpu.memref_slice %run_scoped3A_8[%rem3A_634, %dma_start3A_647, %dma_start3A_648] : memref<2x1280x32xf32, #tpu.memory_space<vmem>> -> memref<1x1280x32xf32, #tpu.memory_space<vmem>>
          %dma_start3A_650 = tpu.memref_squeeze %dma_start3A_649 : memref<1x1280x32xf32, #tpu.memory_space<vmem>> -> memref<1280x32xf32, #tpu.memory_space<vmem>>
          tpu.enqueue_dma source(%dma_start3A_650 : memref<1280x32xf32, #tpu.memory_space<vmem>>) target(%dma_start3A_646 : memref<1280x32xf32, #tpu.memory_space<hbm>>) target_semaphore(%dma_start3A_644 : memref<!tpu.dma_semaphore, #tpu.memory_space<semaphore_mem>>)
          "tpu.trace_stop"() : () -> ()
        } else {
        }
        %and3A_582 = arith.constant true
        %and3A_583 = arith.andi %or3A_578, %and3A_582 : i1
        %add3A_584 = arith.constant 1 : i32
        %add3A_585 = arith.addi %scan3A_124, %add3A_584 : i32
        %select_n3A_586 = arith.select %and3A_583, %add3A_585, %scan3A_124 : i32
        %ne3A_587 = arith.cmpi ne, %add3A_131, %add3A_140 : i32
        %or3A_588 = arith.constant false
        %or3A_589 = arith.ori %or3A_588, %ne3A_587 : i1
        %or3A_590 = arith.constant false
        %or3A_591 = arith.ori %or3A_589, %or3A_590 : i1
        %not3A_592 = arith.constant true
        %not3A_593 = arith.xori %eq3A_128, %not3A_592 : i1
        %and3A_594 = arith.andi %or3A_591, %not3A_593 : i1
        %convert_element_type3A_595 = arith.extui %and3A_594 : i1 to i32
        %cond3A_596 = arith.constant 0 : i32
        %cond3A_597 = arith.cmpi ne, %convert_element_type3A_595, %cond3A_596 : i32
        scf.if %cond3A_597 {
        } else {
        }
        %and3A_598 = arith.constant false
        %and3A_599 = arith.andi %and3A_594, %and3A_598 : i1
        %ne3A_600 = arith.cmpi ne, %add3A_131, %add3A_140 : i32
        %or3A_601 = arith.constant false
        %or3A_602 = arith.ori %or3A_601, %ne3A_600 : i1
        %or3A_603 = arith.constant false
        %or3A_604 = arith.ori %or3A_602, %or3A_603 : i1
        %not3A_605 = arith.constant true
        %not3A_606 = arith.xori %eq3A_128, %not3A_605 : i1
        %and3A_607 = arith.andi %or3A_604, %not3A_606 : i1
        %convert_element_type3A_608 = arith.extui %and3A_607 : i1 to i32
        %cond3A_609 = arith.constant 0 : i32
        %cond3A_610 = arith.cmpi ne, %convert_element_type3A_608, %cond3A_609 : i32
        scf.if %cond3A_610 {
          "tpu.trace_start"() <{level = 10 : i32, message = "ep_wait_out"}> : () -> ()
          %rem3A_633 = arith.constant 2 : i32
          %rem3A_634 = arith.remui %scan3A_125, %rem3A_633 : i32
          %mul3A_635 = arith.constant 1280 : i32
          %mul3A_636 = arith.muli %mul3A_635, %add3A_140 : i32
          %dma_wait3A_637 = arith.constant 0 : i32
          %dma_wait3A_638 = arith.constant 0 : i32
          %dma_wait3A_639 = tpu.memref_slice %run_scoped3A_8[%rem3A_634, %dma_wait3A_637, %dma_wait3A_638] : memref<2x1280x32xf32, #tpu.memory_space<vmem>> -> memref<1x1280x32xf32, #tpu.memory_space<vmem>>
          %dma_wait3A_640 = tpu.memref_squeeze %dma_wait3A_639 : memref<1x1280x32xf32, #tpu.memory_space<vmem>> -> memref<1280x32xf32, #tpu.memory_space<vmem>>
          %dma_wait3A_641 = arith.constant 0 : i32
          %dma_wait3A_642 = tpu.memref_slice %arg4[%mul3A_636, %dma_wait3A_641] : memref<3276800x32xf32, #tpu.memory_space<hbm>> -> memref<1280x32xf32, #tpu.memory_space<hbm>>
          %dma_wait3A_643 = tpu.memref_slice %run_scoped3A_9[%rem3A_634] : memref<2x!tpu.dma_semaphore, #tpu.memory_space<semaphore_mem>> -> memref<1x!tpu.dma_semaphore, #tpu.memory_space<semaphore_mem>>
          %dma_wait3A_644 = tpu.memref_squeeze %dma_wait3A_643 : memref<1x!tpu.dma_semaphore, #tpu.memory_space<semaphore_mem>> -> memref<!tpu.dma_semaphore, #tpu.memory_space<semaphore_mem>>
          %dma_wait3A_645 = arith.constant 0 : i32
          %dma_wait3A_646 = tpu.memref_slice %arg4[%mul3A_636, %dma_wait3A_645] : memref<3276800x32xf32, #tpu.memory_space<hbm>> -> memref<1280x32xf32, #tpu.memory_space<hbm>>
          %dma_wait3A_647 = arith.constant 0 : i32
          %dma_wait3A_648 = arith.constant 0 : i32
          %dma_wait3A_649 = tpu.memref_slice %run_scoped3A_8[%rem3A_634, %dma_wait3A_647, %dma_wait3A_648] : memref<2x1280x32xf32, #tpu.memory_space<vmem>> -> memref<1x1280x32xf32, #tpu.memory_space<vmem>>
          %dma_wait3A_650 = tpu.memref_squeeze %dma_wait3A_649 : memref<1x1280x32xf32, #tpu.memory_space<vmem>> -> memref<1280x32xf32, #tpu.memory_space<vmem>>
          tpu.wait_dma2 semaphore(%dma_wait3A_644 : memref<!tpu.dma_semaphore, #tpu.memory_space<semaphore_mem>>) src(%dma_wait3A_650 : memref<1280x32xf32, #tpu.memory_space<vmem>>) dst(%dma_wait3A_646 : memref<1280x32xf32, #tpu.memory_space<hbm>>)
          "tpu.trace_stop"() : () -> ()
        } else {
        }
        %and3A_611 = arith.constant true
        %and3A_612 = arith.andi %and3A_607, %and3A_611 : i1
        %add3A_613 = arith.constant 1 : i32
        %add3A_614 = arith.addi %scan3A_125, %add3A_613 : i32
        %select_n3A_615 = arith.select %and3A_612, %add3A_614, %scan3A_125 : i32
        %ne3A_616 = arith.cmpi ne, %add3A_131, %add3A_149 : i32
        %or3A_617 = arith.constant false
        %or3A_618 = arith.ori %or3A_617, %ne3A_616 : i1
        %or3A_619 = arith.constant false
        %or3A_620 = arith.ori %or3A_618, %or3A_619 : i1
        %or3A_621 = arith.ori %or3A_620, %eq3A_130 : i1
        %add3A_622 = arith.constant 1 : i32
        %add3A_623 = arith.addi %scan3A_123, %add3A_622 : i32
        %select_n3A_624 = arith.select %or3A_621, %add3A_623, %scan3A_123 : i32
        %add3A_625 = arith.constant 1 : i32
        %add3A_626 = arith.addi %scan3A_126, %add3A_625 : i32
        %select_n3A_627 = arith.constant true
        %select_n3A_628 = arith.select %select_n3A_627, %add3A_626, %scan3A_126 : i32
        %eq3A_629 = arith.constant 80 : i32
        %eq3A_630 = arith.cmpi eq, %select_n3A_628, %eq3A_629 : i32
        %select_n3A_631 = arith.constant 0 : i32
        %select_n3A_632 = arith.select %eq3A_630, %select_n3A_631, %select_n3A_628 : i32
        scf.yield %select_n3A_169, %select_n3A_624, %select_n3A_586, %select_n3A_615, %select_n3A_632 : i32, i32, i32, i32, i32
      }
      %scan3A_68 = arith.constant 80 : i32
      %sub3A = arith.constant 1 : i32
      %sub3A_69 = arith.subi %scan3A_67#4, %sub3A : i32
      %select_n3A_70 = arith.constant true
      %select_n3A_71 = arith.select %select_n3A_70, %sub3A_69, %scan3A_67#4 : i32
      %eq3A_72 = arith.constant -1 : i32
      %eq3A_73 = arith.cmpi eq, %select_n3A_71, %eq3A_72 : i32
      %select_n3A_74 = arith.constant 79 : i32
      %select_n3A_75 = arith.select %eq3A_73, %select_n3A_74, %select_n3A_71 : i32
      %add3A_76 = arith.addi %select_n3A_75, %mul3A_6 : i32
      %sub3A_77 = arith.constant 1 : i32
      %sub3A_78 = arith.subi %select_n3A_75, %sub3A_77 : i32
      %select_n3A_79 = arith.constant true
      %select_n3A_80 = arith.select %select_n3A_79, %sub3A_78, %select_n3A_75 : i32
      %eq3A_81 = arith.constant -1 : i32
      %eq3A_82 = arith.cmpi eq, %select_n3A_80, %eq3A_81 : i32
      %select_n3A_83 = arith.constant 79 : i32
      %select_n3A_84 = arith.select %eq3A_82, %select_n3A_83, %select_n3A_80 : i32
      %add3A_85 = arith.addi %select_n3A_84, %mul3A_6 : i32
      %add3A_86 = arith.constant 1 : i32
      %add3A_87 = arith.addi %select_n3A_75, %add3A_86 : i32
      %select_n3A_88 = arith.constant true
      %select_n3A_89 = arith.select %select_n3A_88, %add3A_87, %select_n3A_75 : i32
      %eq3A_90 = arith.constant 80 : i32
      %eq3A_91 = arith.cmpi eq, %select_n3A_89, %eq3A_90 : i32
      %select_n3A_92 = arith.constant 0 : i32
      %select_n3A_93 = arith.select %eq3A_91, %select_n3A_92, %select_n3A_89 : i32
      %add3A_94 = arith.addi %select_n3A_93, %mul3A_6 : i32
      %add3A_95 = arith.constant 1 : i32
      %add3A_96 = arith.addi %select_n3A_93, %add3A_95 : i32
      %select_n3A_97 = arith.constant true
      %select_n3A_98 = arith.select %select_n3A_97, %add3A_96, %select_n3A_93 : i32
      %eq3A_99 = arith.constant 80 : i32
      %eq3A_100 = arith.cmpi eq, %select_n3A_98, %eq3A_99 : i32
      %select_n3A_101 = arith.constant 0 : i32
      %select_n3A_102 = arith.select %eq3A_100, %select_n3A_101, %select_n3A_98 : i32
      %add3A_103 = arith.addi %select_n3A_102, %mul3A_6 : i32
      "tpu.trace_start"() <{level = 10 : i32, message = "ep_finalize"}> : () -> ()
      %rem3A_104 = arith.constant 2 : i32
      %rem3A_105 = arith.remui %scan3A_67#3, %rem3A_104 : i32
      %mul3A_106 = arith.constant 1280 : i32
      %mul3A_107 = arith.muli %mul3A_106, %add3A_76 : i32
      %dma_wait3A = arith.constant 0 : i32
      %dma_wait3A_108 = arith.constant 0 : i32
      %dma_wait3A_109 = tpu.memref_slice %run_scoped3A_8[%rem3A_105, %dma_wait3A, %dma_wait3A_108] : memref<2x1280x32xf32, #tpu.memory_space<vmem>> -> memref<1x1280x32xf32, #tpu.memory_space<vmem>>
      %dma_wait3A_110 = tpu.memref_squeeze %dma_wait3A_109 : memref<1x1280x32xf32, #tpu.memory_space<vmem>> -> memref<1280x32xf32, #tpu.memory_space<vmem>>
      %dma_wait3A_111 = arith.constant 0 : i32
      %dma_wait3A_112 = tpu.memref_slice %arg4[%mul3A_107, %dma_wait3A_111] : memref<3276800x32xf32, #tpu.memory_space<hbm>> -> memref<1280x32xf32, #tpu.memory_space<hbm>>
      %dma_wait3A_113 = tpu.memref_slice %run_scoped3A_9[%rem3A_105] : memref<2x!tpu.dma_semaphore, #tpu.memory_space<semaphore_mem>> -> memref<1x!tpu.dma_semaphore, #tpu.memory_space<semaphore_mem>>
      %dma_wait3A_114 = tpu.memref_squeeze %dma_wait3A_113 : memref<1x!tpu.dma_semaphore, #tpu.memory_space<semaphore_mem>> -> memref<!tpu.dma_semaphore, #tpu.memory_space<semaphore_mem>>
      %dma_wait3A_115 = arith.constant 0 : i32
      %dma_wait3A_116 = tpu.memref_slice %arg4[%mul3A_107, %dma_wait3A_115] : memref<3276800x32xf32, #tpu.memory_space<hbm>> -> memref<1280x32xf32, #tpu.memory_space<hbm>>
      %dma_wait3A_117 = arith.constant 0 : i32
      %dma_wait3A_118 = arith.constant 0 : i32
      %dma_wait3A_119 = tpu.memref_slice %run_scoped3A_8[%rem3A_105, %dma_wait3A_117, %dma_wait3A_118] : memref<2x1280x32xf32, #tpu.memory_space<vmem>> -> memref<1x1280x32xf32, #tpu.memory_space<vmem>>
      %dma_wait3A_120 = tpu.memref_squeeze %dma_wait3A_119 : memref<1x1280x32xf32, #tpu.memory_space<vmem>> -> memref<1280x32xf32, #tpu.memory_space<vmem>>
      tpu.wait_dma2 semaphore(%dma_wait3A_114 : memref<!tpu.dma_semaphore, #tpu.memory_space<semaphore_mem>>) src(%dma_wait3A_120 : memref<1280x32xf32, #tpu.memory_space<vmem>>) dst(%dma_wait3A_116 : memref<1280x32xf32, #tpu.memory_space<hbm>>)
      "tpu.trace_stop"() : () -> ()
      tpu.yield
    }) : () -> ()
    return
  }
}

</mosaic_0001>

<sc_bundles>
// kernel: run.4.cloned.1.call-start
scs
__scs_entry_jumppad:
0x0: {  	(pc) =	sbr.rel $0x88, $3  }
0x1: {  	(tag) =	ssettag $0x0;
	lr =	simm.s32 $0x1  }
0x2: {  	[smem:$0x3F9F] =	sst lr;
	_ =	strace $0xD0000000  }
0x3: {  	_ = 	snop  }
0x4: {  	_ = 	snop  }
0x5: {  	_ = 	snop  }
0x6: {  	_ = 	snop  }
0x7: {  	_ = 	snop  }
__scs_overlays_trampoline_lowered:
0x8: {  	[smem:$0x3FAE] =	sst s0  }
0x9: {  	[smem:$0x3FAF] =	sst s1  }
0xa: {  	[smem:$0x3FB0] =	sst s2  }
0xb: {  	[smem:$0x3FB1] =	sst s3  }
0xc: {  	[smem:$0x3FB2] =	sst s4  }
0xd: {  	[smem:$0x3FB3] =	sst s5  }
0xe: {  	[smem:$0x3FB4] =	sst s6  }
0xf: {  	[smem:$0x3FB5] =	sst s7  }
0x10: {  	[smem:$0x3FB6] =	sst s8  }
0x11: {  	[smem:$0x3FB7] =	sst s9;
	s0 =	simm.s32 @!p0 $0x0  }
0x12: {  	s1 =	sld [smem:$0x3F9D];
	s0 =	simm.s32 @p0 $0x1  }
0x13: {  	[smem:$0x3FB8] =	sst s0;
	s0 =	simm.s32 @!p1 $0x0  }
0x14: {  	s2 =	sld [smem:$0x3F9C];
	s0 =	simm.s32 @p1 $0x1  }
0x15: {  	[smem:$0x3FB9] =	sst s0;
	s0 =	simm.s32 @!p2 $0x0  }
0x16: {  	s3 =	sld [smem:$0x3FDB];
	s0 =	simm.s32 @p2 $0x1  }
0x17: {  	s4 =	simm.s32 $0x1BF5;
	[smem:$0x3FBB] =	sst s0  }
0x18: {  	s0 =	sld [smem:$0x3F9E];
	_ =	swait.ge [sflag:s4], $0x0  }
0x19: {  	s7 =	sld [smem:$0x3F9F]  }
0x1a: {  	s8 =	sadd.s32 $0xFFFFE003, lr  }
0x1b: {  	s9 =	sadd.s32 $0xFFFFFEF7, lr;
	s5 =	simm.s32 $0xFFFFFFFF;
	p2 =	slt.u32 s8, $0xFFFFF086  }
0x1c: {  	p1 =	slt.u32 s9, $0xF7A;
	s5 =	simm.s32 @!p2 $0x0  }
0x1d: {  	s5 =	simm.s32 @p1 $0x1;
	p0 =	seq.s32 s7, s2  }
0x1e: {  	s7 =	smul.u32 @!p0 $0xF7A, s2;
	p2 =	seq.s32 @!p0 s5, $0x0  }
0x1f: {  	s9 =	smul.u32 $0xF7A, s1;
	s8 =	simm.s32 @!p0 $0x1BF5;
	p2 =	por !p2, p0  }
0x20: {  	[sflag:s8] =	ssyncset.s32 @!p0 $0xFFFFF086;
	s6 =	sadd.s32 @!p0 s3, s7;
	s7 =	simm.s32 @!p0 $0x108  }
0x21: {  	s3 =	sadd.s32 s3, s9;
	s6 =	sadd.s32 @!p0 $0x88, s6;
	s7 =	simm.s32 @p2 $0x1082  }
0x22: {  	[simem:s7], [sflag:s8] =	dma.local @!p0 [hbm:s6], $0xF7A  }
0x23: {  	s9 =	sor.u32 $0xD0000000, s2;
	s6 =	simm.s32 $0x108;
	_ =	swait.ge @!p0 [sflag:s8], $0x0  }
0x24: {  	s3 =	sadd.s32 $0x88, s3;
	s6 =	simm.s32 @!p1 $0x1082;
	[sflag:s4] =	ssyncset.s32 $0xFFFFF086  }
0x25: {  	[simem:s6], [sflag:s4] =	dma.local [hbm:s3], $0xF7A  }
0x26: {  	[smem:$0x3F9F] =	sst s1;
	(tag) =	ssettag s2;
	_ =	strace s9  }
0x27: {  	s1 =	sld [smem:$0x3FAF]  }
0x28: {  	s2 =	sld [smem:$0x3FB0]  }
0x29: {  	s4 =	sld [smem:$0x3FB2]  }
0x2a: {  	p0 =	seq.s32 s5, $0x0;
	s5 =	sld [smem:$0x3FB3]  }
0x2b: {  	s6 =	sld [smem:$0x3FB4]  }
0x2c: {  	s7 =	sld [smem:$0x3FB5]  }
0x2d: {  	s3 =	simm.s32 $0x108;
	s8 =	sld [smem:$0x3FB6]  }
0x2e: {  	s3 =	simm.s32 @!p0 $0x1082;
	s9 =	sld [smem:$0x3FB7]  }
0x2f: {  	lr =	sadd.s32 s0, s3;
	s0 =	sld [smem:$0x3FAE]  }
0x30: {  	s3 =	sld [smem:$0x3FB1]  }
0x31: {  	[smem:$0x3FBA] =	sst s10  }
0x32: {  	s10 =	sld [smem:$0x3FB8];
	_ =	sdelay $0x3  }
0x33: {  	p0 =	seq.s32 s10, $0x1;
	s10 =	sld [smem:$0x3FBA];
	_ =	sdelay $0x3  }
0x34: {  	[smem:$0x3FBA] =	sst s10  }
0x35: {  	s10 =	sld [smem:$0x3FB9];
	_ =	sdelay $0x3  }
0x36: {  	p1 =	seq.s32 s10, $0x1;
	s10 =	sld [smem:$0x3FBA];
	_ =	sdelay $0x3  }
0x37: {  	[smem:$0x3FBA] =	sst s10  }
0x38: {  	s10 =	sld [smem:$0x3FBB]  }
0x39: {  	_ = 	snop;
	(pc) =	sbr.ind lr, $3  }
0x3a: {  	_ = 	snop  }
0x3b: {  	_ = 	snop  }
0x3c: {  	p2 =	seq.s32 s10, $0x1;
	s10 =	sld [smem:$0x3FBA]  }
0x3d: {  	_ =	shalt  }
0x3e: {  	_ =	shalt  }
0x3f: {  	_ =	shalt  }
0x40: {  	_ =	shalt  }
0x41: {  	_ =	shalt  }
0x42: {  	_ =	shalt  }
0x43: {  	_ =	shalt  }
0x44: {  	_ =	shalt  }
0x45: {  	_ =	shalt  }
0x46: {  	_ =	shalt  }
0x47: {  	_ =	shalt  }
0x48: {  	_ =	shalt  }
0x49: {  	_ =	shalt  }
0x4a: {  	_ =	shalt  }
0x4b: {  	_ =	shalt  }
0x4c: {  	_ =	shalt  }
0x4d: {  	_ =	shalt  }
0x4e: {  	_ =	shalt  }
0x4f: {  	_ =	shalt  }
0x50: {  	_ =	shalt  }
0x51: {  	_ =	shalt  }
0x52: {  	_ =	shalt  }
0x53: {  	_ =	shalt  }
0x54: {  	_ =	shalt  }
0x55: {  	_ =	shalt  }
0x56: {  	_ =	shalt  }
0x57: {  	_ =	shalt  }
0x58: {  	_ =	shalt  }
0x59: {  	_ =	shalt  }
0x5a: {  	_ =	shalt  }
0x5b: {  	_ =	shalt  }
0x5c: {  	_ =	shalt  }
0x5d: {  	_ =	shalt  }
0x5e: {  	_ =	shalt  }
0x5f: {  	_ =	shalt  }
0x60: {  	_ =	shalt  }
0x61: {  	_ =	shalt  }
0x62: {  	_ =	shalt  }
0x63: {  	_ =	shalt  }
0x64: {  	_ =	shalt  }
0x65: {  	_ =	shalt  }
0x66: {  	_ =	shalt  }
0x67: {  	_ =	shalt  }
0x68: {  	_ =	shalt  }
0x69: {  	_ =	shalt  }
0x6a: {  	_ =	shalt  }
0x6b: {  	_ =	shalt  }
0x6c: {  	_ =	shalt  }
0x6d: {  	_ =	shalt  }
0x6e: {  	_ =	shalt  }
0x6f: {  	_ =	shalt  }
0x70: {  	_ =	shalt  }
0x71: {  	_ =	shalt  }
0x72: {  	_ =	shalt  }
0x73: {  	_ =	shalt  }
0x74: {  	_ =	shalt  }
0x75: {  	_ =	shalt  }
0x76: {  	_ =	shalt  }
0x77: {  	_ =	shalt  }
0x78: {  	_ =	shalt  }
0x79: {  	_ =	shalt  }
0x7a: {  	_ =	shalt  }
0x7b: {  	_ =	shalt  }
0x7c: {  	_ =	shalt  }
0x7d: {  	_ =	shalt  }
0x7e: {  	_ =	shalt  }
0x7f: {  	_ =	shalt  }
0x80: {  	_ =	shalt  }
0x81: {  	_ =	shalt  }
0x82: {  	_ =	shalt  }
0x83: {  	_ =	shalt  }
0x84: {  	_ =	shalt  }
0x85: {  	_ =	shalt  }
0x86: {  	_ =	shalt  }
0x87: {  	_ =	shalt  }
.Lfunc_end0:
.L_simem_size_0:
called_computation_lowered:
.L_overlay_start_0:
0x88: {  	s2 =	sld [smem:$0x3FD9]  }
0x89: {  	s3 =	sld [smem:$0x3FFE];
	_ =	sdelay $0x1  }
0x8a: {  	s1 =	srdreg.scid  }
0x8b: {  	s0 =	sand.u32 $0x1, s1  }
0x8c: {  	s16 =	sshll.u32 s0, $0xA;
	s2 =	sadd.s32 s3, s2  }
0x8d: {  	s2 =	sadd.s32 s2, s16  }
0x8e: {  	[smem:$0x3FC6] =	sst s2  }
0x8f: {  	_ = 	snop  }
0x90: {  	(tm) =	ssettm $0x1  }
0x91: {  	s17 =	sld [smem:$0x3FFB];
	_ =	sdelay $0x3  }
0x92: {  	_ =	strace s17  }
0x93: {  	s2 =	sld [smem:$0x3FFC];
	_ =	sdelay $0x3  }
0x94: {  	_ =	strace s2  }
0x95: {  	s2 =	sld [smem:$0x3FFD];
	_ =	sdelay $0x3  }
0x96: {  	_ =	strace s2  }
0x97: {  	_ =	strace $0x8FFFFFFF  }
0x98: {  	s18 =	sld [smem:$0x3FDB];
	_ =	sdelay $0x1  }
0x99: {  	s19 =	simm.s32 $_scs_section_size  }
0x9a: {  	s4 =	simm.s32 $_size__tile_overlayer_lowered;
	s5 =	simm.s32 $_tile_overlayer_lowered  }
0x9b: {  	s22 =	simm.s32 $0x1BFF;
	s21 =	sshll.u32 s5, $0x1;
	s2 =	sadd.s32 s19, s18  }
0x9c: {  	s6 =	simm.s32 $0x0;
	s20 =	sshll.u32 s4, $0x1;
	s4 =	sadd.s32 s21, s2  }
0x9d: {  	[timem:s6], [sflag:s22] =	dma.local [hbm:s4], s20  }
0x9e: {  	_ =	swait.ge [sflag:s22], s20  }
0x9f: {  	s3 =	ssub.s32 $0x0, s20;
	[sflag:s22] =	ssyncset.done $0x0  }
0xa0: {  	[sflag:s22] =	ssyncadd.s32 s3;
	_ =	sdelay $0x1  }
0xa1: {  	s23 =	simm.s32 $0x1B8B  }
0xa2: {  	_ =	swait.ge [sflag:s23], $0x1  }
0xa3: {  	[sflag:s23] =	ssyncset.done $0x0  }
0xa4: {  	s25 =	simm.s32 $0x1B8E;
	s24 =	sld [smem:$0x3FFE];
	[sflag:s23] =	ssyncadd.s32 $0xFFFFFFFF  }
0xa5: {  	s26 =	simm.s32 $execute0_lowered;
	[smem:$0x3FD2] =	sst s25  }
0xa6: {  	s4 =	sshll.u32 s26, $0x1;
	_ =	strace $0x80000046;
	[dreg:$0x1] =	wrdreg $0xFFFFFFFF  }
0xa7: {  	s28 =	simm.s32 $_size_execute0_lowered;
	s2 =	sadd.s32 s2, s4;
	[dreg:$0x0] =	wrdreg $0x0  }
0xa8: {  	s4 =	sshll.u32 s28, $0x1;
	[dreg:$0x2] =	wrdreg s2  }
0xa9: {  	[dreg:$0x3] =	wrdreg s4  }
0xaa: {  	[dreg:$0x4] =	wrdreg $0xC0  }
0xab: {  	_ =	task [dreg:s6], $0x5FFFF  }
0xac: {  	[dreg:$0x1] =	wrdreg $0xFFFFFFFF  }
0xad: {  	[dreg:$0x0] =	wrdreg $0x60  }
0xae: {  	[dreg:$0x2] =	wrdreg s24  }
0xaf: {  	[dreg:$0x3] =	wrdreg $0x9  }
0xb0: {  	_ =	task.clear_ibuf [dreg:s6], $0x4FFFF;
	_ =	strace $0x90000046  }
0xb1: {  	s29 =	simm.s32 $0x9;
	_ =	strace $0x8000004F  }
0xb2: {  	_ =	swait.ge [sflag:s29], $0x1  }
0xb3: {  	[sflag:s29] =	ssyncadd.s32 $0xFFFFFFFF  }
0xb4: {  	_ =	strace $0x9000004F  }
0xb5: {  	_ =	sfence  }
0xb6: {  	s30 =	sld [smem:$0x0];
	_ =	sdelay $0x2  }
0xb7: {  	s31 =	sshll.u32 s1, $0xD;
	s1 =	sshrl.u32 s1, $0x2  }
0xb8: {  	s3 =	sand.u32 $0x4000, s31;
	s1 =	sadd.s32 s1, s30  }
0xb9: {  	s0 =	sor.u32 s3, s0;
	s1 =	sshll.u32 s1, $0x11  }
0xba: {  	s0 =	sor.u32 s1, s0  }
0xbb: {  	s0 =	sadd.s32 $0x8F2B, s0  }
0xbc: {  	[sflag:s0] =	ssyncadd.remote.s32 $0x1  }
0xbd: {  	_ =	sfence.sel $0xFFFF  }
0xbe: {  	[dreg:$0x0] =	wrdreg $0xFFFFFFFF;
	(pc) =	sbr.abs _section_cstart, $3  }
0xbf: {  	[dreg:$0x1] =	wrdreg $0xFFFFFFFF  }
0xc0: {  	_ =	task.clear_ibuf [dreg:s6], $0x2FFFF;
	_ =	strace $0x9FFFFFFF  }
0xc1: {  	(tm) =	ssettm $0x7FFFFFFF  }
tec
execute0_lowered:
.L_overlay_start_1:
0x0: {  	(tag) =	ssettag $0x1  }
0x1: {  	s4 =	rddreg [dreg:$0x0];
	s1 =	simm.s32 $0x0  }
0x2: {  	s2 =	srdreg.scid;
	s31 =	simm.s32 $0x500;
	s10 =	simm.s32 $0x5  }
0x3: {  	s11 =	simm.s32 $0x0;
	[smem:$0x7FF] =	sst s1;
	s5 =	sand.u32 $0x1, s2  }
0x4: {  	s2 =	stileid.u32;
	s3 =	sadd.s32 $0x64A00, s4;
	s7 =	sadd.s32 $0xC6600, s4  }
0x5: {  	s4 =	sadd.s32 $0xA00, s4;
	_ =	strace $0x80000047;
	s6 =	sshll.u32 s5, $0x4  }
0x6: {  	s5 =	ssub.s32 $0x2, s5;
	[dreg:$0x3] =	wrdreg s7;
	s6 =	sor.u32 s2, s6  }
0x7: {  	[dreg:$0x2] =	wrdreg s31;
	s8 =	sshrl.u32 s5, $0x1;
	s9 =	smul.u32 $0x3200, s6  }
0x8: {  	s30 =	ssub.s32 s5, s8;
	s5 =	smul.u32 $0x50, s6;
	s8 =	simm.s32 $0x1  }
0x9: {  	s7 =	smax.u32 s30, $0x1;
	s6 =	sadd.s32 s4, s9;
	s9 =	simm.s32 $0x80  }
.LBB2_1:
0xa: {  	_ =	strace $0x80000048;
	s12 =	simm.s32 $0x1;
	p0 =	por $0x0, $0x0  }
0xb: {  	[tilespmem:s1], [sflag:$0x2] =	stream.linear.gather [hbm4b:s6+s1], $0x500, $0x200038;
	[tilespmem:$0x14A00] =	vst v63  }
0xc: {  	s12 =	simm.s32 @p0 $0x0  }
0xd: {  	p1 =	por $0x1, $0x1;
	p0 =	sne.s32 s12, $0x0  }
0xe: {  	p1 =	por !p1, !p0  }
0xf: {  	p1 =	por !p1, !p1  }
0x10: {  	s13 =	sadd.s32 @p1 s5, s12  }
0x11: {  	s14 =	sand.u32 @p1 $0x1, s8;
	s13 =	smul.u32 @p1 $0x500, s13  }
0x12: {  	_ =	strace $0x90000048;
	s15 =	smul.u32 @p1 $0x1400, s14  }
0x13: {  	s16 =	simm.s32 @p1 $0x0;
	_ =	strace @p1 $0x80000049;
	s13 =	sshrl.u32 @p1 s13, $0x3  }
0x14: {  	s14 =	sor.u32 @p1 $0x2, s14;
	s15 =	sshrl.u32 @p1 s15, $0x2;
	s13 =	sadd.s32 @p1 s4, s13  }
0x15: {  	[tilespmem:s15], [sflag:s14] =	stream.linear.gather @p1 [hbm4b:s13+s16], $0x500, $0x200038;
	[tilespmem:$0x14A00] =	vst v63  }
0x16: {  	s15 =	sand.u32 $0x1, s1;
	_ =	strace @p1 $0x90000049  }
0x17: {  	s23 =	sor.u32 $0x2, s15;
	_ =	strace $0x8000004A  }
0x18: {  	_ =	swait.ge [sflag:s23], $0x500  }
0x19: {  	[sflag:s23] =	ssyncset.done $0x0  }
0x1a: {  	[sflag:s23] =	ssyncadd.s32 $0xFFFFFB00  }
0x1b: {  	s24 =	smul.u32 $0x28000, s15;
	_ =	strace $0x9000004A  }
0x1c: {  	_ =	strace $0x8000004B  }
0x1d: {  	p2 =	seq.s32 s15, $0x1;
	s13 =	sshrl.u32 s24, $0x2;
	s14 =	rddreg [dreg:$0x2]  }
0x1e: {  	s16 =	sor.u32 $0xA00, s13;
	s14 =	simm.s32 @!p2 $0x0  }
0x1f: {  	[tilespmem:s16], [sflag:$0x1] =	stream.indirect.gather [hbm4b:s3+s9], $0x20, s14, s9, $0x2000b8;
	[tilespmem:$0x14A00] =	vst v63  }
0x20: {  	s17 =	sor.u32 $0x1A00, s13;
	s18 =	sor.u32 $0x80, s14  }
0x21: {  	[tilespmem:s17], [sflag:$0x1] =	stream.indirect.gather [hbm4b:s3+s9], $0x20, s18, s9, $0x2000b8;
	[tilespmem:$0x14A00] =	vst v63  }
0x22: {  	s25 =	sadd.s32 $0x2A00, s13;
	s26 =	sadd.s32 $0x100, s14  }
0x23: {  	[tilespmem:s25], [sflag:$0x1] =	stream.indirect.gather [hbm4b:s3+s9], $0x20, s26, s9, $0x2000b8;
	[tilespmem:$0x14A00] =	vst v63  }
0x24: {  	s31 =	sadd.s32 $0x3A00, s13;
	s0 =	sadd.s32 $0x180, s14  }
0x25: {  	[tilespmem:s31], [sflag:$0x1] =	stream.indirect.gather [hbm4b:s3+s9], $0x20, s0, s9, $0x2000b8;
	[tilespmem:$0x14A00] =	vst v63  }
0x26: {  	s19 =	sor.u32 $0x200, s14;
	s18 =	sadd.s32 $0x4A00, s13  }
0x27: {  	[tilespmem:s18], [sflag:$0x1] =	stream.indirect.gather [hbm4b:s3+s9], $0x20, s19, s9, $0x2000b8;
	[tilespmem:$0x14A00] =	vst v63  }
0x28: {  	s20 =	sadd.s32 $0x5A00, s13;
	s21 =	sor.u32 $0x280, s14  }
0x29: {  	[tilespmem:s20], [sflag:$0x1] =	stream.indirect.gather [hbm4b:s3+s9], $0x20, s21, s9, $0x2000b8;
	[tilespmem:$0x14A00] =	vst v63  }
0x2a: {  	s22 =	sadd.s32 $0x6A00, s13;
	s23 =	sadd.s32 $0x300, s14  }
0x2b: {  	[tilespmem:s22], [sflag:$0x1] =	stream.indirect.gather [hbm4b:s3+s9], $0x20, s23, s9, $0x2000b8;
	[tilespmem:$0x14A00] =	vst v63  }
0x2c: {  	s24 =	sadd.s32 $0x7A00, s13;
	s25 =	sadd.s32 $0x380, s14  }
0x2d: {  	[tilespmem:s24], [sflag:$0x1] =	stream.indirect.gather [hbm4b:s3+s9], $0x20, s25, s9, $0x2000b8;
	[tilespmem:$0x14A00] =	vst v63  }
0x2e: {  	s26 =	sadd.s32 $0x8A00, s13;
	s31 =	sadd.s32 $0x400, s14  }
0x2f: {  	[tilespmem:s26], [sflag:$0x1] =	stream.indirect.gather [hbm4b:s3+s9], $0x20, s31, s9, $0x2000b8;
	[tilespmem:$0x14A00] =	vst v63  }
0x30: {  	s13 =	sadd.s32 $0x9A00, s13;
	s14 =	sadd.s32 $0x480, s14  }
0x31: {  	[tilespmem:s13], [sflag:$0x1] =	stream.indirect.gather [hbm4b:s3+s9], $0x20, s14, s9, $0x2000b8;
	[tilespmem:$0x14A00] =	vst v63  }
0x32: {  	_ =	swait.ge [sflag:s8], $0x1000  }
0x33: {  	[sflag:s8] =	ssyncset.done $0x0  }
0x34: {  	[sflag:s8] =	ssyncadd.s32 $0xFFFFF000  }
0x35: {  	_ =	swait.ge [sflag:s8], $0x1000  }
0x36: {  	[sflag:s8] =	ssyncset.done $0x0  }
0x37: {  	[sflag:s8] =	ssyncadd.s32 $0xFFFFF000  }
0x38: {  	_ =	swait.ge [sflag:s8], $0x1000  }
0x39: {  	[sflag:s8] =	ssyncset.done $0x0  }
0x3a: {  	[sflag:s8] =	ssyncadd.s32 $0xFFFFF000  }
0x3b: {  	_ =	swait.ge [sflag:s8], $0x1000  }
0x3c: {  	[sflag:s8] =	ssyncset.done $0x0  }
0x3d: {  	[sflag:s8] =	ssyncadd.s32 $0xFFFFF000  }
0x3e: {  	_ =	swait.ge [sflag:s8], $0x1000  }
0x3f: {  	[sflag:s8] =	ssyncset.done $0x0  }
0x40: {  	[sflag:s8] =	ssyncadd.s32 $0xFFFFF000  }
0x41: {  	_ =	swait.ge [sflag:s8], $0x1000  }
0x42: {  	p3 =	por $0x1, $0x1;
	p4 =	por $0x0, $0x0;
	[sflag:s8] =	ssyncset.done $0x0  }
0x43: {  	p6 =	por $0x1, $0x1;
	s29 =	simm.s32 $0x1;
	[sflag:s8] =	ssyncadd.s32 $0xFFFFF000  }
0x44: {  	p2 =	por $0x0, $0x0;
	s20 =	sadd.s32 $0x1, s12;
	_ =	swait.ge [sflag:s8], $0x1000  }
0x45: {  	s18 =	simm.s32 $0x4E;
	p5 =	seq.s32 s20, $0x50;
	[sflag:s8] =	ssyncset.done $0x0  }
0x46: {  	s19 =	sadd.s32 $0x0, s5;
	s20 =	simm.s32 @p5 $0x0;
	[sflag:s8] =	ssyncadd.s32 $0xFFFFF000  }
0x47: {  	s13 =	simm.s32 $0x4F;
	s14 =	simm.s32 $0x1;
	_ =	swait.ge [sflag:s8], $0x1000  }
0x48: {  	s14 =	simm.s32 @!p1 $0x0;
	p1 =	por p0, p0;
	[sflag:s8] =	ssyncset.done $0x0  }
0x49: {  	p0 =	por p3, p3;
	s17 =	sadd.s32 $0x1, s14;
	[sflag:s8] =	ssyncadd.s32 $0xFFFFF000  }
0x4a: {  	s14 =	sand.u32 @!p3 $0x1, s1;
	p3 =	por $0x0, $0x0;
	_ =	swait.ge [sflag:s8], $0x1000  }
0x4b: {  	s25 =	sor.u32 @!p0 $0x4, s14;
	s14 =	simm.s32 $0x1;
	[sflag:s8] =	ssyncset.done $0x0  }
0x4c: {  	s14 =	simm.s32 @!p4 $0x0;
	p4 =	sne.s32 s12, s20;
	[sflag:s8] =	ssyncadd.s32 $0xFFFFF000  }
0x4d: {  	s14 =	sadd.s32 $0x0, s14;
	p5 =	por !p6, !p4;
	_ =	swait.ge [sflag:s8], $0x1000  }
0x4e: {  	p6 =	por p3, p1;
	p5 =	por !p5, !p5;
	[sflag:s8] =	ssyncset.done $0x0  }
0x4f: {  	s24 =	simm.s32 @p6 $0x0;
	s22 =	smul.u32 @p6 $0xA000, s19;
	[sflag:s8] =	ssyncadd.s32 $0xFFFFF000  }
0x50: {  	s19 =	simm.s32 $0x0;
	s21 =	sadd.s32 @p5 s5, s20;
	_ =	strace $0x9000004B  }
0x51: {  	s29 =	simm.s32 @!p5 $0x0;
	s26 =	sand.u32 @p5 $0x1, s17;
	_ =	strace @p6 $0x8000004C  }
0x52: {  	s28 =	smul.u32 @p5 $0x500, s21;
	s21 =	simm.s32 $0x0;
	s30 =	rddreg [dreg:$0x3]  }
.LBB2_2:
0x53: {  	p1 =	por p4, p4  }
0x54: {  	s23 =	smov.u32 s12;
	s12 =	simm.s32 @!p1 $0x0  }
0x55: {  	s0 =	sshrl.u32 @p6 s22, $0x3;
	s12 =	simm.s32 @p1 $0x1  }
0x56: {  	s15 =	sor.u32 @p6 $0x4, s15;
	s0 =	sadd.s32 @p6 s30, s0;
	[smem:$0x7FD] =	sst s12  }
0x57: {  	[hbm4b:s0+s24] =	stream.linear.scatter @p6 [tilespmem:s16], [sflag:s15], $0xA000, $0x200038;
	[tilespmem:$0x14A00] =	vst v63  }
0x58: {  	_ =	strace @p6 $0x9000004C  }
0x59: {  	s31 =	smul.u32 @p5 $0x1400, s26;
	_ =	strace @!p0 $0x8000004D  }
0x5a: {  	s17 =	sadd.s32 s29, s17;
	_ =	swait.ge @!p0 [sflag:s25], $0xA000  }
0x5b: {  	s29 =	sshrl.u32 @p5 s31, $0x2;
	s12 =	sshrl.u32 @p5 s28, $0x3;
	[sflag:s25] =	ssyncset.done @!p0 $0x0  }
0x5c: {  	s28 =	simm.s32 $0x1;
	s15 =	sor.u32 @p5 $0x2, s26;
	[sflag:s25] =	ssyncadd.s32 @!p0 $0xFFFF6000  }
0x5d: {  	s16 =	simm.s32 @p5 $0x0;
	s28 =	simm.s32 @!p6 $0x0;
	_ =	strace @!p0 $0x9000004D  }
0x5e: {  	s31 =	sadd.s32 @p5 s4, s12;
	s21 =	sadd.s32 s28, s21;
	_ =	strace @p5 $0x80000049  }
0x5f: {  	[tilespmem:s29], [sflag:s15] =	stream.linear.gather @p5 [hbm4b:s31+s16], $0x500, $0x200038;
	[tilespmem:$0x14A00] =	vst v63  }
0x60: {  	s0 =	sand.u32 $0x1, s21;
	_ =	strace @p5 $0x90000049  }
0x61: {  	s25 =	sor.u32 $0x2, s0;
	_ =	strace $0x8000004A  }
0x62: {  	_ =	swait.ge [sflag:s25], $0x500  }
0x63: {  	s19 =	sadd.s32 s28, s19;
	[sflag:s25] =	ssyncset.done $0x0  }
0x64: {  	s15 =	sand.u32 $0x1, s19;
	[sflag:s25] =	ssyncadd.s32 $0xFFFFFB00  }
0x65: {  	s26 =	smul.u32 $0x28000, s15;
	_ =	strace $0x9000004A  }
0x66: {  	_ =	strace $0x8000004B  }
0x67: {  	p1 =	seq.s32 s0, $0x1;
	s26 =	sshrl.u32 s26, $0x2;
	s25 =	rddreg [dreg:$0x2]  }
0x68: {  	s16 =	sor.u32 $0xA00, s26;
	s25 =	simm.s32 @!p1 $0x0  }
0x69: {  	[tilespmem:s16], [sflag:$0x1] =	stream.indirect.gather [hbm4b:s3+s9], $0x20, s25, s9, $0x2000b8;
	[tilespmem:$0x14A00] =	vst v63  }
0x6a: {  	s31 =	sor.u32 $0x1A00, s26;
	s28 =	sor.u32 $0x80, s25  }
0x6b: {  	[tilespmem:s31], [sflag:$0x1] =	stream.indirect.gather [hbm4b:s3+s9], $0x20, s28, s9, $0x2000b8;
	[tilespmem:$0x14A00] =	vst v63  }
0x6c: {  	s31 =	sadd.s32 $0x2A00, s26;
	s28 =	sadd.s32 $0x100, s25  }
0x6d: {  	[tilespmem:s31], [sflag:$0x1] =	stream.indirect.gather [hbm4b:s3+s9], $0x20, s28, s9, $0x2000b8;
	[tilespmem:$0x14A00] =	vst v63  }
0x6e: {  	s31 =	sadd.s32 $0x3A00, s26;
	s28 =	sadd.s32 $0x180, s25  }
0x6f: {  	[tilespmem:s31], [sflag:$0x1] =	stream.indirect.gather [hbm4b:s3+s9], $0x20, s28, s9, $0x2000b8;
	[tilespmem:$0x14A00] =	vst v63  }
0x70: {  	s31 =	sadd.s32 $0x4A00, s26;
	s28 =	sor.u32 $0x200, s25  }
0x71: {  	[tilespmem:s31], [sflag:$0x1] =	stream.indirect.gather [hbm4b:s3+s9], $0x20, s28, s9, $0x2000b8;
	[tilespmem:$0x14A00] =	vst v63  }
0x72: {  	s31 =	sadd.s32 $0x5A00, s26;
	s28 =	sor.u32 $0x280, s25  }
0x73: {  	[tilespmem:s31], [sflag:$0x1] =	stream.indirect.gather [hbm4b:s3+s9], $0x20, s28, s9, $0x2000b8;
	[tilespmem:$0x14A00] =	vst v63  }
0x74: {  	s31 =	sadd.s32 $0x6A00, s26;
	s28 =	sadd.s32 $0x300, s25  }
0x75: {  	[tilespmem:s31], [sflag:$0x1] =	stream.indirect.gather [hbm4b:s3+s9], $0x20, s28, s9, $0x2000b8;
	[tilespmem:$0x14A00] =	vst v63  }
0x76: {  	s31 =	sadd.s32 $0x7A00, s26;
	s28 =	sadd.s32 $0x380, s25  }
0x77: {  	[tilespmem:s31], [sflag:$0x1] =	stream.indirect.gather [hbm4b:s3+s9], $0x20, s28, s9, $0x2000b8;
	[tilespmem:$0x14A00] =	vst v63  }
0x78: {  	s31 =	sadd.s32 $0x8A00, s26;
	s28 =	sadd.s32 $0x400, s25  }
0x79: {  	[tilespmem:s31], [sflag:$0x1] =	stream.indirect.gather [hbm4b:s3+s9], $0x20, s28, s9, $0x2000b8;
	[tilespmem:$0x14A00] =	vst v63  }
0x7a: {  	s26 =	sadd.s32 $0x9A00, s26;
	s25 =	sadd.s32 $0x480, s25  }
0x7b: {  	[tilespmem:s26], [sflag:$0x1] =	stream.indirect.gather [hbm4b:s3+s9], $0x20, s25, s9, $0x2000b8;
	[tilespmem:$0x14A00] =	vst v63  }
0x7c: {  	_ =	swait.ge [sflag:s8], $0x1000  }
0x7d: {  	[sflag:s8] =	ssyncset.done $0x0  }
0x7e: {  	[sflag:s8] =	ssyncadd.s32 $0xFFFFF000  }
0x7f: {  	_ =	swait.ge [sflag:s8], $0x1000  }
0x80: {  	[sflag:s8] =	ssyncset.done $0x0  }
0x81: {  	[sflag:s8] =	ssyncadd.s32 $0xFFFFF000  }
0x82: {  	_ =	swait.ge [sflag:s8], $0x1000  }
0x83: {  	[sflag:s8] =	ssyncset.done $0x0  }
0x84: {  	[sflag:s8] =	ssyncadd.s32 $0xFFFFF000  }
0x85: {  	_ =	swait.ge [sflag:s8], $0x1000  }
0x86: {  	[sflag:s8] =	ssyncset.done $0x0  }
0x87: {  	[sflag:s8] =	ssyncadd.s32 $0xFFFFF000  }
0x88: {  	_ =	swait.ge [sflag:s8], $0x1000  }
0x89: {  	[sflag:s8] =	ssyncset.done $0x0  }
0x8a: {  	[sflag:s8] =	ssyncadd.s32 $0xFFFFF000  }
0x8b: {  	_ =	swait.ge [sflag:s8], $0x1000  }
0x8c: {  	[sflag:s8] =	ssyncset.done $0x0  }
0x8d: {  	[sflag:s8] =	ssyncadd.s32 $0xFFFFF000  }
0x8e: {  	_ =	swait.ge [sflag:s8], $0x1000  }
0x8f: {  	[sflag:s8] =	ssyncset.done $0x0  }
0x90: {  	[sflag:s8] =	ssyncadd.s32 $0xFFFFF000  }
0x91: {  	_ =	swait.ge [sflag:s8], $0x1000  }
0x92: {  	[sflag:s8] =	ssyncset.done $0x0  }
0x93: {  	[sflag:s8] =	ssyncadd.s32 $0xFFFFF000  }
0x94: {  	_ =	swait.ge [sflag:s8], $0x1000  }
0x95: {  	s22 =	smov.u32 s13;
	[sflag:s8] =	ssyncset.done $0x0  }
0x96: {  	s13 =	smov.u32 s18;
	s18 =	sadd.s32 $0xFFFFFFFF, s18;
	[sflag:s8] =	ssyncadd.s32 $0xFFFFF000  }
0x97: {  	p3 =	sne.s32 s18, $0x0;
	p4 =	sne.s32 s22, $0x50;
	_ =	swait.ge [sflag:s8], $0x1000  }
0x98: {  	s12 =	smov.u32 s20;
	s20 =	sadd.s32 $0x1, s20;
	[sflag:s8] =	ssyncset.done $0x0  }
0x99: {  	s24 =	sand.u32 @!p2 $0x1, s14;
	p6 =	seq.s32 s20, $0x50;
	[sflag:s8] =	ssyncadd.s32 $0xFFFFF000  }
0x9a: {  	s20 =	simm.s32 @p6 $0x0;
	s0 =	sadd.s32 s5, s23;
	_ =	strace $0x9000004B  }
0x9b: {  	p5 =	seq.s32 s22, $0x1;
	s22 =	simm.s32 $0x1;
	s31 =	sld [smem:$0x7FD]  }
0x9c: {  	p0 =	por p2, p2;
	p2 =	seq.s32 s13, $0x50;
	s22 =	simm.s32 @!p4 $0x0  }
0x9d: {  	s29 =	simm.s32 $0x1;
	p4 =	sne.s32 s12, s20;
	s14 =	sadd.s32 s22, s14  }
.Ltmp0:
0x9e: {  	p1 =	sne.s32 s13, $0x1;
	p6 =	seq.s32 s31, $0x1;
	(pc) =	sbr.rel @p3 .LBB2_2-.Ltmp0, $4  }
0x9f: {  	p1 =	por !p1, !p4;
	s25 =	sor.u32 @!p0 $0x4, s24;
	p6 =	por p5, p6  }
0xa0: {  	p5 =	por !p1, !p1;
	_ =	strace @p6 $0x8000004C;
	s24 =	simm.s32 @p6 $0x0  }
0xa1: {  	s23 =	sadd.s32 @p5 s5, s20;
	s29 =	simm.s32 @!p5 $0x0;
	s22 =	smul.u32 @p6 $0xA000, s0  }
0xa2: {  	s26 =	sand.u32 @p5 $0x1, s17;
	s28 =	smul.u32 @p5 $0x500, s23;
	s30 =	rddreg [dreg:$0x3]  }
0xa3: {  	s0 =	sshrl.u32 @p6 s22, $0x3  }
0xa4: {  	s15 =	sor.u32 @p6 $0x4, s15;
	s0 =	sadd.s32 @p6 s30, s0  }
0xa5: {  	[hbm4b:s0+s24] =	stream.linear.scatter @p6 [tilespmem:s16], [sflag:s15], $0xA000, $0x200038;
	[tilespmem:$0x14A00] =	vst v63  }
0xa6: {  	_ =	strace @p6 $0x9000004C  }
0xa7: {  	_ =	strace @!p0 $0x8000004D  }
0xa8: {  	s18 =	sor.u32 @p5 $0x2, s26;
	_ =	swait.ge @!p0 [sflag:s25], $0xA000  }
0xa9: {  	s20 =	simm.s32 @p5 $0x0;
	s0 =	smul.u32 @p5 $0x1400, s26;
	[sflag:s25] =	ssyncset.done @!p0 $0x0  }
0xaa: {  	s15 =	sshrl.u32 @p5 s28, $0x3;
	s16 =	simm.s32 $0x1;
	[sflag:s25] =	ssyncadd.s32 @!p0 $0xFFFF6000  }
0xab: {  	s16 =	simm.s32 @!p6 $0x0;
	s15 =	sadd.s32 @p5 s4, s15;
	_ =	strace @!p0 $0x9000004D  }
0xac: {  	s0 =	sshrl.u32 @p5 s0, $0x2;
	s17 =	sadd.s32 s16, s21;
	_ =	strace @p5 $0x80000049  }
0xad: {  	[tilespmem:s0], [sflag:s18] =	stream.linear.gather @p5 [hbm4b:s15+s20], $0x500, $0x200038;
	[tilespmem:$0x14A00] =	vst v63  }
0xae: {  	s21 =	sand.u32 $0x1, s17;
	_ =	strace @p5 $0x90000049  }
0xaf: {  	s22 =	sor.u32 $0x2, s21;
	_ =	strace $0x8000004A  }
0xb0: {  	_ =	swait.ge [sflag:s22], $0x500  }
0xb1: {  	s23 =	sadd.s32 s16, s19;
	[sflag:s22] =	ssyncset.done $0x0  }
0xb2: {  	s15 =	sand.u32 $0x1, s23;
	[sflag:s22] =	ssyncadd.s32 $0xFFFFFB00  }
0xb3: {  	s24 =	smul.u32 $0x28000, s15;
	_ =	strace $0x9000004A  }
0xb4: {  	_ =	strace $0x8000004B  }
0xb5: {  	p0 =	seq.s32 s21, $0x1;
	s18 =	sshrl.u32 s24, $0x2;
	s17 =	rddreg [dreg:$0x2]  }
0xb6: {  	s16 =	sor.u32 $0xA00, s18;
	s17 =	simm.s32 @!p0 $0x0  }
0xb7: {  	[tilespmem:s16], [sflag:$0x1] =	stream.indirect.gather [hbm4b:s3+s9], $0x20, s17, s9, $0x2000b8;
	[tilespmem:$0x14A00] =	vst v63  }
0xb8: {  	s25 =	sor.u32 $0x1A00, s18;
	s26 =	sor.u32 $0x80, s17  }
0xb9: {  	[tilespmem:s25], [sflag:$0x1] =	stream.indirect.gather [hbm4b:s3+s9], $0x20, s26, s9, $0x2000b8;
	[tilespmem:$0x14A00] =	vst v63  }
0xba: {  	s28 =	sadd.s32 $0x2A00, s18;
	s29 =	sadd.s32 $0x100, s17  }
0xbb: {  	[tilespmem:s28], [sflag:$0x1] =	stream.indirect.gather [hbm4b:s3+s9], $0x20, s29, s9, $0x2000b8;
	[tilespmem:$0x14A00] =	vst v63  }
0xbc: {  	s30 =	sadd.s32 $0x3A00, s18;
	s31 =	sadd.s32 $0x180, s17  }
0xbd: {  	[tilespmem:s30], [sflag:$0x1] =	stream.indirect.gather [hbm4b:s3+s9], $0x20, s31, s9, $0x2000b8;
	[tilespmem:$0x14A00] =	vst v63  }
0xbe: {  	s20 =	sadd.s32 $0x4A00, s18;
	s21 =	sor.u32 $0x200, s17  }
0xbf: {  	[tilespmem:s20], [sflag:$0x1] =	stream.indirect.gather [hbm4b:s3+s9], $0x20, s21, s9, $0x2000b8;
	[tilespmem:$0x14A00] =	vst v63  }
0xc0: {  	s22 =	sadd.s32 $0x5A00, s18;
	s23 =	sor.u32 $0x280, s17  }
0xc1: {  	[tilespmem:s22], [sflag:$0x1] =	stream.indirect.gather [hbm4b:s3+s9], $0x20, s23, s9, $0x2000b8;
	[tilespmem:$0x14A00] =	vst v63  }
0xc2: {  	s24 =	sadd.s32 $0x6A00, s18;
	s25 =	sadd.s32 $0x300, s17  }
0xc3: {  	[tilespmem:s24], [sflag:$0x1] =	stream.indirect.gather [hbm4b:s3+s9], $0x20, s25, s9, $0x2000b8;
	[tilespmem:$0x14A00] =	vst v63  }
0xc4: {  	s26 =	sadd.s32 $0x7A00, s18;
	s28 =	sadd.s32 $0x380, s17  }
0xc5: {  	[tilespmem:s26], [sflag:$0x1] =	stream.indirect.gather [hbm4b:s3+s9], $0x20, s28, s9, $0x2000b8;
	[tilespmem:$0x14A00] =	vst v63  }
0xc6: {  	s29 =	sadd.s32 $0x8A00, s18;
	s30 =	sadd.s32 $0x400, s17  }
0xc7: {  	[tilespmem:s29], [sflag:$0x1] =	stream.indirect.gather [hbm4b:s3+s9], $0x20, s30, s9, $0x2000b8;
	[tilespmem:$0x14A00] =	vst v63  }
0xc8: {  	s31 =	sadd.s32 $0x9A00, s18;
	s17 =	sadd.s32 $0x480, s17  }
0xc9: {  	[tilespmem:s31], [sflag:$0x1] =	stream.indirect.gather [hbm4b:s3+s9], $0x20, s17, s9, $0x2000b8;
	[tilespmem:$0x14A00] =	vst v63  }
0xca: {  	_ =	swait.ge [sflag:s8], $0x1000  }
0xcb: {  	[sflag:s8] =	ssyncset.done $0x0  }
0xcc: {  	[sflag:s8] =	ssyncadd.s32 $0xFFFFF000  }
0xcd: {  	_ =	swait.ge [sflag:s8], $0x1000  }
0xce: {  	[sflag:s8] =	ssyncset.done $0x0  }
0xcf: {  	[sflag:s8] =	ssyncadd.s32 $0xFFFFF000  }
0xd0: {  	_ =	swait.ge [sflag:s8], $0x1000  }
0xd1: {  	[sflag:s8] =	ssyncset.done $0x0  }
0xd2: {  	[sflag:s8] =	ssyncadd.s32 $0xFFFFF000  }
0xd3: {  	_ =	swait.ge [sflag:s8], $0x1000  }
0xd4: {  	[sflag:s8] =	ssyncset.done $0x0  }
0xd5: {  	[sflag:s8] =	ssyncadd.s32 $0xFFFFF000  }
0xd6: {  	_ =	swait.ge [sflag:s8], $0x1000  }
0xd7: {  	[sflag:s8] =	ssyncset.done $0x0  }
0xd8: {  	[sflag:s8] =	ssyncadd.s32 $0xFFFFF000  }
0xd9: {  	_ =	swait.ge [sflag:s8], $0x1000  }
0xda: {  	[sflag:s8] =	ssyncset.done $0x0  }
0xdb: {  	[sflag:s8] =	ssyncadd.s32 $0xFFFFF000  }
0xdc: {  	_ =	swait.ge [sflag:s8], $0x1000  }
0xdd: {  	[sflag:s8] =	ssyncset.done $0x0  }
0xde: {  	[sflag:s8] =	ssyncadd.s32 $0xFFFFF000  }
0xdf: {  	_ =	swait.ge [sflag:s8], $0x1000  }
0xe0: {  	[sflag:s8] =	ssyncset.done $0x0  }
0xe1: {  	[sflag:s8] =	ssyncadd.s32 $0xFFFFF000  }
0xe2: {  	_ =	swait.ge [sflag:s8], $0x1000  }
0xe3: {  	[sflag:s8] =	ssyncset.done $0x0  }
0xe4: {  	[sflag:s8] =	ssyncadd.s32 $0xFFFFF000  }
0xe5: {  	_ =	swait.ge [sflag:s8], $0x1000  }
0xe6: {  	p1 =	seq.s32 s13, $0x1;
	p6 =	por p4, p4;
	[sflag:s8] =	ssyncset.done $0x0  }
0xe7: {  	s0 =	sadd.s32 s5, s12;
	p0 =	por p1, p6;
	[sflag:s8] =	ssyncadd.s32 $0xFFFFF000  }
0xe8: {  	s0 =	smul.u32 @p0 $0xA000, s0;
	_ =	strace $0x9000004B  }
0xe9: {  	_ =	strace @p0 $0x8000004C  }
0xea: {  	s0 =	sshrl.u32 @p0 s0, $0x3;
	s12 =	rddreg [dreg:$0x3]  }
0xeb: {  	s13 =	simm.s32 @p0 $0x0;
	s15 =	sor.u32 @p0 $0x4, s15;
	s0 =	sadd.s32 @p0 s12, s0  }
0xec: {  	[hbm4b:s0+s13] =	stream.linear.scatter @p0 [tilespmem:s16], [sflag:s15], $0xA000, $0x200038;
	[tilespmem:$0x14A00] =	vst v63  }
0xed: {  	p1 =	por p2, p2;
	s0 =	sand.u32 @!p2 $0x1, s14;
	_ =	strace @p0 $0x9000004C  }
0xee: {  	s0 =	sor.u32 @!p1 $0x4, s0;
	_ =	strace @!p1 $0x8000004D  }
0xef: {  	_ =	swait.ge @!p1 [sflag:s0], $0xA000  }
0xf0: {  	[sflag:s0] =	ssyncset.done @!p1 $0x0  }
0xf1: {  	s11 =	sadd.s32 $0x1, s11;
	[sflag:s0] =	ssyncadd.s32 @!p1 $0xFFFF6000  }
0xf2: {  	p0 =	sne.s32 s11, s7;
	_ =	strace @!p1 $0x9000004D  }
.Ltmp1:
0xf3: {  	_ =	strace $0x8000004E;
	(pc) =	sbr.rel @p0 .LBB2_1-.Ltmp1, $4  }
0xf4: {  	_ =	swait.ge [sflag:s10], $0xA000  }
0xf5: {  	[sflag:s10] =	ssyncset.done $0x0  }
0xf6: {  	[sflag:s10] =	ssyncadd.s32 $0xFFFF6000  }
0xf7: {  	_ =	strace $0x9000004E  }
0xf8: {  	_ =	sfence.sel $0x180000  }
0xf9: {  	[bflag:$0x0] =	sbarrier.arrive $0xFFFF  }
0xfa: {  	_ =	strace $0x90000047  }
0xfb: {  	[bflag:$0x2] =	sbarrier.arrive $0xFFFF  }
0xfc: {  	p0 =	sne.s32 s2, $0x0;
	s0 =	rddreg [dreg:$0x1]  }
0xfd: {  	s0 =	sadd.s32 @!p0 $0x100000, s0  }
0xfe: {  	[sflag:s0] =	ssyncadd.tile.s32 @!p0 $0x1;
	_ =	shalt  }
.Lfunc_end2:
_tile_overlayer_lowered:
.L_overlay_start_2:
0xff: {  	(tag) =	ssettag $0x2  }
0x100: {  	s0 =	rddreg [dreg:$0x0];
	s2 =	stileid.u32  }
0x101: {  	s1 =	rddreg [dreg:$0x1];
	p0 =	sne.s32 s2, $0x0  }
0x102: {  	s3 =	rddreg [dreg:$0x2];
	[bflag:$0x3] =	sbarrier.arrive $0xFFFF;
	s2 =	simm.s32 @!p0 $0x1C02  }
0x103: {  	[timem:s3], [sflag:s2] =	dma.local @!p0 [hbm:s0], s1  }
0x104: {  	s0 =	simm.s32 @!p0 $0x2  }
0x105: {  	_ =	swait.ge @!p0 [sflag:s0], s1  }
0x106: {  	s1 =	ssub.s32 @!p0 $0x0, s1;
	[sflag:s0] =	ssyncset.done @!p0 $0x0  }
0x107: {  	[sflag:s0] =	ssyncadd.s32 @!p0 s1  }
0x108: {  	[bflag:$0x3] =	sbarrier.arrive $0xFFFF  }
0x109: {  	_ =	shalt  }

// kernel: run.7.cloned.1.call-start
scs
__scs_entry_jumppad:
0x0: {  	(pc) =	sbr.rel $0x88, $3  }
0x1: {  	(tag) =	ssettag $0x0;
	lr =	simm.s32 $0x1  }
0x2: {  	[smem:$0x3F9F] =	sst lr;
	_ =	strace $0xD0000000  }
0x3: {  	_ = 	snop  }
0x4: {  	_ = 	snop  }
0x5: {  	_ = 	snop  }
0x6: {  	_ = 	snop  }
0x7: {  	_ = 	snop  }
__scs_overlays_trampoline_lowered:
0x8: {  	[smem:$0x3FAE] =	sst s0  }
0x9: {  	[smem:$0x3FAF] =	sst s1  }
0xa: {  	[smem:$0x3FB0] =	sst s2  }
0xb: {  	[smem:$0x3FB1] =	sst s3  }
0xc: {  	[smem:$0x3FB2] =	sst s4  }
0xd: {  	[smem:$0x3FB3] =	sst s5  }
0xe: {  	[smem:$0x3FB4] =	sst s6  }
0xf: {  	[smem:$0x3FB5] =	sst s7  }
0x10: {  	[smem:$0x3FB6] =	sst s8  }
0x11: {  	[smem:$0x3FB7] =	sst s9;
	s0 =	simm.s32 @!p0 $0x0  }
0x12: {  	s1 =	sld [smem:$0x3F9D];
	s0 =	simm.s32 @p0 $0x1  }
0x13: {  	[smem:$0x3FB8] =	sst s0;
	s0 =	simm.s32 @!p1 $0x0  }
0x14: {  	s2 =	sld [smem:$0x3F9C];
	s0 =	simm.s32 @p1 $0x1  }
0x15: {  	[smem:$0x3FB9] =	sst s0;
	s0 =	simm.s32 @!p2 $0x0  }
0x16: {  	s3 =	sld [smem:$0x3FDB];
	s0 =	simm.s32 @p2 $0x1  }
0x17: {  	s4 =	simm.s32 $0x1BF5;
	[smem:$0x3FBB] =	sst s0  }
0x18: {  	s0 =	sld [smem:$0x3F9E];
	_ =	swait.ge [sflag:s4], $0x0  }
0x19: {  	s7 =	sld [smem:$0x3F9F]  }
0x1a: {  	s8 =	sadd.s32 $0xFFFFE003, lr  }
0x1b: {  	s9 =	sadd.s32 $0xFFFFFEF7, lr;
	s5 =	simm.s32 $0xFFFFFFFF;
	p2 =	slt.u32 s8, $0xFFFFF086  }
0x1c: {  	p1 =	slt.u32 s9, $0xF7A;
	s5 =	simm.s32 @!p2 $0x0  }
0x1d: {  	s5 =	simm.s32 @p1 $0x1;
	p0 =	seq.s32 s7, s2  }
0x1e: {  	s7 =	smul.u32 @!p0 $0xF7A, s2;
	p2 =	seq.s32 @!p0 s5, $0x0  }
0x1f: {  	s9 =	smul.u32 $0xF7A, s1;
	s8 =	simm.s32 @!p0 $0x1BF5;
	p2 =	por !p2, p0  }
0x20: {  	[sflag:s8] =	ssyncset.s32 @!p0 $0xFFFFF086;
	s6 =	sadd.s32 @!p0 s3, s7;
	s7 =	simm.s32 @!p0 $0x108  }
0x21: {  	s3 =	sadd.s32 s3, s9;
	s6 =	sadd.s32 @!p0 $0x88, s6;
	s7 =	simm.s32 @p2 $0x1082  }
0x22: {  	[simem:s7], [sflag:s8] =	dma.local @!p0 [hbm:s6], $0xF7A  }
0x23: {  	s9 =	sor.u32 $0xD0000000, s2;
	s6 =	simm.s32 $0x108;
	_ =	swait.ge @!p0 [sflag:s8], $0x0  }
0x24: {  	s3 =	sadd.s32 $0x88, s3;
	s6 =	simm.s32 @!p1 $0x1082;
	[sflag:s4] =	ssyncset.s32 $0xFFFFF086  }
0x25: {  	[simem:s6], [sflag:s4] =	dma.local [hbm:s3], $0xF7A  }
0x26: {  	[smem:$0x3F9F] =	sst s1;
	(tag) =	ssettag s2;
	_ =	strace s9  }
0x27: {  	s1 =	sld [smem:$0x3FAF]  }
0x28: {  	s2 =	sld [smem:$0x3FB0]  }
0x29: {  	s4 =	sld [smem:$0x3FB2]  }
0x2a: {  	p0 =	seq.s32 s5, $0x0;
	s5 =	sld [smem:$0x3FB3]  }
0x2b: {  	s6 =	sld [smem:$0x3FB4]  }
0x2c: {  	s7 =	sld [smem:$0x3FB5]  }
0x2d: {  	s3 =	simm.s32 $0x108;
	s8 =	sld [smem:$0x3FB6]  }
0x2e: {  	s3 =	simm.s32 @!p0 $0x1082;
	s9 =	sld [smem:$0x3FB7]  }
0x2f: {  	lr =	sadd.s32 s0, s3;
	s0 =	sld [smem:$0x3FAE]  }
0x30: {  	s3 =	sld [smem:$0x3FB1]  }
0x31: {  	[smem:$0x3FBA] =	sst s10  }
0x32: {  	s10 =	sld [smem:$0x3FB8];
	_ =	sdelay $0x3  }
0x33: {  	p0 =	seq.s32 s10, $0x1;
	s10 =	sld [smem:$0x3FBA];
	_ =	sdelay $0x3  }
0x34: {  	[smem:$0x3FBA] =	sst s10  }
0x35: {  	s10 =	sld [smem:$0x3FB9];
	_ =	sdelay $0x3  }
0x36: {  	p1 =	seq.s32 s10, $0x1;
	s10 =	sld [smem:$0x3FBA];
	_ =	sdelay $0x3  }
0x37: {  	[smem:$0x3FBA] =	sst s10  }
0x38: {  	s10 =	sld [smem:$0x3FBB]  }
0x39: {  	_ = 	snop;
	(pc) =	sbr.ind lr, $3  }
0x3a: {  	_ = 	snop  }
0x3b: {  	_ = 	snop  }
0x3c: {  	p2 =	seq.s32 s10, $0x1;
	s10 =	sld [smem:$0x3FBA]  }
0x3d: {  	_ =	shalt  }
0x3e: {  	_ =	shalt  }
0x3f: {  	_ =	shalt  }
0x40: {  	_ =	shalt  }
0x41: {  	_ =	shalt  }
0x42: {  	_ =	shalt  }
0x43: {  	_ =	shalt  }
0x44: {  	_ =	shalt  }
0x45: {  	_ =	shalt  }
0x46: {  	_ =	shalt  }
0x47: {  	_ =	shalt  }
0x48: {  	_ =	shalt  }
0x49: {  	_ =	shalt  }
0x4a: {  	_ =	shalt  }
0x4b: {  	_ =	shalt  }
0x4c: {  	_ =	shalt  }
0x4d: {  	_ =	shalt  }
0x4e: {  	_ =	shalt  }
0x4f: {  	_ =	shalt  }
0x50: {  	_ =	shalt  }
0x51: {  	_ =	shalt  }
0x52: {  	_ =	shalt  }
0x53: {  	_ =	shalt  }
0x54: {  	_ =	shalt  }
0x55: {  	_ =	shalt  }
0x56: {  	_ =	shalt  }
0x57: {  	_ =	shalt  }
0x58: {  	_ =	shalt  }
0x59: {  	_ =	shalt  }
0x5a: {  	_ =	shalt  }
0x5b: {  	_ =	shalt  }
0x5c: {  	_ =	shalt  }
0x5d: {  	_ =	shalt  }
0x5e: {  	_ =	shalt  }
0x5f: {  	_ =	shalt  }
0x60: {  	_ =	shalt  }
0x61: {  	_ =	shalt  }
0x62: {  	_ =	shalt  }
0x63: {  	_ =	shalt  }
0x64: {  	_ =	shalt  }
0x65: {  	_ =	shalt  }
0x66: {  	_ =	shalt  }
0x67: {  	_ =	shalt  }
0x68: {  	_ =	shalt  }
0x69: {  	_ =	shalt  }
0x6a: {  	_ =	shalt  }
0x6b: {  	_ =	shalt  }
0x6c: {  	_ =	shalt  }
0x6d: {  	_ =	shalt  }
0x6e: {  	_ =	shalt  }
0x6f: {  	_ =	shalt  }
0x70: {  	_ =	shalt  }
0x71: {  	_ =	shalt  }
0x72: {  	_ =	shalt  }
0x73: {  	_ =	shalt  }
0x74: {  	_ =	shalt  }
0x75: {  	_ =	shalt  }
0x76: {  	_ =	shalt  }
0x77: {  	_ =	shalt  }
0x78: {  	_ =	shalt  }
0x79: {  	_ =	shalt  }
0x7a: {  	_ =	shalt  }
0x7b: {  	_ =	shalt  }
0x7c: {  	_ =	shalt  }
0x7d: {  	_ =	shalt  }
0x7e: {  	_ =	shalt  }
0x7f: {  	_ =	shalt  }
0x80: {  	_ =	shalt  }
0x81: {  	_ =	shalt  }
0x82: {  	_ =	shalt  }
0x83: {  	_ =	shalt  }
0x84: {  	_ =	shalt  }
0x85: {  	_ =	shalt  }
0x86: {  	_ =	shalt  }
0x87: {  	_ =	shalt  }
.Lfunc_end0:
.L_simem_size_0:
called_computation.1_lowered:
.L_overlay_start_0:
0x88: {  	s2 =	sld [smem:$0x3FD9]  }
0x89: {  	s3 =	sld [smem:$0x3FFE];
	_ =	sdelay $0x1  }
0x8a: {  	s1 =	srdreg.scid  }
0x8b: {  	s0 =	sand.u32 $0x1, s1  }
0x8c: {  	s17 =	sshll.u32 s0, $0xA;
	s2 =	sadd.s32 s3, s2  }
0x8d: {  	s2 =	sadd.s32 s2, s17  }
0x8e: {  	[smem:$0x3FC6] =	sst s2  }
0x8f: {  	_ = 	snop  }
0x90: {  	s2 =	sld [smem:$0x3FD0];
	(tm) =	ssettm $0x1  }
0x91: {  	s18 =	sld [smem:$0x3FFB];
	_ =	sdelay $0x3  }
0x92: {  	_ =	strace s18  }
0x93: {  	s3 =	sld [smem:$0x3FFC];
	_ =	sdelay $0x3  }
0x94: {  	_ =	strace s3  }
0x95: {  	s3 =	sld [smem:$0x3FFD];
	_ =	sdelay $0x3  }
0x96: {  	_ =	strace s3  }
0x97: {  	_ =	strace $0x8FFFFFFF  }
0x98: {  	s19 =	sld [smem:$0x3FDB];
	_ =	sdelay $0x1  }
0x99: {  	s4 =	simm.s32 $_scs_section_size  }
0x9a: {  	s5 =	simm.s32 $_size__tile_overlayer_lowered;
	s6 =	simm.s32 $_tile_overlayer_lowered  }
0x9b: {  	s22 =	simm.s32 $0x1BFF;
	s21 =	sshll.u32 s6, $0x1;
	s3 =	sadd.s32 s4, s19  }
0x9c: {  	s7 =	simm.s32 $0x0;
	s20 =	sshll.u32 s5, $0x1;
	s5 =	sadd.s32 s21, s3  }
0x9d: {  	[timem:s7], [sflag:s22] =	dma.local [hbm:s5], s20  }
0x9e: {  	_ =	swait.ge [sflag:s22], s20  }
0x9f: {  	s4 =	ssub.s32 $0x0, s20;
	[sflag:s22] =	ssyncset.done $0x0  }
0xa0: {  	[sflag:s22] =	ssyncadd.s32 s4;
	_ =	sdelay $0x1  }
0xa1: {  	s23 =	simm.s32 $0x1B8B  }
0xa2: {  	_ =	swait.ge [sflag:s23], $0x1  }
0xa3: {  	[sflag:s23] =	ssyncset.done $0x0  }
0xa4: {  	s25 =	simm.s32 $0x1B8E;
	s24 =	sld [smem:$0x3FFE];
	[sflag:s23] =	ssyncadd.s32 $0xFFFFFFFF  }
0xa5: {  	s26 =	simm.s32 $execute0_lowered;
	[smem:$0x3FD2] =	sst s25  }
0xa6: {  	s5 =	sshll.u32 s26, $0x1;
	_ =	strace $0x80000050;
	[dreg:$0x1] =	wrdreg $0xFFFFFFFF  }
0xa7: {  	s28 =	simm.s32 $_size_execute0_lowered;
	s3 =	sadd.s32 s3, s5;
	[dreg:$0x0] =	wrdreg $0x0  }
0xa8: {  	s5 =	sshll.u32 s28, $0x1;
	[dreg:$0x2] =	wrdreg s3  }
0xa9: {  	[dreg:$0x3] =	wrdreg s5  }
0xaa: {  	[dreg:$0x4] =	wrdreg $0xC0  }
0xab: {  	_ =	task [dreg:s7], $0x5FFFF  }
0xac: {  	[dreg:$0x1] =	wrdreg $0xFFFFFFFF  }
0xad: {  	[dreg:$0x0] =	wrdreg $0x60  }
0xae: {  	[dreg:$0x2] =	wrdreg s24  }
0xaf: {  	[dreg:$0x3] =	wrdreg s2  }
0xb0: {  	[dreg:$0x4] =	wrdreg $0x9  }
0xb1: {  	_ =	task.clear_ibuf [dreg:s7], $0x5FFFF;
	_ =	strace $0x90000050  }
0xb2: {  	s29 =	simm.s32 $0x9;
	_ =	strace $0x80000059  }
0xb3: {  	_ =	swait.ge [sflag:s29], $0x1  }
0xb4: {  	[sflag:s29] =	ssyncadd.s32 $0xFFFFFFFF  }
0xb5: {  	_ =	strace $0x90000059  }
0xb6: {  	_ =	sfence  }
0xb7: {  	s30 =	sld [smem:$0x0];
	_ =	sdelay $0x2  }
0xb8: {  	s31 =	sshll.u32 s1, $0xD;
	s1 =	sshrl.u32 s1, $0x2  }
0xb9: {  	s3 =	sand.u32 $0x4000, s31;
	s1 =	sadd.s32 s1, s30  }
0xba: {  	s0 =	sor.u32 s3, s0;
	s1 =	sshll.u32 s1, $0x11  }
0xbb: {  	s0 =	sor.u32 s1, s0  }
0xbc: {  	s0 =	sadd.s32 $0x8F2B, s0  }
0xbd: {  	[sflag:s0] =	ssyncadd.remote.s32 $0x1  }
0xbe: {  	_ =	sfence.sel $0xFFFF  }
0xbf: {  	[dreg:$0x0] =	wrdreg $0xFFFFFFFF;
	(pc) =	sbr.abs _section_cstart, $3  }
0xc0: {  	[dreg:$0x1] =	wrdreg $0xFFFFFFFF  }
0xc1: {  	_ =	task.clear_ibuf [dreg:s7], $0x2FFFF;
	_ =	strace $0x9FFFFFFF  }
0xc2: {  	(tm) =	ssettm $0x7FFFFFFF  }
0xc3: {  	_ =	shalt  }
tec
execute0_lowered:
.L_overlay_start_1:
0x0: {  	(tag) =	ssettag $0x1  }
0x1: {  	s4 =	rddreg [dreg:$0x0]  }
0x2: {  	v2 =	vlaneseq.u32;
	s1 =	rddreg [dreg:$0x1];
	s3 =	simm.s32 $0x0  }
0x3: {  	[smem:$0x7FF] =	sst s3;
	v1 =	vor.u32 $0x870, v2  }
0x4: {  	s0 =	rddreg [dreg:$0x2];
	v29 =	vor.u32 $0x810, v2;
	_ =	strace $0x80000051;
	[tilespmem:$0x1FEB0] =	vst v1  }
0x5: {  	v3 =	vor.u32 $0x70, v2;
	[tilespmem:$0x1FED0] =	vst v29  }
0x6: {  	v5 =	vor.u32 $0x820, v2;
	[tilespmem:$0x1FF10] =	vst v3  }
0x7: {  	v6 =	vor.u32 $0x830, v2;
	[tilespmem:$0x1FF20] =	vst v5  }
0x8: {  	v30 =	vor.u32 $0x840, v2;
	[tilespmem:$0x1FF30] =	vst v6  }
0x9: {  	v4 =	vor.u32 $0x60, v2;
	[tilespmem:$0x1FF40] =	vst v30  }
0xa: {  	v14 =	vor.u32 $0x10, v2;
	[tilespmem:$0x1FF50] =	vst v4  }
0xb: {  	v16 =	vor.u32 $0x20, v2;
	[tilespmem:$0x1FF80] =	vst v14  }
0xc: {  	v18 =	vor.u32 $0x30, v2;
	[tilespmem:$0x1FFA0] =	vst v16  }
0xd: {  	v26 =	vmul.u32 $0x20, v2;
	v20 =	vor.u32 $0x40, v2;
	[tilespmem:$0x1FFC0] =	vst v18  }
0xe: {  	[tilespmem:$0x1FFF0] =	vst v20  }
0xf: {  	v28 =	vor.u32 $0xE10, v26;
	[tilespmem:$0x1FF60] =	vst v26  }
0x10: {  	v21 =	vor.u32 $0x610, v26;
	[tilespmem:$0x1FEC0] =	vst v28  }
0x11: {  	v43 =	vor.u32 $0x810, v26;
	[tilespmem:$0x1FEE0] =	vst v21  }
0x12: {  	s2 =	srdreg.scid;
	v12 =	vor.u32 $0xA10, v26;
	[tilespmem:$0x1FEF0] =	vst v43  }
0x13: {  	s5 =	sand.u32 $0x1, s2;
	v13 =	vor.u32 $0x200, v26;
	[tilespmem:$0x1FF00] =	vst v12  }
0x14: {  	v23 =	vor.u32 $0x50, v2;
	s2 =	stileid.u32;
	s6 =	sshll.u32 s5, $0x4;
	v15 =	vor.u32 $0x400, v26;
	[tilespmem:$0x1FF70] =	vst v13  }
0x15: {  	v8 =	vor.u32 $0x800, v2;
	v25 =	vor.u32 $0x850, v2;
	s5 =	ssub.s32 $0x2, s5;
	v17 =	vor.u32 $0x600, v26;
	s6 =	sor.u32 s2, s6;
	[tilespmem:$0x1FF90] =	vst v15  }
0x16: {  	v31 =	vor.u32 $0x860, v2;
	v19 =	vor.u32 $0x800, v26;
	v22 =	vor.u32 $0xA00, v26;
	s7 =	sshrl.u32 s5, $0x1;
	s8 =	smul.u32 $0x64000, s6;
	[tilespmem:$0x1FFB0] =	vst v17  }
0x17: {  	s4 =	sadd.s32 $0xC6600, s4;
	v24 =	vor.u32 $0xC00, v26;
	v10 =	vor.u32 $0xE00, v26;
	v7 =	vor.u32 $0x10, v26;
	s7 =	ssub.s32 s5, s7;
	s5 =	smul.u32 $0x320, s6;
	[tilespmem:$0x1FFD0] =	vst v19  }
0x18: {  	v9 =	vor.u32 $0x210, v26;
	v11 =	vor.u32 $0x410, v26;
	v27 =	vor.u32 $0xC10, v26;
	[tilespmem:$0x1FFE0] =	vst v10;
	s7 =	smax.u32 s7, $0x1;
	s6 =	sadd.s32 s4, s8;
	s8 =	simm.s32 $0x0  }
.LBB2_1:
0x19: {  	_ =	strace $0x80000052;
	s10 =	simm.s32 $0x0  }
0x1a: {  	s9 =	simm.s32 $0x0;
	s11 =	simm.s32 $0x0;
	s12 =	simm.s32 $0x0  }
0x1b: {  	[tilespmem:s3], [sflag:$0x1] =	stream.linear.gather [hbm4b:s6+s3], $0x1000, $0x200038;
	[tilespmem:$0x4000] =	vst v63  }
0x1c: {  	s13 =	simm.s32 $0x1;
	s14 =	simm.s32 $0x0;
	_ =	strace $0x90000052  }
.LBB2_2:
0x1d: {  	s19 =	smov.u32 s10;
	s10 =	sadd.s32 $0x1, s10  }
0x1e: {  	p0 =	seq.s32 s10, $0x320  }
0x1f: {  	s10 =	simm.s32 @p0 $0x0  }
0x20: {  	p1 =	sne.s32 s14, $0x31F;
	p0 =	sne.s32 s19, s10  }
0x21: {  	p1 =	por !p1, !p0  }
0x22: {  	s15 =	sadd.s32 s5, s10;
	p1 =	por !p1, !p1  }
0x23: {  	_ =	strace @p1 $0x80000053;
	s17 =	sshll.u32 @p1 s15, $0x9  }
0x24: {  	s16 =	sand.u32 @p1 $0x1, s13;
	s20 =	simm.s32 @p1 $0x0;
	s17 =	sand.u32 @p1 $0x1FFFFE00, s17  }
0x25: {  	s18 =	sshll.u32 @p1 s16, $0xC;
	s16 =	sadd.s32 @p1 $0x1, s16;
	s17 =	sadd.s32 @p1 s4, s17  }
0x26: {  	[tilespmem:s18], [sflag:s16] =	stream.linear.gather @p1 [hbm4b:s17+s20], $0x1000, $0x200038;
	[tilespmem:$0x4000] =	vst v63  }
0x27: {  	s20 =	simm.s32 $0x1  }
0x28: {  	s21 =	sand.u32 $0x1, s12;
	_ =	strace @p1 $0x90000053;
	v54 =	vadd.s32 s20, v2  }
0x29: {  	s22 =	sadd.s32 $0x1, s21;
	_ =	strace $0x80000054;
	v0 =	vand.u32 $0xF, v54  }
0x2a: {  	s23 =	simm.s32 $0x2;
	_ =	swait.ge [sflag:s22], $0x1000;
	v1 =	vor.u32 v26, v0  }
0x2b: {  	v47 =	vadd.s32 s23, v2;
	[sflag:s22] =	ssyncset.done $0x0  }
0x2c: {  	s24 =	simm.s32 $0x0;
	v32 =	vand.u32 $0xF, v47;
	[sflag:s22] =	ssyncadd.s32 $0xFFFFF000  }
0x2d: {  	s25 =	sshll.u32 s12, $0xC;
	v42 =	vadd.s32 s24, v2;
	v33 =	vor.u32 v26, v32;
	_ =	strace $0x90000054  }
0x2e: {  	v34 =	vand.u32 $0xF, v42;
	s18 =	sand.u32 $0x1000, s25;
	v43 =	vshll.u32 v0, $0x7;
	_ =	strace $0x80000055  }
0x2f: {  	v35 =	vor.u32 v26, v34;
	v36 =	vor.u32 v2, v43;
	v1 =	vld.idx.msk [tilespmem:v1+s18+$0x0], $0xffff  }
0x30: {  	v37 =	vor.u32 v13, v0  }
0x31: {  	v46 =	vshll.u32 v32, $0x7;
	s16 =	sand.u32 $0x1, s11  }
0x32: {  	v38 =	vor.u32 v2, v46;
	s26 =	sshll.u32 s16, $0xC;
	v33 =	vld.idx.msk [tilespmem:v33+s18+$0x0], $0xffff  }
0x33: {  	v39 =	vor.u32 v13, v32;
	v44 =	vshll.u32 v34, $0x7;
	s17 =	sor.u32 $0x2000, s26  }
0x34: {  	v45 =	vor.u32 v2, v44;
	v35 =	vld.idx.msk [tilespmem:v35+s18+$0x0], $0xffff;
	[tilespmem:v36+s17+$0x0] =	vst.idx.msk $0xffff, v1  }
0x35: {  	s28 =	simm.s32 $0x3;
	v57 =	vor.u32 v14, v43;
	v1 =	vor.u32 v13, v34;
	v36 =	vld.idx.msk [tilespmem:v37+s18+$0x0], $0xffff  }
0x36: {  	v28 =	vadd.s32 s28, v2;
	v58 =	vor.u32 v15, v0  }
0x37: {  	v48 =	vand.u32 $0xF, v28;
	[tilespmem:v38+s17+$0x0] =	vst.idx.msk $0xffff, v33  }
0x38: {  	v59 =	vor.u32 v26, v48;
	v49 =	vor.u32 v14, v46;
	v39 =	vld.idx.msk [tilespmem:v39+s18+$0x0], $0xffff  }
0x39: {  	v50 =	vor.u32 v15, v32;
	[tilespmem:v45+s17+$0x0] =	vst.idx.msk $0xffff, v35  }
0x3a: {  	v60 =	vor.u32 v14, v44;
	v1 =	vld.idx.msk [tilespmem:v1+s18+$0x0], $0xffff;
	[tilespmem:v57+s17+$0x0] =	vst.idx.msk $0xffff, v36  }
0x3b: {  	v61 =	vor.u32 v15, v34;
	v62 =	vor.u32 v16, v43;
	v33 =	vld.idx.msk [tilespmem:v58+s18+$0x0], $0xffff  }
0x3c: {  	v63 =	vor.u32 v17, v0;
	v45 =	vshll.u32 v48, $0x7  }
0x3d: {  	v38 =	vld.idx.msk [tilespmem:v59+s18+$0x0], $0xffff;
	v51 =	vor.u32 v2, v45;
	[tilespmem:v49+s17+$0x0] =	vst.idx.msk $0xffff, v39  }
0x3e: {  	v41 =	vor.u32 v13, v48;
	v52 =	vor.u32 v16, v46;
	v50 =	vld.idx.msk [tilespmem:v50+s18+$0x0], $0xffff  }
0x3f: {  	v53 =	vor.u32 v17, v32;
	[tilespmem:v60+s17+$0x0] =	vst.idx.msk $0xffff, v1  }
0x40: {  	v35 =	vor.u32 v16, v44;
	v1 =	vld.idx.msk [tilespmem:v61+s18+$0x0], $0xffff;
	[tilespmem:v62+s17+$0x0] =	vst.idx.msk $0xffff, v33  }
0x41: {  	v56 =	vor.u32 v17, v34;
	v58 =	vor.u32 v18, v43;
	v57 =	vld.idx.msk [tilespmem:v63+s18+$0x0], $0xffff  }
0x42: {  	[tilespmem:v51+s17+$0x0] =	vst.idx.msk $0xffff, v38;
	v60 =	vor.u32 v19, v0  }
0x43: {  	v59 =	vor.u32 v14, v45;
	v38 =	vld.idx.msk [tilespmem:v41+s18+$0x0], $0xffff;
	[tilespmem:v52+s17+$0x0] =	vst.idx.msk $0xffff, v50  }
0x44: {  	v61 =	vor.u32 v18, v46;
	v62 =	vor.u32 v15, v48;
	v50 =	vld.idx.msk [tilespmem:v53+s18+$0x0], $0xffff  }
0x45: {  	v63 =	vor.u32 v19, v32;
	[tilespmem:v35+s17+$0x0] =	vst.idx.msk $0xffff, v1  }
0x46: {  	v1 =	vld.idx.msk [tilespmem:v56+s18+$0x0], $0xffff;
	v56 =	vor.u32 v18, v44;
	[tilespmem:v58+s17+$0x0] =	vst.idx.msk $0xffff, v57  }
0x47: {  	v57 =	vor.u32 v19, v34;
	v58 =	vor.u32 v20, v43;
	v36 =	vld.idx.msk [tilespmem:v60+s18+$0x0], $0xffff  }
0x48: {  	[tilespmem:v59+s17+$0x0] =	vst.idx.msk $0xffff, v38;
	v59 =	vor.u32 v22, v0  }
0x49: {  	v38 =	vld.idx.msk [tilespmem:v62+s18+$0x0], $0xffff;
	[tilespmem:v61+s17+$0x0] =	vst.idx.msk $0xffff, v50;
	v60 =	vor.u32 v16, v45  }
0x4a: {  	v62 =	vor.u32 v17, v48;
	v61 =	vor.u32 v20, v46;
	v50 =	vld.idx.msk [tilespmem:v63+s18+$0x0], $0xffff  }
0x4b: {  	v63 =	vor.u32 v22, v32;
	[tilespmem:v56+s17+$0x0] =	vst.idx.msk $0xffff, v1  }
0x4c: {  	v56 =	vor.u32 v20, v44;
	v1 =	vld.idx.msk [tilespmem:v57+s18+$0x0], $0xffff;
	[tilespmem:v58+s17+$0x0] =	vst.idx.msk $0xffff, v36  }
0x4d: {  	v57 =	vor.u32 v22, v34;
	v58 =	vor.u32 v23, v43;
	v36 =	vld.idx.msk [tilespmem:v59+s18+$0x0], $0xffff  }
0x4e: {  	[tilespmem:v60+s17+$0x0] =	vst.idx.msk $0xffff, v38;
	v59 =	vor.u32 v24, v0  }
0x4f: {  	[tilespmem:v61+s17+$0x0] =	vst.idx.msk $0xffff, v50;
	v60 =	vor.u32 v18, v45;
	v38 =	vld.idx.msk [tilespmem:v62+s18+$0x0], $0xffff  }
0x50: {  	v61 =	vor.u32 v23, v46;
	v50 =	vld.idx.msk [tilespmem:v63+s18+$0x0], $0xffff;
	v62 =	vor.u32 v19, v48  }
0x51: {  	v63 =	vor.u32 v24, v32;
	[tilespmem:v56+s17+$0x0] =	vst.idx.msk $0xffff, v1  }
0x52: {  	v55 =	vor.u32 v23, v44;
	v1 =	vld.idx.msk [tilespmem:v57+s18+$0x0], $0xffff;
	[tilespmem:v58+s17+$0x0] =	vst.idx.msk $0xffff, v36  }
0x53: {  	v56 =	vor.u32 v24, v34;
	v57 =	vor.u32 v4, v43;
	v36 =	vld.idx.msk [tilespmem:v59+s18+$0x0], $0xffff  }
0x54: {  	v0 =	vor.u32 v10, v0;
	[tilespmem:v60+s17+$0x0] =	vst.idx.msk $0xffff, v38  }
0x55: {  	[tilespmem:v61+s17+$0x0] =	vst.idx.msk $0xffff, v50;
	v58 =	vor.u32 v20, v45;
	v38 =	vld.idx.msk [tilespmem:v62+s18+$0x0], $0xffff  }
0x56: {  	v60 =	vor.u32 v4, v46;
	v61 =	vor.u32 v22, v48;
	v59 =	vld.idx.msk [tilespmem:v63+s18+$0x0], $0xffff  }
0x57: {  	v32 =	vor.u32 v10, v32;
	[tilespmem:v55+s17+$0x0] =	vst.idx.msk $0xffff, v1  }
0x58: {  	v62 =	vor.u32 v4, v44;
	v1 =	vld.idx.msk [tilespmem:v56+s18+$0x0], $0xffff;
	[tilespmem:v57+s17+$0x0] =	vst.idx.msk $0xffff, v36  }
0x59: {  	v63 =	vor.u32 v3, v43;
	v0 =	vld.idx.msk [tilespmem:v0+s18+$0x0], $0xffff  }
0x5a: {  	v34 =	vor.u32 v10, v34;
	[tilespmem:v58+s17+$0x0] =	vst.idx.msk $0xffff, v38  }
0x5b: {  	[tilespmem:v60+s17+$0x0] =	vst.idx.msk $0xffff, v59;
	v57 =	vor.u32 v23, v45;
	v56 =	vld.idx.msk [tilespmem:v61+s18+$0x0], $0xffff  }
0x5c: {  	v58 =	vor.u32 v3, v46;
	v59 =	vor.u32 v24, v48;
	v32 =	vld.idx.msk [tilespmem:v32+s18+$0x0], $0xffff  }
0x5d: {  	v60 =	vor.u32 v7, v47;
	[tilespmem:v62+s17+$0x0] =	vst.idx.msk $0xffff, v1  }
0x5e: {  	v1 =	vor.u32 v7, v54;
	v62 =	vor.u32 v11, v54;
	[tilespmem:v63+s17+$0x0] =	vst.idx.msk $0xffff, v0  }
0x5f: {  	v0 =	vld.idx.msk [tilespmem:v34+s18+$0x0], $0xffff;
	[tilespmem:$0x1FEA0] =	vst v62  }
0x60: {  	v61 =	vor.u32 v3, v44;
	[tilespmem:v57+s17+$0x0] =	vst.idx.msk $0xffff, v56  }
0x61: {  	v38 =	vor.u32 v4, v45;
	v63 =	vor.u32 v7, v42;
	[tilespmem:v58+s17+$0x0] =	vst.idx.msk $0xffff, v32;
	v37 =	vld.idx.msk [tilespmem:v59+s18+$0x0], $0xffff  }
0x62: {  	s30 =	simm.s32 $0x5;
	v52 =	vor.u32 v8, v46;
	v53 =	vor.u32 v10, v48;
	v57 =	vld.idx.msk [tilespmem:v60+s18+$0x0], $0xffff  }
0x63: {  	v35 =	vadd.s32 s30, v2;
	v55 =	vor.u32 v8, v43;
	v1 =	vld.idx.msk [tilespmem:v1+s18+$0x0], $0xffff;
	v59 =	vor.u32 v9, v47  }
0x64: {  	v51 =	vand.u32 $0xF, v35;
	v56 =	vor.u32 v9, v54  }
0x65: {  	[tilespmem:v61+s17+$0x0] =	vst.idx.msk $0xffff, v0;
	v0 =	vor.u32 v26, v51  }
0x66: {  	v58 =	vor.u32 v8, v44;
	v60 =	vld.idx.msk [tilespmem:v63+s18+$0x0], $0xffff;
	[tilespmem:v38+s17+$0x0] =	vst.idx.msk $0xffff, v37  }
0x67: {  	[tilespmem:v52+s17+$0x0] =	vst.idx.msk $0xffff, v57;
	v52 =	vld.idx.msk [tilespmem:v53+s18+$0x0], $0xffff;
	v53 =	vor.u32 v3, v45  }
0x68: {  	v41 =	vor.u32 v29, v46;
	[tilespmem:v55+s17+$0x0] =	vst.idx.msk $0xffff, v1;
	v40 =	vld.idx.msk [tilespmem:v59+s18+$0x0], $0xffff  }
0x69: {  	v63 =	vor.u32 v29, v43;
	v37 =	vshll.u32 v51, $0x7;
	v56 =	vld.idx.msk [tilespmem:v56+s18+$0x0], $0xffff  }
0x6a: {  	s31 =	simm.s32 $0x6;
	v1 =	vld.idx.msk [tilespmem:v0+s18+$0x0], $0xffff;
	v0 =	vor.u32 v2, v37  }
0x6b: {  	v39 =	vadd.s32 s31, v2;
	[tilespmem:v58+s17+$0x0] =	vst.idx.msk $0xffff, v60  }
0x6c: {  	s29 =	simm.s32 $0x4;
	v50 =	vand.u32 $0xF, v39;
	[tilespmem:v53+s17+$0x0] =	vst.idx.msk $0xffff, v52  }
0x6d: {  	v34 =	vmov v21;
	v21 =	vadd.s32 s29, v2;
	v61 =	vor.u32 v26, v50;
	[tilespmem:v41+s17+$0x0] =	vst.idx.msk $0xffff, v40  }
0x6e: {  	v49 =	vand.u32 $0xF, v21;
	[tilespmem:v63+s17+$0x0] =	vst.idx.msk $0xffff, v56  }
0x6f: {  	v62 =	vor.u32 v26, v49;
	[tilespmem:v0+s17+$0x0] =	vst.idx.msk $0xffff, v1  }
0x70: {  	v57 =	vor.u32 v7, v28;
	v0 =	vld [tilespmem:$0x1FEA0]  }
0x71: {  	v38 =	vshll.u32 v50, $0x7;
	v59 =	vor.u32 v11, v47  }
0x72: {  	v58 =	vor.u32 v13, v51;
	v60 =	vld.idx.msk [tilespmem:v61+s18+$0x0], $0xffff;
	v61 =	vor.u32 v2, v38  }
0x73: {  	v36 =	vshll.u32 v49, $0x7  }
0x74: {  	v52 =	vor.u32 v9, v42;
	v53 =	vld.idx.msk [tilespmem:v62+s18+$0x0], $0xffff;
	v62 =	vor.u32 v2, v36  }
0x75: {  	v41 =	vor.u32 v13, v50;
	v55 =	vld.idx.msk [tilespmem:v57+s18+$0x0], $0xffff;
	v57 =	vor.u32 v8, v45  }
0x76: {  	s21 =	simm.s32 $0x7;
	v56 =	vor.u32 v13, v49;
	v63 =	vor.u32 v5, v46;
	v59 =	vld.idx.msk [tilespmem:v59+s18+$0x0], $0xffff  }
0x77: {  	v33 =	vadd.s32 s21, v2;
	[tilespmem:v61+s17+$0x0] =	vst.idx.msk $0xffff, v60;
	v58 =	vld.idx.msk [tilespmem:v58+s18+$0x0], $0xffff;
	v61 =	vor.u32 v14, v37  }
0x78: {  	v48 =	vand.u32 $0xF, v33;
	v40 =	vor.u32 v9, v28;
	v1 =	vld.idx.msk [tilespmem:v0+s18+$0x0], $0xffff;
	v0 =	vor.u32 v5, v43  }
0x79: {  	v60 =	vor.u32 v26, v48;
	v52 =	vld.idx.msk [tilespmem:v52+s18+$0x0], $0xffff;
	[tilespmem:v62+s17+$0x0] =	vst.idx.msk $0xffff, v53;
	v62 =	vor.u32 v29, v44  }
0x7a: {  	v41 =	vld.idx.msk [tilespmem:v41+s18+$0x0], $0xffff;
	[tilespmem:v57+s17+$0x0] =	vst.idx.msk $0xffff, v55;
	v55 =	vor.u32 v15, v51;
	v57 =	vor.u32 v14, v38  }
0x7b: {  	v56 =	vld.idx.msk [tilespmem:v56+s18+$0x0], $0xffff;
	[tilespmem:v63+s17+$0x0] =	vst.idx.msk $0xffff, v59;
	v59 =	vor.u32 v11, v42;
	v63 =	vor.u32 v14, v36  }
0x7c: {  	v32 =	vshll.u32 v48, $0x7;
	v53 =	vor.u32 v34, v54;
	[tilespmem:v61+s17+$0x0] =	vst.idx.msk $0xffff, v58  }
0x7d: {  	[tilespmem:v0+s17+$0x0] =	vst.idx.msk $0xffff, v1;
	v0 =	vor.u32 v15, v50;
	v1 =	vld.idx.msk [tilespmem:v40+s18+$0x0], $0xffff;
	v40 =	vor.u32 v29, v45  }
0x7e: {  	v58 =	vor.u32 v2, v32;
	v60 =	vld.idx.msk [tilespmem:v60+s18+$0x0], $0xffff;
	[tilespmem:v62+s17+$0x0] =	vst.idx.msk $0xffff, v52  }
0x7f: {  	v55 =	vld.idx.msk [tilespmem:v55+s18+$0x0], $0xffff;
	[tilespmem:v57+s17+$0x0] =	vst.idx.msk $0xffff, v41;
	v57 =	vor.u32 v16, v37  }
0x80: {  	[tilespmem:v63+s17+$0x0] =	vst.idx.msk $0xffff, v56;
	v59 =	vld.idx.msk [tilespmem:v59+s18+$0x0], $0xffff;
	v63 =	vor.u32 v5, v44  }
0x81: {  	v62 =	vor.u32 v6, v43;
	v53 =	vld.idx.msk [tilespmem:v53+s18+$0x0], $0xffff  }
0x82: {  	[tilespmem:v40+s17+$0x0] =	vst.idx.msk $0xffff, v1;
	v0 =	vld.idx.msk [tilespmem:v0+s18+$0x0], $0xffff;
	v40 =	vor.u32 v16, v38  }
0x83: {  	[tilespmem:v58+s17+$0x0] =	vst.idx.msk $0xffff, v60  }
0x84: {  	v61 =	vor.u32 v15, v49;
	[tilespmem:v57+s17+$0x0] =	vst.idx.msk $0xffff, v55  }
0x85: {  	v52 =	vor.u32 v11, v28;
	[tilespmem:v63+s17+$0x0] =	vst.idx.msk $0xffff, v59  }
0x86: {  	v41 =	vor.u32 v34, v47;
	[tilespmem:v62+s17+$0x0] =	vst.idx.msk $0xffff, v53  }
0x87: {  	v56 =	vor.u32 v13, v48;
	[tilespmem:v40+s17+$0x0] =	vst.idx.msk $0xffff, v0  }
0x88: {  	v1 =	vor.u32 v17, v51;
	v2 =	vld [tilespmem:$0x1FEF0]  }
0x89: {  	v61 =	vld.idx.msk [tilespmem:v61+s18+$0x0], $0xffff;
	v58 =	vor.u32 v34, v42;
	v60 =	vor.u32 v16, v36  }
0x8a: {  	v53 =	vor.u32 v17, v50;
	v52 =	vld.idx.msk [tilespmem:v52+s18+$0x0], $0xffff;
	v62 =	vor.u32 v5, v45  }
0x8b: {  	v55 =	vor.u32 v17, v49;
	v41 =	vld.idx.msk [tilespmem:v41+s18+$0x0], $0xffff;
	v57 =	vor.u32 v6, v46  }
0x8c: {  	v56 =	vld.idx.msk [tilespmem:v56+s18+$0x0], $0xffff;
	v59 =	vor.u32 v34, v28;
	v63 =	vor.u32 v14, v32  }
0x8d: {  	v1 =	vld.idx.msk [tilespmem:v1+s18+$0x0], $0xffff;
	v40 =	vor.u32 v18, v37;
	v0 =	vor.u32 v2, v47  }
0x8e: {  	v58 =	vld.idx.msk [tilespmem:v58+s18+$0x0], $0xffff;
	[tilespmem:v60+s17+$0x0] =	vst.idx.msk $0xffff, v61;
	v61 =	vor.u32 v6, v44;
	v60 =	vor.u32 v2, v54  }
0x8f: {  	v34 =	vor.u32 v18, v38;
	[tilespmem:v62+s17+$0x0] =	vst.idx.msk $0xffff, v52;
	v52 =	vor.u32 v19, v51;
	v53 =	vld.idx.msk [tilespmem:v53+s18+$0x0], $0xffff  }
0x90: {  	[tilespmem:v57+s17+$0x0] =	vst.idx.msk $0xffff, v41;
	v41 =	vor.u32 v15, v48;
	v57 =	vor.u32 v18, v36;
	v55 =	vld.idx.msk [tilespmem:v55+s18+$0x0], $0xffff  }
0x91: {  	[tilespmem:v63+s17+$0x0] =	vst.idx.msk $0xffff, v56;
	v56 =	vor.u32 v19, v50;
	v63 =	vor.u32 v6, v45;
	v59 =	vld.idx.msk [tilespmem:v59+s18+$0x0], $0xffff  }
0x92: {  	[tilespmem:v40+s17+$0x0] =	vst.idx.msk $0xffff, v1;
	v1 =	vor.u32 v19, v49;
	v40 =	vor.u32 v30, v46;
	v0 =	vld.idx.msk [tilespmem:v0+s18+$0x0], $0xffff  }
0x93: {  	[tilespmem:v61+s17+$0x0] =	vst.idx.msk $0xffff, v58;
	v58 =	vor.u32 v2, v42;
	v61 =	vor.u32 v30, v43;
	v60 =	vld.idx.msk [tilespmem:v60+s18+$0x0], $0xffff  }
0x94: {  	v52 =	vld.idx.msk [tilespmem:v52+s18+$0x0], $0xffff;
	[tilespmem:v34+s17+$0x0] =	vst.idx.msk $0xffff, v53;
	v53 =	vor.u32 v12, v47;
	v34 =	vor.u32 v20, v37  }
0x95: {  	v16 =	vor.u32 v16, v32;
	v41 =	vld.idx.msk [tilespmem:v41+s18+$0x0], $0xffff;
	[tilespmem:v57+s17+$0x0] =	vst.idx.msk $0xffff, v55;
	v55 =	vor.u32 v2, v28  }
0x96: {  	[tilespmem:v63+s17+$0x0] =	vst.idx.msk $0xffff, v59;
	v59 =	vor.u32 v22, v51;
	v56 =	vld.idx.msk [tilespmem:v56+s18+$0x0], $0xffff;
	v63 =	vor.u32 v20, v38  }
0x97: {  	v1 =	vld.idx.msk [tilespmem:v1+s18+$0x0], $0xffff;
	[tilespmem:v40+s17+$0x0] =	vst.idx.msk $0xffff, v0;
	v0 =	vor.u32 v17, v48;
	v40 =	vor.u32 v20, v36  }
0x98: {  	v58 =	vld.idx.msk [tilespmem:v58+s18+$0x0], $0xffff;
	[tilespmem:v61+s17+$0x0] =	vst.idx.msk $0xffff, v60;
	v60 =	vor.u32 v22, v50;
	v61 =	vor.u32 v30, v44  }
0x99: {  	[tilespmem:v34+s17+$0x0] =	vst.idx.msk $0xffff, v52;
	v52 =	vor.u32 v22, v49;
	v34 =	vor.u32 v25, v46;
	v53 =	vld.idx.msk [tilespmem:v53+s18+$0x0], $0xffff  }
0x9a: {  	[tilespmem:v16+s17+$0x0] =	vst.idx.msk $0xffff, v41;
	v41 =	vor.u32 v12, v42;
	v16 =	vor.u32 v30, v45;
	v55 =	vld.idx.msk [tilespmem:v55+s18+$0x0], $0xffff  }
0x9b: {  	v59 =	vld.idx.msk [tilespmem:v59+s18+$0x0], $0xffff;
	[tilespmem:v63+s17+$0x0] =	vst.idx.msk $0xffff, v56;
	v56 =	vor.u32 v27, v47;
	v17 =	vor.u32 v23, v37  }
0x9c: {  	v0 =	vld.idx.msk [tilespmem:v0+s18+$0x0], $0xffff;
	[tilespmem:v40+s17+$0x0] =	vst.idx.msk $0xffff, v1;
	v1 =	vor.u32 v12, v54;
	v40 =	vor.u32 v18, v32  }
0x9d: {  	[tilespmem:v61+s17+$0x0] =	vst.idx.msk $0xffff, v58;
	v58 =	vor.u32 v24, v51;
	v60 =	vld.idx.msk [tilespmem:v60+s18+$0x0], $0xffff;
	v61 =	vor.u32 v23, v38  }
0x9e: {  	v52 =	vld.idx.msk [tilespmem:v52+s18+$0x0], $0xffff;
	[tilespmem:v34+s17+$0x0] =	vst.idx.msk $0xffff, v53;
	v34 =	vor.u32 v23, v36  }
0x9f: {  	[tilespmem:v16+s17+$0x0] =	vst.idx.msk $0xffff, v55;
	v16 =	vor.u32 v25, v44;
	v53 =	vor.u32 v19, v48;
	v41 =	vld.idx.msk [tilespmem:v41+s18+$0x0], $0xffff  }
0xa0: {  	v55 =	vor.u32 v24, v50;
	[tilespmem:v17+s17+$0x0] =	vst.idx.msk $0xffff, v59;
	v18 =	vor.u32 v31, v46;
	v56 =	vld.idx.msk [tilespmem:v56+s18+$0x0], $0xffff  }
0xa1: {  	v17 =	vor.u32 v24, v49;
	v19 =	vor.u32 v25, v43;
	[tilespmem:v40+s17+$0x0] =	vst.idx.msk $0xffff, v0;
	v1 =	vld.idx.msk [tilespmem:v1+s18+$0x0], $0xffff  }
0xa2: {  	v0 =	vor.u32 v27, v42;
	[tilespmem:v61+s17+$0x0] =	vst.idx.msk $0xffff, v60;
	v58 =	vld.idx.msk [tilespmem:v58+s18+$0x0], $0xffff;
	v60 =	vor.u32 v4, v37  }
0xa3: {  	v5 =	vld [tilespmem:$0x1FEC0];
	[tilespmem:v34+s17+$0x0] =	vst.idx.msk $0xffff, v52  }
0xa4: {  	v53 =	vld.idx.msk [tilespmem:v53+s18+$0x0], $0xffff;
	v52 =	vor.u32 v27, v54;
	v34 =	vor.u32 v20, v32;
	[tilespmem:v16+s17+$0x0] =	vst.idx.msk $0xffff, v41  }
0xa5: {  	v41 =	vor.u32 v10, v51;
	v62 =	vld.idx.msk [tilespmem:v55+s18+$0x0], $0xffff;
	v16 =	vor.u32 v4, v38;
	[tilespmem:v18+s17+$0x0] =	vst.idx.msk $0xffff, v56  }
0xa6: {  	v50 =	vor.u32 v10, v50;
	v17 =	vld.idx.msk [tilespmem:v17+s18+$0x0], $0xffff;
	[tilespmem:v19+s17+$0x0] =	vst.idx.msk $0xffff, v1  }
0xa7: {  	v1 =	vor.u32 v22, v48;
	v0 =	vld.idx.msk [tilespmem:v0+s18+$0x0], $0xffff;
	v19 =	vor.u32 v31, v44;
	[tilespmem:v60+s17+$0x0] =	vst.idx.msk $0xffff, v58  }
0xa8: {  	v57 =	vor.u32 v27, v28;
	v63 =	vor.u32 v7, v21;
	v47 =	vor.u32 v5, v47;
	v2 =	vld [tilespmem:$0x1FEB0]  }
0xa9: {  	v18 =	vor.u32 v4, v36;
	v56 =	vor.u32 v12, v28;
	[tilespmem:v34+s17+$0x0] =	vst.idx.msk $0xffff, v53;
	v52 =	vld.idx.msk [tilespmem:v52+s18+$0x0], $0xffff  }
0xaa: {  	v49 =	vor.u32 v10, v49;
	v34 =	vor.u32 v31, v43;
	[tilespmem:v16+s17+$0x0] =	vst.idx.msk $0xffff, v62;
	v41 =	vld.idx.msk [tilespmem:v41+s18+$0x0], $0xffff  }
0xab: {  	v40 =	vor.u32 v8, v38;
	v55 =	vor.u32 v3, v37;
	v58 =	vor.u32 v5, v54;
	v50 =	vld.idx.msk [tilespmem:v50+s18+$0x0], $0xffff  }
0xac: {  	v16 =	vor.u32 v7, v35;
	v1 =	vld.idx.msk [tilespmem:v1+s18+$0x0], $0xffff;
	[tilespmem:v19+s17+$0x0] =	vst.idx.msk $0xffff, v0;
	v0 =	vor.u32 v23, v32  }
0xad: {  	v61 =	vor.u32 v8, v37;
	v51 =	vor.u32 v5, v42;
	v47 =	vld.idx.msk [tilespmem:v47+s18+$0x0], $0xffff;
	v46 =	vor.u32 v2, v46  }
0xae: {  	[tilespmem:v18+s17+$0x0] =	vst.idx.msk $0xffff, v17;
	v18 =	vor.u32 v3, v38;
	v54 =	vld.idx.msk [tilespmem:v56+s18+$0x0], $0xffff;
	v19 =	vor.u32 v24, v48  }
0xaf: {  	v17 =	vld.idx.msk [tilespmem:v49+s18+$0x0], $0xffff;
	[tilespmem:v34+s17+$0x0] =	vst.idx.msk $0xffff, v52;
	v34 =	vor.u32 v3, v36;
	v3 =	vor.u32 v7, v39  }
0xb0: {  	v60 =	vor.u32 v9, v35;
	v42 =	vor.u32 v10, v48;
	[tilespmem:v55+s17+$0x0] =	vst.idx.msk $0xffff, v41;
	v53 =	vld.idx.msk [tilespmem:v58+s18+$0x0], $0xffff  }
0xb1: {  	v56 =	vor.u32 v31, v45;
	v49 =	vor.u32 v25, v45;
	v59 =	vld.idx.msk [tilespmem:v16+s18+$0x0], $0xffff;
	[tilespmem:v0+s17+$0x0] =	vst.idx.msk $0xffff, v1  }
0xb2: {  	p2 =	seq.s32 s19, $0x0;
	s21 =	sadd.s32 $0xFFFFFFFF, s19;
	v48 =	vor.u32 v2, v44;
	v55 =	vor.u32 v5, v28;
	[tilespmem:v46+s17+$0x0] =	vst.idx.msk $0xffff, v47;
	v46 =	vld.idx.msk [tilespmem:v51+s18+$0x0], $0xffff  }
0xb3: {  	s21 =	simm.s32 @p2 $0x31F;
	v44 =	vor.u32 v2, v43;
	v58 =	vor.u32 v11, v35;
	[tilespmem:v18+s17+$0x0] =	vst.idx.msk $0xffff, v50;
	v0 =	vld.idx.msk [tilespmem:v19+s18+$0x0], $0xffff  }
0xb4: {  	s20 =	sadd.s32 s5, s19;
	s22 =	simm.s32 $0x8;
	s19 =	sadd.s32 s5, s21;
	v12 =	vlaneseq.u32;
	v1 =	vor.u32 v4, v32;
	v47 =	vor.u32 v2, v45;
	[tilespmem:v34+s17+$0x0] =	vst.idx.msk $0xffff, v17;
	v62 =	vld.idx.msk [tilespmem:v3+s18+$0x0], $0xffff  }
.LBB2_3:
0xb5: {  	v4 =	vld [tilespmem:$0x1FF60]  }
0xb6: {  	v14 =	vld [tilespmem:$0x1FF10]  }
0xb7: {  	s25 =	smov.u32 s22;
	v13 =	vld [tilespmem:$0x1FED0]  }
0xb8: {  	v2 =	vor.u32 v8, v36;
	v3 =	vor.u32 v9, v39;
	v16 =	vld [tilespmem:$0x1FF70];
	s31 =	sadd.s32 $0x2, s25;
	[tilespmem:v49+s17+$0x0] =	vst.idx.msk $0xffff, v54  }
0xb9: {  	v52 =	vmovc v21;
	v21 =	vadd.s32 s22, v12;
	v51 =	vmov v39;
	v39 =	vadd.s32 s31, v12;
	[tilespmem:v48+s17+$0x0] =	vst.idx.msk $0xffff, v46;
	v57 =	vld.idx.msk [tilespmem:v57+s18+$0x0], $0xffff  }
0xba: {  	s23 =	sadd.s32 $0x1, s22;
	v41 =	vmovc v33;
	v43 =	vmov v32;
	v30 =	vmov v9;
	[tilespmem:v44+s17+$0x0] =	vst.idx.msk $0xffff, v53;
	v53 =	vand.u32 $0xF, v39;
	v63 =	vld.idx.msk [tilespmem:v63+s18+$0x0], $0xffff  }
0xbb: {  	s24 =	sadd.s32 $0x3, s22;
	v15 =	vld [tilespmem:$0x1FF20];
	v50 =	vand.u32 $0xF, v21;
	v46 =	vmovc v35;
	v35 =	vadd.s32 s23, v12;
	[tilespmem:v1+s17+$0x0] =	vst.idx.msk $0xffff, v0;
	v34 =	vor.u32 v4, v53  }
0xbc: {  	v26 =	vadd.s32 s24, v12;
	[tilespmem:v40+s17+$0x0] =	vst.idx.msk $0xffff, v62;
	v54 =	vand.u32 $0xF, v35;
	v1 =	vld.idx.msk [tilespmem:v42+s18+$0x0], $0xffff;
	v62 =	vor.u32 v14, v43  }
0xbd: {  	v6 =	vor.u32 v7, v41;
	[tilespmem:v61+s17+$0x0] =	vst.idx.msk $0xffff, v59;
	v3 =	vld.idx.msk [tilespmem:v3+s18+$0x0], $0xffff;
	v17 =	vor.u32 v4, v54  }
0xbe: {  	v49 =	vmov v38;
	v48 =	vand.u32 $0xF, v26;
	v33 =	vor.u32 v4, v50;
	v60 =	vld.idx.msk [tilespmem:v60+s18+$0x0], $0xffff;
	[tilespmem:v56+s17+$0x0] =	vst.idx.msk $0xffff, v57  }
0xbf: {  	v0 =	vor.u32 v4, v48;
	v4 =	vor.u32 v13, v49;
	[tilespmem:v2+s17+$0x0] =	vst.idx.msk $0xffff, v63;
	v2 =	vld.idx.msk [tilespmem:v55+s18+$0x0], $0xffff  }
0xc0: {  	v5 =	vor.u32 v11, v51;
	v9 =	vor.u32 v9, v52;
	v44 =	vmovc v37;
	v38 =	vshll.u32 v53, $0x7;
	v61 =	vld.idx.msk [tilespmem:v34+s18+$0x0], $0xffff  }
0xc1: {  	v29 =	vmov v8;
	v40 =	vor.u32 v8, v38;
	v8 =	vor.u32 v13, v44;
	[tilespmem:v62+s17+$0x0] =	vst.idx.msk $0xffff, v1;
	v62 =	vld [tilespmem:$0x1FEE0]  }
0xc2: {  	v28 =	vmov v7;
	v37 =	vshll.u32 v54, $0x7;
	v63 =	vor.u32 v12, v38;
	v7 =	vld.idx.msk [tilespmem:v17+s18+$0x0], $0xffff  }
0xc3: {  	v17 =	vor.u32 v12, v37;
	v59 =	vld.idx.msk [tilespmem:v33+s18+$0x0], $0xffff  }
0xc4: {  	v10 =	vor.u32 v16, v53;
	[tilespmem:v4+s17+$0x0] =	vst.idx.msk $0xffff, v3;
	v3 =	vld.idx.msk [tilespmem:v6+s18+$0x0], $0xffff  }
0xc5: {  	v18 =	vor.u32 v16, v54;
	v9 =	vld.idx.msk [tilespmem:v9+s18+$0x0], $0xffff  }
0xc6: {  	v45 =	vmov v36;
	v36 =	vshll.u32 v50, $0x7;
	[tilespmem:v8+s17+$0x0] =	vst.idx.msk $0xffff, v60;
	v4 =	vld.idx.msk [tilespmem:v5+s18+$0x0], $0xffff  }
0xc7: {  	v1 =	vor.u32 v12, v36;
	[tilespmem:v63+s17+$0x0] =	vst.idx.msk $0xffff, v61;
	v63 =	vld [tilespmem:$0x1FF30]  }
0xc8: {  	v56 =	vor.u32 v16, v50;
	v5 =	vor.u32 v29, v43;
	[tilespmem:v17+s17+$0x0] =	vst.idx.msk $0xffff, v7;
	v17 =	vld [tilespmem:$0x1FF80]  }
0xc9: {  	v19 =	vor.u32 v13, v45;
	v10 =	vld.idx.msk [tilespmem:v10+s18+$0x0], $0xffff  }
0xca: {  	v34 =	vmov v11;
	v57 =	vld.idx.msk [tilespmem:v18+s18+$0x0], $0xffff  }
0xcb: {  	[tilespmem:v47+s17+$0x0] =	vst.idx.msk $0xffff, v2;
	v61 =	vor.u32 v34, v52;
	v7 =	vor.u32 v15, v49;
	v18 =	vld [tilespmem:$0x1FF90]  }
0xcc: {  	v8 =	vor.u32 v30, v41;
	[tilespmem:v1+s17+$0x0] =	vst.idx.msk $0xffff, v59;
	v6 =	vld.idx.msk [tilespmem:v58+s18+$0x0], $0xffff;
	v58 =	vor.u32 v15, v44  }
0xcd: {  	v56 =	vld.idx.msk [tilespmem:v56+s18+$0x0], $0xffff;
	[tilespmem:v5+s17+$0x0] =	vst.idx.msk $0xffff, v3;
	v2 =	vor.u32 v17, v37  }
0xce: {  	[tilespmem:v19+s17+$0x0] =	vst.idx.msk $0xffff, v9;
	v19 =	vld [tilespmem:$0x1FFA0];
	v60 =	vor.u32 v17, v38  }
0xcf: {  	v47 =	vor.u32 v62, v46;
	v0 =	vld.idx.msk [tilespmem:v0+s18+$0x0], $0xffff  }
0xd0: {  	v59 =	vld.idx.msk [tilespmem:v61+s18+$0x0], $0xffff;
	[tilespmem:v7+s17+$0x0] =	vst.idx.msk $0xffff, v4;
	v1 =	vor.u32 v18, v54  }
0xd1: {  	v3 =	vor.u32 v17, v36;
	v4 =	vld.idx.msk [tilespmem:v8+s18+$0x0], $0xffff;
	v5 =	vor.u32 v18, v53;
	[tilespmem:v58+s17+$0x0] =	vst.idx.msk $0xffff, v6  }
0xd2: {  	v32 =	vshll.u32 v48, $0x7;
	v7 =	vor.u32 v18, v50;
	v6 =	vor.u32 v13, v43;
	v13 =	vld [tilespmem:$0x1FEF0];
	[tilespmem:v2+s17+$0x0] =	vst.idx.msk $0xffff, v57  }
0xd3: {  	v11 =	vor.u32 v12, v32;
	[tilespmem:v60+s17+$0x0] =	vst.idx.msk $0xffff, v10;
	v10 =	vor.u32 v16, v48;
	v16 =	vld [tilespmem:$0x1FFB0]  }
0xd4: {  	v8 =	vor.u32 v34, v41;
	v2 =	vld.idx.msk [tilespmem:v47+s18+$0x0], $0xffff  }
0xd5: {  	v9 =	vor.u32 v63, v44;
	v57 =	vor.u32 v62, v51;
	v1 =	vld.idx.msk [tilespmem:v1+s18+$0x0], $0xffff  }
0xd6: {  	[tilespmem:v3+s17+$0x0] =	vst.idx.msk $0xffff, v56;
	v56 =	vor.u32 v15, v45;
	v5 =	vld.idx.msk [tilespmem:v5+s18+$0x0], $0xffff  }
0xd7: {  	v61 =	vor.u32 v62, v52;
	v60 =	vor.u32 v19, v38;
	v7 =	vld.idx.msk [tilespmem:v7+s18+$0x0], $0xffff;
	[tilespmem:v6+s17+$0x0] =	vst.idx.msk $0xffff, v4  }
0xd8: {  	[tilespmem:v11+s17+$0x0] =	vst.idx.msk $0xffff, v0;
	v11 =	vor.u32 v62, v41;
	v62 =	vld [tilespmem:$0x1FFD0]  }
0xd9: {  	v58 =	vor.u32 v19, v37;
	v0 =	vld.idx.msk [tilespmem:v8+s18+$0x0], $0xffff  }
0xda: {  	[tilespmem:v9+s17+$0x0] =	vst.idx.msk $0xffff, v2;
	v2 =	vld.idx.msk [tilespmem:v57+s18+$0x0], $0xffff  }
0xdb: {  	v3 =	vor.u32 v16, v54;
	[tilespmem:v56+s17+$0x0] =	vst.idx.msk $0xffff, v59;
	v57 =	vor.u32 v17, v32;
	v17 =	vld [tilespmem:$0x1FFC0]  }
0xdc: {  	v4 =	vor.u32 v19, v36;
	v6 =	vor.u32 v16, v53;
	[tilespmem:v60+s17+$0x0] =	vst.idx.msk $0xffff, v5;
	v5 =	vld.idx.msk [tilespmem:v61+s18+$0x0], $0xffff  }
0xdd: {  	v8 =	vor.u32 v16, v50;
	v9 =	vor.u32 v15, v43;
	v15 =	vld [tilespmem:$0x1FF40]  }
0xde: {  	[tilespmem:v58+s17+$0x0] =	vst.idx.msk $0xffff, v1;
	v1 =	vld.idx.msk [tilespmem:v10+s18+$0x0], $0xffff;
	v10 =	vor.u32 v63, v49  }
0xdf: {  	v56 =	vor.u32 v13, v51;
	v61 =	vor.u32 v18, v48;
	v18 =	vld [tilespmem:$0x1FFF0]  }
0xe0: {  	v47 =	vor.u32 v13, v41;
	v3 =	vld.idx.msk [tilespmem:v3+s18+$0x0], $0xffff;
	v58 =	vor.u32 v17, v37  }
0xe1: {  	v59 =	vor.u32 v13, v46;
	[tilespmem:v4+s17+$0x0] =	vst.idx.msk $0xffff, v7;
	v6 =	vld.idx.msk [tilespmem:v6+s18+$0x0], $0xffff;
	v60 =	vor.u32 v17, v38  }
0xe2: {  	v7 =	vor.u32 v63, v45;
	v4 =	vor.u32 v62, v54;
	v8 =	vld.idx.msk [tilespmem:v8+s18+$0x0], $0xffff;
	[tilespmem:v9+s17+$0x0] =	vst.idx.msk $0xffff, v0  }
0xe3: {  	v0 =	vor.u32 v17, v36;
	v9 =	vor.u32 v62, v53;
	[tilespmem:v10+s17+$0x0] =	vst.idx.msk $0xffff, v2;
	v2 =	vld.idx.msk [tilespmem:v11+s18+$0x0], $0xffff  }
0xe4: {  	v10 =	vor.u32 v62, v50;
	[tilespmem:v57+s17+$0x0] =	vst.idx.msk $0xffff, v1;
	v11 =	vor.u32 v63, v43;
	v1 =	vld.idx.msk [tilespmem:v56+s18+$0x0], $0xffff  }
0xe5: {  	v57 =	vor.u32 v15, v49;
	[tilespmem:v58+s17+$0x0] =	vst.idx.msk $0xffff, v3;
	v3 =	vor.u32 v13, v52;
	v13 =	vld [tilespmem:$0x1FF00]  }
0xe6: {  	[tilespmem:v60+s17+$0x0] =	vst.idx.msk $0xffff, v6;
	v6 =	vld.idx.msk [tilespmem:v61+s18+$0x0], $0xffff  }
0xe7: {  	[tilespmem:v7+s17+$0x0] =	vst.idx.msk $0xffff, v5;
	v5 =	vor.u32 v15, v44;
	v56 =	vld.idx.msk [tilespmem:v59+s18+$0x0], $0xffff  }
0xe8: {  	[tilespmem:v0+s17+$0x0] =	vst.idx.msk $0xffff, v8;
	v8 =	vld.idx.msk [tilespmem:v9+s18+$0x0], $0xffff;
	v9 =	vor.u32 v19, v32  }
0xe9: {  	v10 =	vld.idx.msk [tilespmem:v10+s18+$0x0], $0xffff;
	[tilespmem:v11+s17+$0x0] =	vst.idx.msk $0xffff, v2;
	v2 =	vor.u32 v18, v36  }
0xea: {  	v58 =	vor.u32 v18, v37;
	v4 =	vld.idx.msk [tilespmem:v4+s18+$0x0], $0xffff;
	[tilespmem:v57+s17+$0x0] =	vst.idx.msk $0xffff, v1;
	v1 =	vor.u32 v22, v50  }
0xeb: {  	v20 =	vld [tilespmem:$0x1FFE0];
	v0 =	vor.u32 v22, v54  }
0xec: {  	v33 =	vld [tilespmem:$0x1FEC0];
	v19 =	vor.u32 v18, v38;
	v7 =	vor.u32 v13, v51;
	[tilespmem:v5+s17+$0x0] =	vst.idx.msk $0xffff, v56  }
0xed: {  	v16 =	vor.u32 v16, v48;
	v47 =	vld.idx.msk [tilespmem:v47+s18+$0x0], $0xffff;
	[tilespmem:v9+s17+$0x0] =	vst.idx.msk $0xffff, v6  }
0xee: {  	v11 =	vor.u32 v22, v53;
	v57 =	vor.u32 v15, v45;
	v3 =	vld.idx.msk [tilespmem:v3+s18+$0x0], $0xffff;
	[tilespmem:v2+s17+$0x0] =	vst.idx.msk $0xffff, v10  }
0xef: {  	v9 =	vor.u32 v15, v43;
	[tilespmem:v58+s17+$0x0] =	vst.idx.msk $0xffff, v4;
	v1 =	vld.idx.msk [tilespmem:v1+s18+$0x0], $0xffff  }
0xf0: {  	v56 =	vor.u32 v23, v37;
	v4 =	vor.u32 v13, v52;
	v0 =	vld.idx.msk [tilespmem:v0+s18+$0x0], $0xffff  }
0xf1: {  	v5 =	vld.idx.msk [tilespmem:v7+s18+$0x0], $0xffff;
	v7 =	vor.u32 v25, v49;
	[tilespmem:v19+s17+$0x0] =	vst.idx.msk $0xffff, v8;
	v19 =	vor.u32 v13, v46  }
0xf2: {  	v42 =	vor.u32 v20, v48;
	v55 =	vor.u32 v33, v52;
	v6 =	vor.u32 v27, v51;
	v8 =	vld.idx.msk [tilespmem:v16+s18+$0x0], $0xffff  }
0xf3: {  	v59 =	vor.u32 v13, v41;
	[tilespmem:v57+s17+$0x0] =	vst.idx.msk $0xffff, v3;
	v10 =	vld.idx.msk [tilespmem:v11+s18+$0x0], $0xffff;
	v11 =	vor.u32 v17, v32  }
0xf4: {  	v2 =	vor.u32 v24, v54;
	v3 =	vor.u32 v23, v36;
	v13 =	vld [tilespmem:$0x1FF50];
	[tilespmem:v9+s17+$0x0] =	vst.idx.msk $0xffff, v47  }
0xf5: {  	v60 =	vor.u32 v23, v38;
	v16 =	vor.u32 v62, v48;
	v4 =	vld.idx.msk [tilespmem:v4+s18+$0x0], $0xffff;
	[tilespmem:v56+s17+$0x0] =	vst.idx.msk $0xffff, v0  }
0xf6: {  	[tilespmem:v7+s17+$0x0] =	vst.idx.msk $0xffff, v5;
	v5 =	vor.u32 v24, v50;
	v7 =	vor.u32 v25, v45;
	v9 =	vld.idx.msk [tilespmem:v19+s18+$0x0], $0xffff  }
0xf7: {  	v63 =	vor.u32 v27, v46;
	v17 =	vor.u32 v24, v53;
	v19 =	vor.u32 v31, v49;
	v6 =	vld.idx.msk [tilespmem:v6+s18+$0x0], $0xffff  }
0xf8: {  	v61 =	vld [tilespmem:$0x1FEB0];
	v0 =	vor.u32 v27, v52;
	[tilespmem:v11+s17+$0x0] =	vst.idx.msk $0xffff, v8;
	v8 =	vor.u32 v25, v44  }
0xf9: {  	v2 =	vld.idx.msk [tilespmem:v2+s18+$0x0], $0xffff;
	v62 =	vor.u32 v13, v37;
	[tilespmem:v3+s17+$0x0] =	vst.idx.msk $0xffff, v1;
	v11 =	vor.u32 v33, v51  }
0xfa: {  	v58 =	vor.u32 v33, v46;
	[tilespmem:v60+s17+$0x0] =	vst.idx.msk $0xffff, v10;
	v10 =	vld.idx.msk [tilespmem:v16+s18+$0x0], $0xffff;
	v16 =	vor.u32 v18, v32  }
0xfb: {  	v57 =	vor.u32 v27, v41;
	v1 =	vor.u32 v20, v54;
	v5 =	vld.idx.msk [tilespmem:v5+s18+$0x0], $0xffff;
	[tilespmem:v7+s17+$0x0] =	vst.idx.msk $0xffff, v4  }
0xfc: {  	v3 =	vld.idx.msk [tilespmem:v17+s18+$0x0], $0xffff;
	v17 =	vor.u32 v13, v38;
	v18 =	vor.u32 v22, v48;
	[tilespmem:v19+s17+$0x0] =	vst.idx.msk $0xffff, v6  }
0xfd: {  	v4 =	vor.u32 v13, v36;
	v7 =	vor.u32 v20, v53;
	v0 =	vld.idx.msk [tilespmem:v0+s18+$0x0], $0xffff;
	[tilespmem:v8+s17+$0x0] =	vst.idx.msk $0xffff, v9  }
0xfe: {  	v6 =	vor.u32 v20, v50;
	v19 =	vor.u32 v31, v45;
	v8 =	vld.idx.msk [tilespmem:v11+s18+$0x0], $0xffff;
	[tilespmem:v62+s17+$0x0] =	vst.idx.msk $0xffff, v2  }
0xff: {  	v47 =	vor.u32 v61, v43;
	[tilespmem:v16+s17+$0x0] =	vst.idx.msk $0xffff, v10;
	v10 =	vor.u32 v31, v44;
	v2 =	vld.idx.msk [tilespmem:v63+s18+$0x0], $0xffff  }
0x100: {  	v56 =	vor.u32 v31, v43;
	v60 =	vor.u32 v30, v35;
	v11 =	vor.u32 v14, v37;
	v1 =	vld.idx.msk [tilespmem:v1+s18+$0x0], $0xffff  }
0x101: {  	v9 =	vor.u32 v61, v49;
	v49 =	vor.u32 v25, v43;
	[tilespmem:v17+s17+$0x0] =	vst.idx.msk $0xffff, v3;
	v3 =	vld.idx.msk [tilespmem:v18+s18+$0x0], $0xffff  }
0x102: {  	[tilespmem:v4+s17+$0x0] =	vst.idx.msk $0xffff, v5;
	v4 =	vor.u32 v28, v35;
	v5 =	vld.idx.msk [tilespmem:v7+s18+$0x0], $0xffff;
	v7 =	vor.u32 v23, v32  }
0x103: {  	v16 =	vor.u32 v14, v38;
	v17 =	vor.u32 v24, v48;
	v6 =	vld.idx.msk [tilespmem:v6+s18+$0x0], $0xffff;
	[tilespmem:v19+s17+$0x0] =	vst.idx.msk $0xffff, v0  }
0x104: {  	p2 =	slt.u32 s22, $0xC;
	v18 =	vor.u32 v14, v36;
	v54 =	vld.idx.msk [tilespmem:v59+s18+$0x0], $0xffff;
	v19 =	vor.u32 v28, v39;
	[tilespmem:v10+s17+$0x0] =	vst.idx.msk $0xffff, v2  }
.Ltmp0:
0x105: {  	v48 =	vor.u32 v61, v45;
	v44 =	vor.u32 v61, v44;
	v46 =	vld.idx.msk [tilespmem:v55+s18+$0x0], $0xffff;
	[tilespmem:v11+s17+$0x0] =	vst.idx.msk $0xffff, v1;
	(pc) =	sbr.rel @p2 .LBB2_3-.Ltmp0, $4  }
0x106: {  	v61 =	vor.u32 v29, v37;
	v63 =	vor.u32 v28, v21;
	[tilespmem:v9+s17+$0x0] =	vst.idx.msk $0xffff, v8;
	v53 =	vld.idx.msk [tilespmem:v58+s18+$0x0], $0xffff  }
0x107: {  	v9 =	vmov v30;
	v55 =	vor.u32 v33, v41;
	v59 =	vld.idx.msk [tilespmem:v4+s18+$0x0], $0xffff;
	[tilespmem:v7+s17+$0x0] =	vst.idx.msk $0xffff, v3  }
0x108: {  	s21 =	sadd.s32 $0x4, s22;
	v8 =	vmov v29;
	v33 =	vmov v26;
	v1 =	vor.u32 v13, v32;
	[tilespmem:v16+s17+$0x0] =	vst.idx.msk $0xffff, v5;
	v0 =	vld.idx.msk [tilespmem:v17+s18+$0x0], $0xffff  }
0x109: {  	s22 =	smov.u32 s21;
	v11 =	vmov v34;
	v58 =	vor.u32 v34, v35;
	v7 =	vmov v28;
	[tilespmem:v18+s17+$0x0] =	vst.idx.msk $0xffff, v6;
	v62 =	vld.idx.msk [tilespmem:v19+s18+$0x0], $0xffff  }
0x10a: {  	_ =	sdelay $0x3  }
0x10b: {  	[tilespmem:v1+s17+$0x0] =	vst.idx.msk $0xffff, v0  }
0x10c: {  	v50 =	vld [tilespmem:$0x1FF10];
	_ =	sdelay $0x4  }
0x10d: {  	v0 =	vld.idx.msk [tilespmem:v42+s18+$0x0], $0xffff;
	v1 =	vor.u32 v50, v32;
	_ =	sdelay $0x3  }
0x10e: {  	[tilespmem:v40+s17+$0x0] =	vst.idx.msk $0xffff, v62  }
0x10f: {  	v2 =	vor.u32 v7, v33;
	[tilespmem:v1+s17+$0x0] =	vst.idx.msk $0xffff, v0  }
0x110: {  	v4 =	vor.u32 v9, v39;
	v12 =	vld [tilespmem:$0x1FED0];
	_ =	sdelay $0x1  }
0x111: {  	v3 =	vor.u32 v8, v36;
	v5 =	vld.idx.msk [tilespmem:v63+s18+$0x0], $0xffff;
	_ =	sdelay $0x1  }
0x112: {  	v6 =	vor.u32 v9, v21;
	v1 =	vor.u32 v8, v32;
	v0 =	vld.idx.msk [tilespmem:v2+s18+$0x0], $0xffff  }
0x113: {  	v4 =	vld.idx.msk [tilespmem:v4+s18+$0x0], $0xffff;
	v7 =	vor.u32 v12, v38;
	_ =	sdelay $0x1  }
0x114: {  	[tilespmem:v3+s17+$0x0] =	vst.idx.msk $0xffff, v5  }
0x115: {  	[tilespmem:v61+s17+$0x0] =	vst.idx.msk $0xffff, v59  }
0x116: {  	v2 =	vor.u32 v9, v33;
	v5 =	vld.idx.msk [tilespmem:v6+s18+$0x0], $0xffff;
	v6 =	vor.u32 v12, v36;
	[tilespmem:v1+s17+$0x0] =	vst.idx.msk $0xffff, v0  }
0x117: {  	v3 =	vor.u32 v11, v39;
	v8 =	vld.idx.msk [tilespmem:v60+s18+$0x0], $0xffff;
	v9 =	vor.u32 v12, v37;
	[tilespmem:v7+s17+$0x0] =	vst.idx.msk $0xffff, v4  }
0x118: {  	v51 =	vld [tilespmem:$0x1FF20];
	_ =	sdelay $0x2  }
0x119: {  	v0 =	vld.idx.msk [tilespmem:v2+s18+$0x0], $0xffff;
	[tilespmem:v6+s17+$0x0] =	vst.idx.msk $0xffff, v5  }
0x11a: {  	v10 =	vor.u32 v11, v21;
	v1 =	vor.u32 v12, v32;
	v3 =	vld.idx.msk [tilespmem:v3+s18+$0x0], $0xffff;
	[tilespmem:v9+s17+$0x0] =	vst.idx.msk $0xffff, v8  }
0x11b: {  	v42 =	vld [tilespmem:$0x1FEE0];
	v4 =	vor.u32 v51, v38;
	_ =	sdelay $0x3  }
0x11c: {  	v2 =	vor.u32 v11, v33;
	v6 =	vld.idx.msk [tilespmem:v10+s18+$0x0], $0xffff;
	[tilespmem:v1+s17+$0x0] =	vst.idx.msk $0xffff, v0;
	v7 =	vor.u32 v51, v36  }
0x11d: {  	v8 =	vld.idx.msk [tilespmem:v58+s18+$0x0], $0xffff;
	v9 =	vor.u32 v51, v37;
	v5 =	vor.u32 v42, v39;
	[tilespmem:v4+s17+$0x0] =	vst.idx.msk $0xffff, v3  }
0x11e: {  	v52 =	vld [tilespmem:$0x1FF30]  }
0x11f: {  	v10 =	vor.u32 v42, v21  }
0x120: {  	v0 =	vor.u32 v42, v35  }
0x121: {  	v1 =	vld.idx.msk [tilespmem:v2+s18+$0x0], $0xffff;
	[tilespmem:v7+s17+$0x0] =	vst.idx.msk $0xffff, v6  }
0x122: {  	v2 =	vor.u32 v51, v32;
	v3 =	vld.idx.msk [tilespmem:v5+s18+$0x0], $0xffff;
	[tilespmem:v9+s17+$0x0] =	vst.idx.msk $0xffff, v8  }
0x123: {  	v43 =	vld [tilespmem:$0x1FEF0];
	v4 =	vor.u32 v52, v38  }
0x124: {  	v6 =	vld.idx.msk [tilespmem:v10+s18+$0x0], $0xffff;
	v7 =	vor.u32 v52, v36  }
0x125: {  	v0 =	vld.idx.msk [tilespmem:v0+s18+$0x0], $0xffff;
	v8 =	vor.u32 v52, v37;
	_ =	sdelay $0x1  }
0x126: {  	v11 =	vor.u32 v42, v33;
	[tilespmem:v2+s17+$0x0] =	vst.idx.msk $0xffff, v1  }
0x127: {  	[tilespmem:v4+s17+$0x0] =	vst.idx.msk $0xffff, v3  }
0x128: {  	v60 =	vld [tilespmem:$0x1FF40];
	[tilespmem:v7+s17+$0x0] =	vst.idx.msk $0xffff, v6  }
0x129: {  	v5 =	vor.u32 v43, v39;
	[tilespmem:v8+s17+$0x0] =	vst.idx.msk $0xffff, v0  }
0x12a: {  	v1 =	vor.u32 v43, v21;
	v45 =	vld [tilespmem:$0x1FF00]  }
0x12b: {  	v9 =	vld.idx.msk [tilespmem:v11+s18+$0x0], $0xffff;
	v10 =	vor.u32 v52, v32;
	v2 =	vor.u32 v43, v35  }
0x12c: {  	v11 =	vor.u32 v43, v33;
	_ =	sdelay $0x1  }
0x12d: {  	v3 =	vld.idx.msk [tilespmem:v5+s18+$0x0], $0xffff;
	v4 =	vor.u32 v60, v38  }
0x12e: {  	v1 =	vld.idx.msk [tilespmem:v1+s18+$0x0], $0xffff;
	v5 =	vor.u32 v60, v36;
	v0 =	vor.u32 v45, v39  }
0x12f: {  	v2 =	vld.idx.msk [tilespmem:v2+s18+$0x0], $0xffff;
	[tilespmem:v10+s17+$0x0] =	vst.idx.msk $0xffff, v9;
	v6 =	vor.u32 v60, v37;
	v7 =	vor.u32 v45, v21  }
0x130: {  	v8 =	vld.idx.msk [tilespmem:v11+s18+$0x0], $0xffff;
	v9 =	vor.u32 v60, v32;
	v10 =	vor.u32 v45, v35  }
0x131: {  	v11 =	vor.u32 v45, v33  }
0x132: {  	[tilespmem:v4+s17+$0x0] =	vst.idx.msk $0xffff, v3  }
0x133: {  	v3 =	vor.u32 v25, v38;
	[tilespmem:v5+s17+$0x0] =	vst.idx.msk $0xffff, v1;
	v0 =	vld.idx.msk [tilespmem:v0+s18+$0x0], $0xffff  }
0x134: {  	[tilespmem:v6+s17+$0x0] =	vst.idx.msk $0xffff, v2;
	v1 =	vor.u32 v27, v39;
	v4 =	vor.u32 v25, v36;
	v2 =	vld.idx.msk [tilespmem:v7+s18+$0x0], $0xffff  }
0x135: {  	[tilespmem:v9+s17+$0x0] =	vst.idx.msk $0xffff, v8;
	v6 =	vld.idx.msk [tilespmem:v10+s18+$0x0], $0xffff;
	v7 =	vor.u32 v25, v37  }
0x136: {  	v9 =	vor.u32 v25, v32;
	v10 =	vld.idx.msk [tilespmem:v11+s18+$0x0], $0xffff  }
0x137: {  	[tilespmem:v49+s17+$0x0] =	vst.idx.msk $0xffff, v54  }
0x138: {  	v61 =	vld.idx.msk [tilespmem:v57+s18+$0x0], $0xffff;
	[tilespmem:v3+s17+$0x0] =	vst.idx.msk $0xffff, v0  }
0x139: {  	v5 =	vor.u32 v27, v21;
	[tilespmem:v4+s17+$0x0] =	vst.idx.msk $0xffff, v2;
	v0 =	vld.idx.msk [tilespmem:v1+s18+$0x0], $0xffff;
	v1 =	vor.u32 v31, v38  }
0x13a: {  	v41 =	vld [tilespmem:$0x1FEC0];
	[tilespmem:v7+s17+$0x0] =	vst.idx.msk $0xffff, v6  }
0x13b: {  	s21 =	sshra.s32 s20, $0x1F;
	s23 =	sshra.s32 s15, $0x1F;
	p2 =	slt.s32 s20, $0x1;
	v8 =	vor.u32 v27, v35;
	[tilespmem:v9+s17+$0x0] =	vst.idx.msk $0xffff, v10  }
0x13c: {  	p6 =	slt.s32 s15, $0x1;
	s28 =	sshra.s32 s19, $0x1F;
	s21 =	sshrl.u32 s21, $0x19;
	v11 =	vor.u32 v27, v33;
	[tilespmem:v48+s17+$0x0] =	vst.idx.msk $0xffff, v46  }
0x13d: {  	s25 =	simm.s32 $0x1;
	s29 =	sand.u32 $0x7F, s15;
	s21 =	sadd.s32 s21, s20;
	[tilespmem:v56+s17+$0x0] =	vst.idx.msk $0xffff, v61  }
0x13e: {  	s31 =	sand.u32 $0x7F, s19;
	s26 =	sshrl.u32 s23, $0x19;
	s22 =	sand.u32 $0xFFFFFF80, s21;
	v3 =	vld.idx.msk [tilespmem:v5+s18+$0x0], $0xffff;
	[tilespmem:v1+s17+$0x0] =	vst.idx.msk $0xffff, v0  }
0x13f: {  	s23 =	simm.s32 $0x1;
	s21 =	sshra.s32 s21, $0x7;
	p3 =	sne.s32 s20, s22;
	v4 =	vor.u32 v31, v36;
	v2 =	vor.u32 v41, v39;
	v63 =	vld [tilespmem:$0x1FEB0]  }
0x140: {  	s22 =	sadd.s32 s26, s15;
	s20 =	sand.u32 $0x7F, s20;
	p2 =	por !p2, !p3;
	v7 =	vor.u32 v31, v37;
	v6 =	vld.idx.msk [tilespmem:v8+s18+$0x0], $0xffff;
	v5 =	vor.u32 v41, v21  }
0x141: {  	s24 =	sand.u32 $0xFFFFFF80, s22;
	s22 =	sshra.s32 s22, $0x7;
	p2 =	por !p2, !p2;
	v9 =	vor.u32 v31, v32;
	v10 =	vld.idx.msk [tilespmem:v11+s18+$0x0], $0xffff;
	v8 =	vor.u32 v41, v35  }
0x142: {  	p4 =	sne.s32 s15, s24;
	s24 =	sshrl.u32 s28, $0x19;
	s15 =	simm.s32 $0x1;
	v11 =	vor.u32 v41, v33  }
0x143: {  	s23 =	simm.s32 @!p2 $0x0;
	p3 =	por !p6, !p4;
	s24 =	sadd.s32 s24, s19;
	v62 =	vld.idx.msk [tilespmem:v55+s18+$0x0], $0xffff  }
0x144: {  	p6 =	slt.s32 s19, $0x1;
	p2 =	por !p3, !p3;
	s26 =	sand.u32 $0xFFFFFF80, s24;
	[tilespmem:v4+s17+$0x0] =	vst.idx.msk $0xffff, v3;
	v0 =	vld.idx.msk [tilespmem:v2+s18+$0x0], $0xffff;
	v1 =	vor.u32 v63, v38  }
0x145: {  	s21 =	ssub.s32 s21, s23;
	s25 =	simm.s32 @!p2 $0x0;
	p4 =	sne.s32 s19, s26;
	[tilespmem:v7+s17+$0x0] =	vst.idx.msk $0xffff, v6;
	v2 =	vld.idx.msk [tilespmem:v5+s18+$0x0], $0xffff;
	v3 =	vor.u32 v63, v36  }
0x146: {  	s30 =	sshra.s32 s24, $0x7;
	s22 =	ssub.s32 s22, s25;
	p3 =	por !p6, !p4;
	[tilespmem:v9+s17+$0x0] =	vst.idx.msk $0xffff, v10;
	v4 =	vld.idx.msk [tilespmem:v8+s18+$0x0], $0xffff;
	v5 =	vor.u32 v63, v37  }
0x147: {  	p6 =	sne.s32 s20, s29;
	p5 =	sne.s32 s21, s22;
	p3 =	por !p3, !p3;
	[tilespmem:v44+s17+$0x0] =	vst.idx.msk $0xffff, v53;
	v6 =	vld.idx.msk [tilespmem:v11+s18+$0x0], $0xffff;
	v7 =	vor.u32 v63, v32  }
0x148: {  	p2 =	seq.s32 s14, $0x31F;
	p4 =	por p6, p5;
	s15 =	simm.s32 @!p3 $0x0;
	[tilespmem:v47+s17+$0x0] =	vst.idx.msk $0xffff, v62  }
0x149: {  	p6 =	sne.s32 s20, s31;
	p3 =	por p2, p4;
	s15 =	ssub.s32 s30, s15;
	[tilespmem:v1+s17+$0x0] =	vst.idx.msk $0xffff, v0  }
0x14a: {  	s19 =	sshll.u32 @p3 s21, $0x13;
	p5 =	sne.s32 s21, s15;
	s15 =	sshll.u32 @p3 s20, $0xA;
	[tilespmem:v3+s17+$0x0] =	vst.idx.msk $0xffff, v2  }
0x14b: {  	s16 =	sadd.s32 @p3 $0x3, s16;
	p4 =	por p6, p5;
	s15 =	sor.u32 @p3 s15, s19;
	[tilespmem:v5+s17+$0x0] =	vst.idx.msk $0xffff, v4  }
0x14c: {  	p6 =	sne.s32 s14, $0x0;
	s19 =	simm.s32 @p3 $0x20000;
	s15 =	sshrl.u32 @p3 s15, $0x3;
	[tilespmem:v7+s17+$0x0] =	vst.idx.msk $0xffff, v6  }
0x14d: {  	p4 =	por !p6, !p4;
	s15 =	sadd.s32 @p3 s1, s15;
	_ =	strace $0x90000055  }
0x14e: {  	p4 =	por !p4, !p4;
	s18 =	simm.s32 @p3 $0x400;
	_ =	strace @p3 $0x80000056  }
0x14f: {  	[hbm4b:s15+s18] =	stream.strided.scatter @p3 [tilespmem:s17], [sflag:s16], $0x1000, s19, s18, $0x200038;
	[tilespmem:$0x4000] =	vst v63  }
0x150: {  	s15 =	sand.u32 @p4 $0x1, s9;
	_ =	strace @p3 $0x90000056  }
0x151: {  	s15 =	sadd.s32 @p4 $0x3, s15;
	_ =	strace @p4 $0x80000057  }
0x152: {  	_ =	swait.ge @p4 [sflag:s15], $0x1000  }
0x153: {  	[sflag:s15] =	ssyncset.done @p4 $0x0  }
0x154: {  	[sflag:s15] =	ssyncadd.s32 @p4 $0xFFFFF000  }
0x155: {  	_ =	strace @p4 $0x90000057  }
0x156: {  	v26 =	vld [tilespmem:$0x1FF60]  }
0x157: {  	v13 =	vld [tilespmem:$0x1FF70]  }
0x158: {  	s16 =	simm.s32 $0x1;
	v14 =	vld [tilespmem:$0x1FF80]  }
0x159: {  	p0 =	por p2, p0;
	s16 =	simm.s32 @!p1 $0x0;
	v15 =	vld [tilespmem:$0x1FF90]  }
0x15a: {  	s14 =	sadd.s32 $0x1, s14;
	s13 =	sadd.s32 s16, s13;
	s16 =	simm.s32 $0x1;
	v16 =	vld [tilespmem:$0x1FFA0]  }
0x15b: {  	s16 =	simm.s32 @!p0 $0x0;
	p0 =	sne.s32 s14, $0x320;
	v17 =	vld [tilespmem:$0x1FFB0]  }
.Ltmp1:
0x15c: {  	v18 =	vld [tilespmem:$0x1FFC0];
	(pc) =	sbr.rel @p0 .LBB2_2-.Ltmp1, $4  }
0x15d: {  	v19 =	vld [tilespmem:$0x1FFD0]  }
0x15e: {  	v21 =	vmov v42;
	v9 =	vmov v30;
	s17 =	simm.s32 $0x1;
	s15 =	simm.s32 $0x1;
	v20 =	vld [tilespmem:$0x1FFF0]  }
0x15f: {  	v30 =	vmovc v60;
	v8 =	vmovc v29;
	v11 =	vmov v34;
	v29 =	vmov v12;
	v12 =	vmov v45;
	s17 =	simm.s32 @!p3 $0x0;
	s15 =	simm.s32 @!p4 $0x0;
	v4 =	vld [tilespmem:$0x1FF50]  }
0x160: {  	v7 =	vmovc v28;
	v2 =	vlaneseq.u32;
	v3 =	vmovc v50;
	v5 =	vmov v51;
	v6 =	vmov v52;
	s11 =	sadd.s32 s17, s11;
	s12 =	sadd.s32 s16, s12;
	s9 =	sadd.s32 s15, s9;
	v10 =	vld [tilespmem:$0x1FFE0]  }
0x161: {  	s8 =	sadd.s32 $0x1, s8  }
0x162: {  	s9 =	sand.u32 $0x1, s9;
	p0 =	sne.s32 s8, s7  }
.Ltmp2:
0x163: {  	_ =	strace $0x80000058;
	s9 =	sadd.s32 $0x3, s9;
	(pc) =	sbr.rel @p0 .LBB2_1-.Ltmp2, $4  }
0x164: {  	_ =	swait.ge [sflag:s9], $0x1000  }
0x165: {  	[sflag:s9] =	ssyncset.done $0x0  }
0x166: {  	[sflag:s9] =	ssyncadd.s32 $0xFFFFF000  }
0x167: {  	_ =	strace $0x90000058  }
0x168: {  	_ =	sfence.sel $0x180000  }
0x169: {  	[bflag:$0x0] =	sbarrier.arrive $0xFFFF  }
0x16a: {  	p0 =	sne.s32 s2, $0x0;
	_ =	strace $0x90000051  }
0x16b: {  	s0 =	sadd.s32 @!p0 $0x100000, s0;
	[bflag:$0x2] =	sbarrier.arrive $0xFFFF  }
0x16c: {  	[sflag:s0] =	ssyncadd.tile.s32 @!p0 $0x1;
	_ =	shalt  }
.Lfunc_end2:
_tile_overlayer_lowered:
.L_overlay_start_2:
0x16d: {  	(tag) =	ssettag $0x2  }
0x16e: {  	s0 =	rddreg [dreg:$0x0];
	s2 =	stileid.u32  }
0x16f: {  	s1 =	rddreg [dreg:$0x1];
	p0 =	sne.s32 s2, $0x0  }
0x170: {  	s3 =	rddreg [dreg:$0x2];
	[bflag:$0x3] =	sbarrier.arrive $0xFFFF;
	s2 =	simm.s32 @!p0 $0x1C01  }
0x171: {  	[timem:s3], [sflag:s2] =	dma.local @!p0 [hbm:s0], s1  }
0x172: {  	s0 =	simm.s32 @!p0 $0x1  }
0x173: {  	_ =	swait.ge @!p0 [sflag:s0], s1  }
0x174: {  	s1 =	ssub.s32 @!p0 $0x0, s1;
	[sflag:s0] =	ssyncset.done @!p0 $0x0  }
0x175: {  	[sflag:s0] =	ssyncadd.s32 @!p0 s1  }
0x176: {  	[bflag:$0x3] =	sbarrier.arrive $0xFFFF  }
0x177: {  	_ =	shalt  }

</sc_bundles>
